<compile_context>
chip_gen: v7x
topology: tpu7x:2x2x1
jax: 0.10.2.dev20260603
libtpu: 0.0.44.dev20260713+nightly
codegen_flags: <defaults>
</compile_context>

<pallas_src>
import functools

import jax
import jax.numpy as jnp
from jax import lax
from jax.experimental import pallas as pl
from jax.experimental.pallas import tpu as pltpu
from jax.experimental.pallas import tpu_sc as plsc

L = 16
NW = 32
SUB = 2
NPAR = 4
NSLOT = NPAR * SUB
BLK = 128
PRE = 3

_PERM_DNUMS = lax.GatherDimensionNumbers(
    offset_dims=(), collapsed_slice_dims=(0,), start_index_map=(0,))


def _permute(x, idx):
    return lax.gather(x, idx[:, None], _PERM_DNUMS, slice_sizes=(1,),
                      mode=lax.GatherScatterMode.PROMISE_IN_BOUNDS)


@functools.lru_cache(maxsize=None)
def _make_kernel(B: int, F: int):
    assert F == 2 * L
    b_per_w = B // NW
    n_groups = b_per_w // L
    n_sub = L // SUB
    assert PRE < NPAR and PRE < n_sub and n_sub % NPAR == 0
    mesh = plsc.VectorSubcoreMesh(core_axis_name="c", subcore_axis_name="s")

    @functools.partial(
        pl.kernel,
        mesh=mesh,
        out_type=jax.ShapeDtypeStruct((B,), jnp.float32),
        compiler_params=pltpu.CompilerParams(needs_layout_passes=False),
        scratch_types=[
            pltpu.VMEM((b_per_w,), jnp.int32),
            pltpu.VMEM((b_per_w,), jnp.int32),
            pltpu.VMEM((NSLOT, F, BLK), jnp.float32),
            pltpu.VMEM((NSLOT, F, BLK), jnp.float32),
            pltpu.VMEM((b_per_w,), jnp.float32),
            pltpu.SemaphoreType.DMA,
            pltpu.SemaphoreType.DMA,
            pltpu.SemaphoreType.DMA,
            pltpu.SemaphoreType.DMA,
            pltpu.SemaphoreType.DMA,
            pltpu.SemaphoreType.DMA,
            pltpu.SemaphoreType.DMA,
            pltpu.SemaphoreType.DMA,
        ],
    )
    def pmf_kernel(user_hbm, item_hbm, uids_hbm, iids_hbm, out_hbm,
                   uraw, iraw, gu, gi, outv,
                   su0, su1, su2, su3, sv0, sv1, sv2, sv3):
        sem_u = (su0, su1, su2, su3)
        sem_v = (sv0, sv1, sv2, sv3)
        wid = lax.axis_index("s") * 2 + lax.axis_index("c")
        base = wid * b_per_w
        pltpu.sync_copy(uids_hbm.at[pl.ds(base, b_per_w)], uraw)
        pltpu.sync_copy(iids_hbm.at[pl.ds(base, b_per_w)], iraw)

        lanes = lax.iota(jnp.int32, L)
        rows_lo = lanes
        rows_hi = lanes + L
        perms = [lanes ^ s for s in (1, 2, 4, 8)]
        masks = [(lanes & s) == 0 for s in (1, 2, 4, 8)]

        def load_cols(g):
            o = g * L
            cu = jnp.bitwise_and(uraw[pl.ds(o, L)], ~(BLK - 1))
            cv = jnp.bitwise_and(iraw[pl.ds(o, L)], ~(BLK - 1))
            return cu, cv

        def fire(cu, cv, k):
            p = k % NPAR
            for j in range(SUB):
                i = k * SUB + j
                s = p * SUB + j
                pltpu.async_copy(
                    user_hbm.at[:, pl.ds(pl.multiple_of(cu[i], BLK), BLK)],
                    gu.at[s], sem_u[p])
                pltpu.async_copy(
                    item_hbm.at[:, pl.ds(pl.multiple_of(cv[i], BLK), BLK)],
                    gi.at[s], sem_v[p])

        def drain_and_extract(lu, lv, k, vecs):
            p = k % NPAR
            for _ in range(SUB):
                pltpu.make_async_copy(
                    user_hbm.at[:, pl.ds(0, BLK)],
                    gu.at[0], sem_u[p]).wait()
                pltpu.make_async_copy(
                    item_hbm.at[:, pl.ds(0, BLK)],
                    gi.at[0], sem_v[p]).wait()
            for j in range(SUB):
                i = k * SUB + j
                s = p * SUB + j
                lu_b = jnp.full((L,), lu[i], jnp.int32)
                lv_b = jnp.full((L,), lv[i], jnp.int32)
                u0 = plsc.load_gather(gu.at[s], [rows_lo, lu_b])
                u1 = plsc.load_gather(gu.at[s], [rows_hi, lu_b])
                v0 = plsc.load_gather(gi.at[s], [rows_lo, lv_b])
                v1 = plsc.load_gather(gi.at[s], [rows_hi, lv_b])
                vecs.append(u0 * v0 + u1 * v1)
            return vecs

        def group_body(g, carry):
            o = g * L
            lu = jnp.bitwise_and(uraw[pl.ds(o, L)], BLK - 1)
            lv = jnp.bitwise_and(iraw[pl.ds(o, L)], BLK - 1)
            cu, cv = load_cols(g)

            vecs = []
            for k in range(PRE, n_sub):
                fire(cu, cv, k)
                vecs = drain_and_extract(lu, lv, k - PRE, vecs)

            for idx in range(PRE):
                k = n_sub - PRE + idx

                def fire_one_next(idx=idx):
                    cun, cvn = load_cols(g + 1)
                    fire(cun, cvn, idx)

                pl.when(g + 1 < n_groups)(fire_one_next)
                vecs = drain_and_extract(lu, lv, k, vecs)

            for lev in range(4):
                nxt = []
                for p in range(0, len(vecs), 2):
                    x, y = vecs[p], vecs[p + 1]
                    px = _permute(x, perms[lev])
                    py = _permute(y, perms[lev])
                    nxt.append(jnp.where(masks[lev], x + px, y + py))
                vecs = nxt
            outv[pl.ds(o, L)] = vecs[0]
            return carry

        cu0, cv0 = load_cols(0)
        for k in range(PRE):
            fire(cu0, cv0, k)
        lax.fori_loop(0, n_groups, group_body, 0)
        pltpu.sync_copy(outv, out_hbm.at[pl.ds(base, b_per_w)])

    return pmf_kernel


def kernel(user_table, item_table, user_ids, item_ids):
    B = user_ids.shape[0]
    F = user_table.shape[1]
    k = _make_kernel(B, F)
    return k(user_table.T, item_table.T,
             user_ids.astype(jnp.int32), item_ids.astype(jnp.int32))

# --- scband reference (transcript-rebuilt; emitter-appended) ---
"""Pipeline reference for scband-pmf-6382321402048 (READ-ONLY COPY).

The authoritative reference and input builder live on the scoring server;
editing this copy changes nothing except your own understanding.
"""

import jax, jax.numpy as jnp
import numpy as np

N_USERS = 1000000
N_ITEMS = 1000000
N_FACTORS = 32
BATCH = 16384

def setup_inputs(seed: int = 0) -> dict:
    key = jax.random.key(seed)
    k1, k2, k3, k4 = jax.random.split(key, 4)
    user_ids = jax.random.randint(k1, (BATCH,), 0, N_USERS, dtype=jnp.int64) if jax.config.jax_enable_x64 else jax.random.randint(k1, (BATCH,), 0, N_USERS, dtype=jnp.int32)
    item_ids = jax.random.randint(k2, (BATCH,), 0, N_ITEMS, dtype=jnp.int64) if jax.config.jax_enable_x64 else jax.random.randint(k2, (BATCH,), 0, N_ITEMS, dtype=jnp.int32)
    user_table = jax.random.normal(k3, (N_USERS, N_FACTORS), dtype=jnp.float32) * 0.05
    item_table = jax.random.normal(k4, (N_ITEMS, N_FACTORS), dtype=jnp.float32) * 0.05
    return {"user_table": user_table, "item_table": item_table, "user_ids": user_ids, "item_ids": item_ids}

def reference(user_table, item_table, user_ids, item_ids):
    # PMF forward: gather user and item latent factors, predict rating via dot product.
    u = jnp.take(user_table, user_ids, axis=0)  # [B, F]
    v = jnp.take(item_table, item_ids, axis=0)  # [B, F]
    preds = jnp.sum(u * v, axis=-1)             # [B]
    return preds

if __name__ == "__main__":
    import jax
    _d = setup_inputs()
    print(jax.jit(kernel)(*tuple(_d.values())))

</pallas_src>

<mosaic_0001>
#map = affine_map<(d0, d1) -> (0, 0)>
#map1 = affine_map<(d0, d1) -> (0)>
module attributes {stable_mosaic.version = 14 : i64} {
  func.func @pmf_kernel(%arg0: i32, %arg1: i32, %arg2: memref<32x1000000xf32, #tpu.memory_space<hbm>>, %arg3: memref<32x1000000xf32, #tpu.memory_space<hbm>>, %arg4: memref<16384xi32, #tpu.memory_space<hbm>>, %arg5: memref<16384xi32, #tpu.memory_space<hbm>>, %arg6: memref<16384xf32, #tpu.memory_space<hbm>>, %arg7: memref<512xi32, #tpu.memory_space<vmem>>, %arg8: memref<512xi32, #tpu.memory_space<vmem>>, %arg9: memref<8x32x128xf32, #tpu.memory_space<vmem>>, %arg10: memref<8x32x128xf32, #tpu.memory_space<vmem>>, %arg11: memref<512xf32, #tpu.memory_space<vmem>>, %arg12: memref<!tpu.dma_semaphore, #tpu.memory_space<semaphore_mem>>, %arg13: memref<!tpu.dma_semaphore, #tpu.memory_space<semaphore_mem>>, %arg14: memref<!tpu.dma_semaphore, #tpu.memory_space<semaphore_mem>>, %arg15: memref<!tpu.dma_semaphore, #tpu.memory_space<semaphore_mem>>, %arg16: memref<!tpu.dma_semaphore, #tpu.memory_space<semaphore_mem>>, %arg17: memref<!tpu.dma_semaphore, #tpu.memory_space<semaphore_mem>>, %arg18: memref<!tpu.dma_semaphore, #tpu.memory_space<semaphore_mem>>, %arg19: memref<!tpu.dma_semaphore, #tpu.memory_space<semaphore_mem>>) attributes {dimension_semantics = [#tpu.dimension_semantics<core_parallel>, #tpu.dimension_semantics<subcore_parallel>], iteration_bounds = array<i64: 2, 16>, scalar_prefetch = 0 : i64, scratch_operands = 13 : i64, tpu.core_type = #tpu.core_type<sc_vector_subcore>, window_params = [{transform_indices = #map}, {transform_indices = #map}, {transform_indices = #map1}, {transform_indices = #map1}, {transform_indices = #map1}]} {
    %mul3A = arith.constant 2 : i32
    %mul3A_0 = arith.muli %arg1, %mul3A : i32
    %add3A = arith.addi %mul3A_0, %arg0 : i32
    %mul3A_1 = arith.constant 512 : i32
    %mul3A_2 = arith.muli %add3A, %mul3A_1 : i32
    "tpu.region"() ({
      %run_scoped3A = tpu.sem_alloc : memref<!tpu.dma_semaphore, #tpu.memory_space<semaphore_mem>>
      %dma_start3A_241 = tpu.memref_slice %arg4[%mul3A_2] : memref<16384xi32, #tpu.memory_space<hbm>> -> memref<512xi32, #tpu.memory_space<hbm>>
      %dma_start3A_242 = tpu.memref_slice %arg4[%mul3A_2] : memref<16384xi32, #tpu.memory_space<hbm>> -> memref<512xi32, #tpu.memory_space<hbm>>
      tpu.enqueue_dma source(%dma_start3A_242 : memref<512xi32, #tpu.memory_space<hbm>>) target(%arg7 : memref<512xi32, #tpu.memory_space<vmem>>) target_semaphore(%run_scoped3A : memref<!tpu.dma_semaphore, #tpu.memory_space<semaphore_mem>>)
      %dma_wait3A = tpu.memref_slice %arg4[%mul3A_2] : memref<16384xi32, #tpu.memory_space<hbm>> -> memref<512xi32, #tpu.memory_space<hbm>>
      %dma_wait3A_243 = tpu.memref_slice %arg4[%mul3A_2] : memref<16384xi32, #tpu.memory_space<hbm>> -> memref<512xi32, #tpu.memory_space<hbm>>
      tpu.wait_dma2 semaphore(%run_scoped3A : memref<!tpu.dma_semaphore, #tpu.memory_space<semaphore_mem>>) src(%dma_wait3A_243 : memref<512xi32, #tpu.memory_space<hbm>>) dst(%arg7 : memref<512xi32, #tpu.memory_space<vmem>>)
      tpu.yield
    }) : () -> ()
    "tpu.region"() ({
      %run_scoped3A = tpu.sem_alloc : memref<!tpu.dma_semaphore, #tpu.memory_space<semaphore_mem>>
      %dma_start3A_241 = tpu.memref_slice %arg5[%mul3A_2] : memref<16384xi32, #tpu.memory_space<hbm>> -> memref<512xi32, #tpu.memory_space<hbm>>
      %dma_start3A_242 = tpu.memref_slice %arg5[%mul3A_2] : memref<16384xi32, #tpu.memory_space<hbm>> -> memref<512xi32, #tpu.memory_space<hbm>>
      tpu.enqueue_dma source(%dma_start3A_242 : memref<512xi32, #tpu.memory_space<hbm>>) target(%arg8 : memref<512xi32, #tpu.memory_space<vmem>>) target_semaphore(%run_scoped3A : memref<!tpu.dma_semaphore, #tpu.memory_space<semaphore_mem>>)
      %dma_wait3A = tpu.memref_slice %arg5[%mul3A_2] : memref<16384xi32, #tpu.memory_space<hbm>> -> memref<512xi32, #tpu.memory_space<hbm>>
      %dma_wait3A_243 = tpu.memref_slice %arg5[%mul3A_2] : memref<16384xi32, #tpu.memory_space<hbm>> -> memref<512xi32, #tpu.memory_space<hbm>>
      tpu.wait_dma2 semaphore(%run_scoped3A : memref<!tpu.dma_semaphore, #tpu.memory_space<semaphore_mem>>) src(%dma_wait3A_243 : memref<512xi32, #tpu.memory_space<hbm>>) dst(%arg8 : memref<512xi32, #tpu.memory_space<vmem>>)
      tpu.yield
    }) : () -> ()
    %iota3A = tpu.iota {dimensions = array<i32: 0>} : vector<16xi32>
    %add3A_3 = arith.constant 16 : i32
    %add3A_4 = vector.broadcast %add3A_3 : i32 to vector<16xi32>
    %add3A_5 = arith.addi %iota3A, %add3A_4 : vector<16xi32>
    %xor3A = arith.constant 1 : i32
    %xor3A_6 = vector.broadcast %xor3A : i32 to vector<16xi32>
    %xor3A_7 = arith.xori %iota3A, %xor3A_6 : vector<16xi32>
    %xor3A_8 = arith.constant 2 : i32
    %xor3A_9 = vector.broadcast %xor3A_8 : i32 to vector<16xi32>
    %xor3A_10 = arith.xori %iota3A, %xor3A_9 : vector<16xi32>
    %xor3A_11 = arith.constant 4 : i32
    %xor3A_12 = vector.broadcast %xor3A_11 : i32 to vector<16xi32>
    %xor3A_13 = arith.xori %iota3A, %xor3A_12 : vector<16xi32>
    %xor3A_14 = arith.constant 8 : i32
    %xor3A_15 = vector.broadcast %xor3A_14 : i32 to vector<16xi32>
    %xor3A_16 = arith.xori %iota3A, %xor3A_15 : vector<16xi32>
    %and3A = arith.constant 1 : i32
    %and3A_17 = vector.broadcast %and3A : i32 to vector<16xi32>
    %and3A_18 = arith.andi %iota3A, %and3A_17 : vector<16xi32>
    %eq3A = arith.constant 0 : i32
    %eq3A_19 = vector.broadcast %eq3A : i32 to vector<16xi32>
    %eq3A_20 = arith.cmpi eq, %and3A_18, %eq3A_19 : vector<16xi32>
    %and3A_21 = arith.constant 2 : i32
    %and3A_22 = vector.broadcast %and3A_21 : i32 to vector<16xi32>
    %and3A_23 = arith.andi %iota3A, %and3A_22 : vector<16xi32>
    %eq3A_24 = arith.constant 0 : i32
    %eq3A_25 = vector.broadcast %eq3A_24 : i32 to vector<16xi32>
    %eq3A_26 = arith.cmpi eq, %and3A_23, %eq3A_25 : vector<16xi32>
    %and3A_27 = arith.constant 4 : i32
    %and3A_28 = vector.broadcast %and3A_27 : i32 to vector<16xi32>
    %and3A_29 = arith.andi %iota3A, %and3A_28 : vector<16xi32>
    %eq3A_30 = arith.constant 0 : i32
    %eq3A_31 = vector.broadcast %eq3A_30 : i32 to vector<16xi32>
    %eq3A_32 = arith.cmpi eq, %and3A_29, %eq3A_31 : vector<16xi32>
    %and3A_33 = arith.constant 8 : i32
    %and3A_34 = vector.broadcast %and3A_33 : i32 to vector<16xi32>
    %and3A_35 = arith.andi %iota3A, %and3A_34 : vector<16xi32>
    %eq3A_36 = arith.constant 0 : i32
    %eq3A_37 = vector.broadcast %eq3A_36 : i32 to vector<16xi32>
    %eq3A_38 = arith.cmpi eq, %and3A_35, %eq3A_37 : vector<16xi32>
    %get3A = arith.constant 0 : index
    %get3A_39 = tpu.vector_load %arg7[%get3A] {strides = array<i32>} : memref<512xi32, #tpu.memory_space<vmem>>, vector<16xi32>,
    %and3A_40 = arith.constant -128 : i32
    %and3A_41 = vector.broadcast %and3A_40 : i32 to vector<16xi32>
    %and3A_42 = arith.andi %get3A_39, %and3A_41 : vector<16xi32>
    %get3A_43 = arith.constant 0 : index
    %get3A_44 = tpu.vector_load %arg8[%get3A_43] {strides = array<i32>} : memref<512xi32, #tpu.memory_space<vmem>>, vector<16xi32>,
    %and3A_45 = arith.constant -128 : i32
    %and3A_46 = vector.broadcast %and3A_45 : i32 to vector<16xi32>
    %and3A_47 = arith.andi %get3A_44, %and3A_46 : vector<16xi32>
    %slice3A = vector.extract_strided_slice %and3A_42 {offsets = [0], sizes = [1], strides = [1]} : vector<16xi32> to vector<1xi32>
    %squeeze3A = vector.extract %slice3A[0] : i32 from vector<1xi32>
    %multiple_of3A = tpu.assume_multiple %squeeze3A, 128 : i32
    %dma_start3A = arith.constant 0 : i32
    %dma_start3A_48 = arith.constant 0 : i32
    %dma_start3A_49 = arith.constant 0 : i32
    %dma_start3A_50 = tpu.memref_slice %arg9[%dma_start3A, %dma_start3A_48, %dma_start3A_49] : memref<8x32x128xf32, #tpu.memory_space<vmem>> -> memref<1x32x128xf32, #tpu.memory_space<vmem>>
    %dma_start3A_51 = tpu.memref_squeeze %dma_start3A_50 : memref<1x32x128xf32, #tpu.memory_space<vmem>> -> memref<32x128xf32, #tpu.memory_space<vmem>>
    %dma_start3A_52 = arith.constant 0 : i32
    %dma_start3A_53 = tpu.memref_slice %arg2[%dma_start3A_52, %multiple_of3A] : memref<32x1000000xf32, #tpu.memory_space<hbm>> -> memref<32x128xf32, #tpu.memory_space<hbm>>
    %dma_start3A_54 = arith.constant 0 : i32
    %dma_start3A_55 = arith.constant 0 : i32
    %dma_start3A_56 = tpu.memref_slice %arg9[%dma_start3A, %dma_start3A_54, %dma_start3A_55] : memref<8x32x128xf32, #tpu.memory_space<vmem>> -> memref<1x32x128xf32, #tpu.memory_space<vmem>>
    %dma_start3A_57 = tpu.memref_squeeze %dma_start3A_56 : memref<1x32x128xf32, #tpu.memory_space<vmem>> -> memref<32x128xf32, #tpu.memory_space<vmem>>
    %dma_start3A_58 = arith.constant 0 : i32
    %dma_start3A_59 = tpu.memref_slice %arg2[%dma_start3A_58, %multiple_of3A] : memref<32x1000000xf32, #tpu.memory_space<hbm>> -> memref<32x128xf32, #tpu.memory_space<hbm>>
    tpu.enqueue_dma source(%dma_start3A_59 : memref<32x128xf32, #tpu.memory_space<hbm>>) target(%dma_start3A_57 : memref<32x128xf32, #tpu.memory_space<vmem>>) target_semaphore(%arg12 : memref<!tpu.dma_semaphore, #tpu.memory_space<semaphore_mem>>)
    %slice3A_60 = vector.extract_strided_slice %and3A_47 {offsets = [0], sizes = [1], strides = [1]} : vector<16xi32> to vector<1xi32>
    %squeeze3A_61 = vector.extract %slice3A_60[0] : i32 from vector<1xi32>
    %multiple_of3A_62 = tpu.assume_multiple %squeeze3A_61, 128 : i32
    %dma_start3A_63 = arith.constant 0 : i32
    %dma_start3A_64 = arith.constant 0 : i32
    %dma_start3A_65 = arith.constant 0 : i32
    %dma_start3A_66 = tpu.memref_slice %arg10[%dma_start3A_63, %dma_start3A_64, %dma_start3A_65] : memref<8x32x128xf32, #tpu.memory_space<vmem>> -> memref<1x32x128xf32, #tpu.memory_space<vmem>>
    %dma_start3A_67 = tpu.memref_squeeze %dma_start3A_66 : memref<1x32x128xf32, #tpu.memory_space<vmem>> -> memref<32x128xf32, #tpu.memory_space<vmem>>
    %dma_start3A_68 = arith.constant 0 : i32
    %dma_start3A_69 = tpu.memref_slice %arg3[%dma_start3A_68, %multiple_of3A_62] : memref<32x1000000xf32, #tpu.memory_space<hbm>> -> memref<32x128xf32, #tpu.memory_space<hbm>>
    %dma_start3A_70 = arith.constant 0 : i32
    %dma_start3A_71 = arith.constant 0 : i32
    %dma_start3A_72 = tpu.memref_slice %arg10[%dma_start3A_63, %dma_start3A_70, %dma_start3A_71] : memref<8x32x128xf32, #tpu.memory_space<vmem>> -> memref<1x32x128xf32, #tpu.memory_space<vmem>>
    %dma_start3A_73 = tpu.memref_squeeze %dma_start3A_72 : memref<1x32x128xf32, #tpu.memory_space<vmem>> -> memref<32x128xf32, #tpu.memory_space<vmem>>
    %dma_start3A_74 = arith.constant 0 : i32
    %dma_start3A_75 = tpu.memref_slice %arg3[%dma_start3A_74, %multiple_of3A_62] : memref<32x1000000xf32, #tpu.memory_space<hbm>> -> memref<32x128xf32, #tpu.memory_space<hbm>>
    tpu.enqueue_dma source(%dma_start3A_75 : memref<32x128xf32, #tpu.memory_space<hbm>>) target(%dma_start3A_73 : memref<32x128xf32, #tpu.memory_space<vmem>>) target_semaphore(%arg16 : memref<!tpu.dma_semaphore, #tpu.memory_space<semaphore_mem>>)
    %slice3A_76 = vector.extract_strided_slice %and3A_42 {offsets = [1], sizes = [1], strides = [1]} : vector<16xi32> to vector<1xi32>
    %squeeze3A_77 = vector.extract %slice3A_76[0] : i32 from vector<1xi32>
    %multiple_of3A_78 = tpu.assume_multiple %squeeze3A_77, 128 : i32
    %dma_start3A_79 = arith.constant 1 : i32
    %dma_start3A_80 = arith.constant 0 : i32
    %dma_start3A_81 = arith.constant 0 : i32
    %dma_start3A_82 = tpu.memref_slice %arg9[%dma_start3A_79, %dma_start3A_80, %dma_start3A_81] : memref<8x32x128xf32, #tpu.memory_space<vmem>> -> memref<1x32x128xf32, #tpu.memory_space<vmem>>
    %dma_start3A_83 = tpu.memref_squeeze %dma_start3A_82 : memref<1x32x128xf32, #tpu.memory_space<vmem>> -> memref<32x128xf32, #tpu.memory_space<vmem>>
    %dma_start3A_84 = arith.constant 0 : i32
    %dma_start3A_85 = tpu.memref_slice %arg2[%dma_start3A_84, %multiple_of3A_78] : memref<32x1000000xf32, #tpu.memory_space<hbm>> -> memref<32x128xf32, #tpu.memory_space<hbm>>
    %dma_start3A_86 = arith.constant 0 : i32
    %dma_start3A_87 = arith.constant 0 : i32
    %dma_start3A_88 = tpu.memref_slice %arg9[%dma_start3A_79, %dma_start3A_86, %dma_start3A_87] : memref<8x32x128xf32, #tpu.memory_space<vmem>> -> memref<1x32x128xf32, #tpu.memory_space<vmem>>
    %dma_start3A_89 = tpu.memref_squeeze %dma_start3A_88 : memref<1x32x128xf32, #tpu.memory_space<vmem>> -> memref<32x128xf32, #tpu.memory_space<vmem>>
    %dma_start3A_90 = arith.constant 0 : i32
    %dma_start3A_91 = tpu.memref_slice %arg2[%dma_start3A_90, %multiple_of3A_78] : memref<32x1000000xf32, #tpu.memory_space<hbm>> -> memref<32x128xf32, #tpu.memory_space<hbm>>
    tpu.enqueue_dma source(%dma_start3A_91 : memref<32x128xf32, #tpu.memory_space<hbm>>) target(%dma_start3A_89 : memref<32x128xf32, #tpu.memory_space<vmem>>) target_semaphore(%arg12 : memref<!tpu.dma_semaphore, #tpu.memory_space<semaphore_mem>>)
    %slice3A_92 = vector.extract_strided_slice %and3A_47 {offsets = [1], sizes = [1], strides = [1]} : vector<16xi32> to vector<1xi32>
    %squeeze3A_93 = vector.extract %slice3A_92[0] : i32 from vector<1xi32>
    %multiple_of3A_94 = tpu.assume_multiple %squeeze3A_93, 128 : i32
    %dma_start3A_95 = arith.constant 1 : i32
    %dma_start3A_96 = arith.constant 0 : i32
    %dma_start3A_97 = arith.constant 0 : i32
    %dma_start3A_98 = tpu.memref_slice %arg10[%dma_start3A_95, %dma_start3A_96, %dma_start3A_97] : memref<8x32x128xf32, #tpu.memory_space<vmem>> -> memref<1x32x128xf32, #tpu.memory_space<vmem>>
    %dma_start3A_99 = tpu.memref_squeeze %dma_start3A_98 : memref<1x32x128xf32, #tpu.memory_space<vmem>> -> memref<32x128xf32, #tpu.memory_space<vmem>>
    %dma_start3A_100 = arith.constant 0 : i32
    %dma_start3A_101 = tpu.memref_slice %arg3[%dma_start3A_100, %multiple_of3A_94] : memref<32x1000000xf32, #tpu.memory_space<hbm>> -> memref<32x128xf32, #tpu.memory_space<hbm>>
    %dma_start3A_102 = arith.constant 0 : i32
    %dma_start3A_103 = arith.constant 0 : i32
    %dma_start3A_104 = tpu.memref_slice %arg10[%dma_start3A_95, %dma_start3A_102, %dma_start3A_103] : memref<8x32x128xf32, #tpu.memory_space<vmem>> -> memref<1x32x128xf32, #tpu.memory_space<vmem>>
    %dma_start3A_105 = tpu.memref_squeeze %dma_start3A_104 : memref<1x32x128xf32, #tpu.memory_space<vmem>> -> memref<32x128xf32, #tpu.memory_space<vmem>>
    %dma_start3A_106 = arith.constant 0 : i32
    %dma_start3A_107 = tpu.memref_slice %arg3[%dma_start3A_106, %multiple_of3A_94] : memref<32x1000000xf32, #tpu.memory_space<hbm>> -> memref<32x128xf32, #tpu.memory_space<hbm>>
    tpu.enqueue_dma source(%dma_start3A_107 : memref<32x128xf32, #tpu.memory_space<hbm>>) target(%dma_start3A_105 : memref<32x128xf32, #tpu.memory_space<vmem>>) target_semaphore(%arg16 : memref<!tpu.dma_semaphore, #tpu.memory_space<semaphore_mem>>)
    %slice3A_108 = vector.extract_strided_slice %and3A_42 {offsets = [2], sizes = [1], strides = [1]} : vector<16xi32> to vector<1xi32>
    %squeeze3A_109 = vector.extract %slice3A_108[0] : i32 from vector<1xi32>
    %multiple_of3A_110 = tpu.assume_multiple %squeeze3A_109, 128 : i32
    %dma_start3A_111 = arith.constant 2 : i32
    %dma_start3A_112 = arith.constant 0 : i32
    %dma_start3A_113 = arith.constant 0 : i32
    %dma_start3A_114 = tpu.memref_slice %arg9[%dma_start3A_111, %dma_start3A_112, %dma_start3A_113] : memref<8x32x128xf32, #tpu.memory_space<vmem>> -> memref<1x32x128xf32, #tpu.memory_space<vmem>>
    %dma_start3A_115 = tpu.memref_squeeze %dma_start3A_114 : memref<1x32x128xf32, #tpu.memory_space<vmem>> -> memref<32x128xf32, #tpu.memory_space<vmem>>
    %dma_start3A_116 = arith.constant 0 : i32
    %dma_start3A_117 = tpu.memref_slice %arg2[%dma_start3A_116, %multiple_of3A_110] : memref<32x1000000xf32, #tpu.memory_space<hbm>> -> memref<32x128xf32, #tpu.memory_space<hbm>>
    %dma_start3A_118 = arith.constant 0 : i32
    %dma_start3A_119 = arith.constant 0 : i32
    %dma_start3A_120 = tpu.memref_slice %arg9[%dma_start3A_111, %dma_start3A_118, %dma_start3A_119] : memref<8x32x128xf32, #tpu.memory_space<vmem>> -> memref<1x32x128xf32, #tpu.memory_space<vmem>>
    %dma_start3A_121 = tpu.memref_squeeze %dma_start3A_120 : memref<1x32x128xf32, #tpu.memory_space<vmem>> -> memref<32x128xf32, #tpu.memory_space<vmem>>
    %dma_start3A_122 = arith.constant 0 : i32
    %dma_start3A_123 = tpu.memref_slice %arg2[%dma_start3A_122, %multiple_of3A_110] : memref<32x1000000xf32, #tpu.memory_space<hbm>> -> memref<32x128xf32, #tpu.memory_space<hbm>>
    tpu.enqueue_dma source(%dma_start3A_123 : memref<32x128xf32, #tpu.memory_space<hbm>>) target(%dma_start3A_121 : memref<32x128xf32, #tpu.memory_space<vmem>>) target_semaphore(%arg13 : memref<!tpu.dma_semaphore, #tpu.memory_space<semaphore_mem>>)
    %slice3A_124 = vector.extract_strided_slice %and3A_47 {offsets = [2], sizes = [1], strides = [1]} : vector<16xi32> to vector<1xi32>
    %squeeze3A_125 = vector.extract %slice3A_124[0] : i32 from vector<1xi32>
    %multiple_of3A_126 = tpu.assume_multiple %squeeze3A_125, 128 : i32
    %dma_start3A_127 = arith.constant 2 : i32
    %dma_start3A_128 = arith.constant 0 : i32
    %dma_start3A_129 = arith.constant 0 : i32
    %dma_start3A_130 = tpu.memref_slice %arg10[%dma_start3A_127, %dma_start3A_128, %dma_start3A_129] : memref<8x32x128xf32, #tpu.memory_space<vmem>> -> memref<1x32x128xf32, #tpu.memory_space<vmem>>
    %dma_start3A_131 = tpu.memref_squeeze %dma_start3A_130 : memref<1x32x128xf32, #tpu.memory_space<vmem>> -> memref<32x128xf32, #tpu.memory_space<vmem>>
    %dma_start3A_132 = arith.constant 0 : i32
    %dma_start3A_133 = tpu.memref_slice %arg3[%dma_start3A_132, %multiple_of3A_126] : memref<32x1000000xf32, #tpu.memory_space<hbm>> -> memref<32x128xf32, #tpu.memory_space<hbm>>
    %dma_start3A_134 = arith.constant 0 : i32
    %dma_start3A_135 = arith.constant 0 : i32
    %dma_start3A_136 = tpu.memref_slice %arg10[%dma_start3A_127, %dma_start3A_134, %dma_start3A_135] : memref<8x32x128xf32, #tpu.memory_space<vmem>> -> memref<1x32x128xf32, #tpu.memory_space<vmem>>
    %dma_start3A_137 = tpu.memref_squeeze %dma_start3A_136 : memref<1x32x128xf32, #tpu.memory_space<vmem>> -> memref<32x128xf32, #tpu.memory_space<vmem>>
    %dma_start3A_138 = arith.constant 0 : i32
    %dma_start3A_139 = tpu.memref_slice %arg3[%dma_start3A_138, %multiple_of3A_126] : memref<32x1000000xf32, #tpu.memory_space<hbm>> -> memref<32x128xf32, #tpu.memory_space<hbm>>
    tpu.enqueue_dma source(%dma_start3A_139 : memref<32x128xf32, #tpu.memory_space<hbm>>) target(%dma_start3A_137 : memref<32x128xf32, #tpu.memory_space<vmem>>) target_semaphore(%arg17 : memref<!tpu.dma_semaphore, #tpu.memory_space<semaphore_mem>>)
    %slice3A_140 = vector.extract_strided_slice %and3A_42 {offsets = [3], sizes = [1], strides = [1]} : vector<16xi32> to vector<1xi32>
    %squeeze3A_141 = vector.extract %slice3A_140[0] : i32 from vector<1xi32>
    %multiple_of3A_142 = tpu.assume_multiple %squeeze3A_141, 128 : i32
    %dma_start3A_143 = arith.constant 3 : i32
    %dma_start3A_144 = arith.constant 0 : i32
    %dma_start3A_145 = arith.constant 0 : i32
    %dma_start3A_146 = tpu.memref_slice %arg9[%dma_start3A_143, %dma_start3A_144, %dma_start3A_145] : memref<8x32x128xf32, #tpu.memory_space<vmem>> -> memref<1x32x128xf32, #tpu.memory_space<vmem>>
    %dma_start3A_147 = tpu.memref_squeeze %dma_start3A_146 : memref<1x32x128xf32, #tpu.memory_space<vmem>> -> memref<32x128xf32, #tpu.memory_space<vmem>>
    %dma_start3A_148 = arith.constant 0 : i32
    %dma_start3A_149 = tpu.memref_slice %arg2[%dma_start3A_148, %multiple_of3A_142] : memref<32x1000000xf32, #tpu.memory_space<hbm>> -> memref<32x128xf32, #tpu.memory_space<hbm>>
    %dma_start3A_150 = arith.constant 0 : i32
    %dma_start3A_151 = arith.constant 0 : i32
    %dma_start3A_152 = tpu.memref_slice %arg9[%dma_start3A_143, %dma_start3A_150, %dma_start3A_151] : memref<8x32x128xf32, #tpu.memory_space<vmem>> -> memref<1x32x128xf32, #tpu.memory_space<vmem>>
    %dma_start3A_153 = tpu.memref_squeeze %dma_start3A_152 : memref<1x32x128xf32, #tpu.memory_space<vmem>> -> memref<32x128xf32, #tpu.memory_space<vmem>>
    %dma_start3A_154 = arith.constant 0 : i32
    %dma_start3A_155 = tpu.memref_slice %arg2[%dma_start3A_154, %multiple_of3A_142] : memref<32x1000000xf32, #tpu.memory_space<hbm>> -> memref<32x128xf32, #tpu.memory_space<hbm>>
    tpu.enqueue_dma source(%dma_start3A_155 : memref<32x128xf32, #tpu.memory_space<hbm>>) target(%dma_start3A_153 : memref<32x128xf32, #tpu.memory_space<vmem>>) target_semaphore(%arg13 : memref<!tpu.dma_semaphore, #tpu.memory_space<semaphore_mem>>)
    %slice3A_156 = vector.extract_strided_slice %and3A_47 {offsets = [3], sizes = [1], strides = [1]} : vector<16xi32> to vector<1xi32>
    %squeeze3A_157 = vector.extract %slice3A_156[0] : i32 from vector<1xi32>
    %multiple_of3A_158 = tpu.assume_multiple %squeeze3A_157, 128 : i32
    %dma_start3A_159 = arith.constant 3 : i32
    %dma_start3A_160 = arith.constant 0 : i32
    %dma_start3A_161 = arith.constant 0 : i32
    %dma_start3A_162 = tpu.memref_slice %arg10[%dma_start3A_159, %dma_start3A_160, %dma_start3A_161] : memref<8x32x128xf32, #tpu.memory_space<vmem>> -> memref<1x32x128xf32, #tpu.memory_space<vmem>>
    %dma_start3A_163 = tpu.memref_squeeze %dma_start3A_162 : memref<1x32x128xf32, #tpu.memory_space<vmem>> -> memref<32x128xf32, #tpu.memory_space<vmem>>
    %dma_start3A_164 = arith.constant 0 : i32
    %dma_start3A_165 = tpu.memref_slice %arg3[%dma_start3A_164, %multiple_of3A_158] : memref<32x1000000xf32, #tpu.memory_space<hbm>> -> memref<32x128xf32, #tpu.memory_space<hbm>>
    %dma_start3A_166 = arith.constant 0 : i32
    %dma_start3A_167 = arith.constant 0 : i32
    %dma_start3A_168 = tpu.memref_slice %arg10[%dma_start3A_159, %dma_start3A_166, %dma_start3A_167] : memref<8x32x128xf32, #tpu.memory_space<vmem>> -> memref<1x32x128xf32, #tpu.memory_space<vmem>>
    %dma_start3A_169 = tpu.memref_squeeze %dma_start3A_168 : memref<1x32x128xf32, #tpu.memory_space<vmem>> -> memref<32x128xf32, #tpu.memory_space<vmem>>
    %dma_start3A_170 = arith.constant 0 : i32
    %dma_start3A_171 = tpu.memref_slice %arg3[%dma_start3A_170, %multiple_of3A_158] : memref<32x1000000xf32, #tpu.memory_space<hbm>> -> memref<32x128xf32, #tpu.memory_space<hbm>>
    tpu.enqueue_dma source(%dma_start3A_171 : memref<32x128xf32, #tpu.memory_space<hbm>>) target(%dma_start3A_169 : memref<32x128xf32, #tpu.memory_space<vmem>>) target_semaphore(%arg17 : memref<!tpu.dma_semaphore, #tpu.memory_space<semaphore_mem>>)
    %slice3A_172 = vector.extract_strided_slice %and3A_42 {offsets = [4], sizes = [1], strides = [1]} : vector<16xi32> to vector<1xi32>
    %squeeze3A_173 = vector.extract %slice3A_172[0] : i32 from vector<1xi32>
    %multiple_of3A_174 = tpu.assume_multiple %squeeze3A_173, 128 : i32
    %dma_start3A_175 = arith.constant 4 : i32
    %dma_start3A_176 = arith.constant 0 : i32
    %dma_start3A_177 = arith.constant 0 : i32
    %dma_start3A_178 = tpu.memref_slice %arg9[%dma_start3A_175, %dma_start3A_176, %dma_start3A_177] : memref<8x32x128xf32, #tpu.memory_space<vmem>> -> memref<1x32x128xf32, #tpu.memory_space<vmem>>
    %dma_start3A_179 = tpu.memref_squeeze %dma_start3A_178 : memref<1x32x128xf32, #tpu.memory_space<vmem>> -> memref<32x128xf32, #tpu.memory_space<vmem>>
    %dma_start3A_180 = arith.constant 0 : i32
    %dma_start3A_181 = tpu.memref_slice %arg2[%dma_start3A_180, %multiple_of3A_174] : memref<32x1000000xf32, #tpu.memory_space<hbm>> -> memref<32x128xf32, #tpu.memory_space<hbm>>
    %dma_start3A_182 = arith.constant 0 : i32
    %dma_start3A_183 = arith.constant 0 : i32
    %dma_start3A_184 = tpu.memref_slice %arg9[%dma_start3A_175, %dma_start3A_182, %dma_start3A_183] : memref<8x32x128xf32, #tpu.memory_space<vmem>> -> memref<1x32x128xf32, #tpu.memory_space<vmem>>
    %dma_start3A_185 = tpu.memref_squeeze %dma_start3A_184 : memref<1x32x128xf32, #tpu.memory_space<vmem>> -> memref<32x128xf32, #tpu.memory_space<vmem>>
    %dma_start3A_186 = arith.constant 0 : i32
    %dma_start3A_187 = tpu.memref_slice %arg2[%dma_start3A_186, %multiple_of3A_174] : memref<32x1000000xf32, #tpu.memory_space<hbm>> -> memref<32x128xf32, #tpu.memory_space<hbm>>
    tpu.enqueue_dma source(%dma_start3A_187 : memref<32x128xf32, #tpu.memory_space<hbm>>) target(%dma_start3A_185 : memref<32x128xf32, #tpu.memory_space<vmem>>) target_semaphore(%arg14 : memref<!tpu.dma_semaphore, #tpu.memory_space<semaphore_mem>>)
    %slice3A_188 = vector.extract_strided_slice %and3A_47 {offsets = [4], sizes = [1], strides = [1]} : vector<16xi32> to vector<1xi32>
    %squeeze3A_189 = vector.extract %slice3A_188[0] : i32 from vector<1xi32>
    %multiple_of3A_190 = tpu.assume_multiple %squeeze3A_189, 128 : i32
    %dma_start3A_191 = arith.constant 4 : i32
    %dma_start3A_192 = arith.constant 0 : i32
    %dma_start3A_193 = arith.constant 0 : i32
    %dma_start3A_194 = tpu.memref_slice %arg10[%dma_start3A_191, %dma_start3A_192, %dma_start3A_193] : memref<8x32x128xf32, #tpu.memory_space<vmem>> -> memref<1x32x128xf32, #tpu.memory_space<vmem>>
    %dma_start3A_195 = tpu.memref_squeeze %dma_start3A_194 : memref<1x32x128xf32, #tpu.memory_space<vmem>> -> memref<32x128xf32, #tpu.memory_space<vmem>>
    %dma_start3A_196 = arith.constant 0 : i32
    %dma_start3A_197 = tpu.memref_slice %arg3[%dma_start3A_196, %multiple_of3A_190] : memref<32x1000000xf32, #tpu.memory_space<hbm>> -> memref<32x128xf32, #tpu.memory_space<hbm>>
    %dma_start3A_198 = arith.constant 0 : i32
    %dma_start3A_199 = arith.constant 0 : i32
    %dma_start3A_200 = tpu.memref_slice %arg10[%dma_start3A_191, %dma_start3A_198, %dma_start3A_199] : memref<8x32x128xf32, #tpu.memory_space<vmem>> -> memref<1x32x128xf32, #tpu.memory_space<vmem>>
    %dma_start3A_201 = tpu.memref_squeeze %dma_start3A_200 : memref<1x32x128xf32, #tpu.memory_space<vmem>> -> memref<32x128xf32, #tpu.memory_space<vmem>>
    %dma_start3A_202 = arith.constant 0 : i32
    %dma_start3A_203 = tpu.memref_slice %arg3[%dma_start3A_202, %multiple_of3A_190] : memref<32x1000000xf32, #tpu.memory_space<hbm>> -> memref<32x128xf32, #tpu.memory_space<hbm>>
    tpu.enqueue_dma source(%dma_start3A_203 : memref<32x128xf32, #tpu.memory_space<hbm>>) target(%dma_start3A_201 : memref<32x128xf32, #tpu.memory_space<vmem>>) target_semaphore(%arg18 : memref<!tpu.dma_semaphore, #tpu.memory_space<semaphore_mem>>)
    %slice3A_204 = vector.extract_strided_slice %and3A_42 {offsets = [5], sizes = [1], strides = [1]} : vector<16xi32> to vector<1xi32>
    %squeeze3A_205 = vector.extract %slice3A_204[0] : i32 from vector<1xi32>
    %multiple_of3A_206 = tpu.assume_multiple %squeeze3A_205, 128 : i32
    %dma_start3A_207 = arith.constant 5 : i32
    %dma_start3A_208 = arith.constant 0 : i32
    %dma_start3A_209 = arith.constant 0 : i32
    %dma_start3A_210 = tpu.memref_slice %arg9[%dma_start3A_207, %dma_start3A_208, %dma_start3A_209] : memref<8x32x128xf32, #tpu.memory_space<vmem>> -> memref<1x32x128xf32, #tpu.memory_space<vmem>>
    %dma_start3A_211 = tpu.memref_squeeze %dma_start3A_210 : memref<1x32x128xf32, #tpu.memory_space<vmem>> -> memref<32x128xf32, #tpu.memory_space<vmem>>
    %dma_start3A_212 = arith.constant 0 : i32
    %dma_start3A_213 = tpu.memref_slice %arg2[%dma_start3A_212, %multiple_of3A_206] : memref<32x1000000xf32, #tpu.memory_space<hbm>> -> memref<32x128xf32, #tpu.memory_space<hbm>>
    %dma_start3A_214 = arith.constant 0 : i32
    %dma_start3A_215 = arith.constant 0 : i32
    %dma_start3A_216 = tpu.memref_slice %arg9[%dma_start3A_207, %dma_start3A_214, %dma_start3A_215] : memref<8x32x128xf32, #tpu.memory_space<vmem>> -> memref<1x32x128xf32, #tpu.memory_space<vmem>>
    %dma_start3A_217 = tpu.memref_squeeze %dma_start3A_216 : memref<1x32x128xf32, #tpu.memory_space<vmem>> -> memref<32x128xf32, #tpu.memory_space<vmem>>
    %dma_start3A_218 = arith.constant 0 : i32
    %dma_start3A_219 = tpu.memref_slice %arg2[%dma_start3A_218, %multiple_of3A_206] : memref<32x1000000xf32, #tpu.memory_space<hbm>> -> memref<32x128xf32, #tpu.memory_space<hbm>>
    tpu.enqueue_dma source(%dma_start3A_219 : memref<32x128xf32, #tpu.memory_space<hbm>>) target(%dma_start3A_217 : memref<32x128xf32, #tpu.memory_space<vmem>>) target_semaphore(%arg14 : memref<!tpu.dma_semaphore, #tpu.memory_space<semaphore_mem>>)
    %slice3A_220 = vector.extract_strided_slice %and3A_47 {offsets = [5], sizes = [1], strides = [1]} : vector<16xi32> to vector<1xi32>
    %squeeze3A_221 = vector.extract %slice3A_220[0] : i32 from vector<1xi32>
    %multiple_of3A_222 = tpu.assume_multiple %squeeze3A_221, 128 : i32
    %dma_start3A_223 = arith.constant 5 : i32
    %dma_start3A_224 = arith.constant 0 : i32
    %dma_start3A_225 = arith.constant 0 : i32
    %dma_start3A_226 = tpu.memref_slice %arg10[%dma_start3A_223, %dma_start3A_224, %dma_start3A_225] : memref<8x32x128xf32, #tpu.memory_space<vmem>> -> memref<1x32x128xf32, #tpu.memory_space<vmem>>
    %dma_start3A_227 = tpu.memref_squeeze %dma_start3A_226 : memref<1x32x128xf32, #tpu.memory_space<vmem>> -> memref<32x128xf32, #tpu.memory_space<vmem>>
    %dma_start3A_228 = arith.constant 0 : i32
    %dma_start3A_229 = tpu.memref_slice %arg3[%dma_start3A_228, %multiple_of3A_222] : memref<32x1000000xf32, #tpu.memory_space<hbm>> -> memref<32x128xf32, #tpu.memory_space<hbm>>
    %dma_start3A_230 = arith.constant 0 : i32
    %dma_start3A_231 = arith.constant 0 : i32
    %dma_start3A_232 = tpu.memref_slice %arg10[%dma_start3A_223, %dma_start3A_230, %dma_start3A_231] : memref<8x32x128xf32, #tpu.memory_space<vmem>> -> memref<1x32x128xf32, #tpu.memory_space<vmem>>
    %dma_start3A_233 = tpu.memref_squeeze %dma_start3A_232 : memref<1x32x128xf32, #tpu.memory_space<vmem>> -> memref<32x128xf32, #tpu.memory_space<vmem>>
    %dma_start3A_234 = arith.constant 0 : i32
    %dma_start3A_235 = tpu.memref_slice %arg3[%dma_start3A_234, %multiple_of3A_222] : memref<32x1000000xf32, #tpu.memory_space<hbm>> -> memref<32x128xf32, #tpu.memory_space<hbm>>
    tpu.enqueue_dma source(%dma_start3A_235 : memref<32x128xf32, #tpu.memory_space<hbm>>) target(%dma_start3A_233 : memref<32x128xf32, #tpu.memory_space<vmem>>) target_semaphore(%arg18 : memref<!tpu.dma_semaphore, #tpu.memory_space<semaphore_mem>>)
    %scan3A = arith.constant 0 : i32
    %scan3A_236 = arith.constant 0 : i32
    %scan3A_237 = arith.constant 32 : i32
    %scan3A_238 = arith.addi %scan3A_236, %scan3A_237 : i32
    %scan3A_239 = arith.constant 1 : i32
    scf.for %scan3A_241 = %scan3A_236 to %scan3A_238 step %scan3A_239  : i32 {
      %mul3A_242 = arith.constant 16 : i32
      %mul3A_243 = arith.muli %scan3A_241, %mul3A_242 : i32
      %get3A_244 = arith.index_cast %mul3A_243 : i32 to index
      %get3A_245 = tpu.vector_load %arg7[%get3A_244] {strides = array<i32>} : memref<512xi32, #tpu.memory_space<vmem>>, vector<16xi32>,
      %and3A_246 = arith.constant 127 : i32
      %and3A_247 = vector.broadcast %and3A_246 : i32 to vector<16xi32>
      %and3A_248 = arith.andi %get3A_245, %and3A_247 : vector<16xi32>
      %get3A_249 = arith.index_cast %mul3A_243 : i32 to index
      %get3A_250 = tpu.vector_load %arg8[%get3A_249] {strides = array<i32>} : memref<512xi32, #tpu.memory_space<vmem>>, vector<16xi32>,
      %and3A_251 = arith.constant 127 : i32
      %and3A_252 = vector.broadcast %and3A_251 : i32 to vector<16xi32>
      %and3A_253 = arith.andi %get3A_250, %and3A_252 : vector<16xi32>
      %mul3A_254 = arith.constant 16 : i32
      %mul3A_255 = arith.muli %scan3A_241, %mul3A_254 : i32
      %get3A_256 = arith.index_cast %mul3A_255 : i32 to index
      %get3A_257 = tpu.vector_load %arg7[%get3A_256] {strides = array<i32>} : memref<512xi32, #tpu.memory_space<vmem>>, vector<16xi32>,
      %and3A_258 = arith.constant -128 : i32
      %and3A_259 = vector.broadcast %and3A_258 : i32 to vector<16xi32>
      %and3A_260 = arith.andi %get3A_257, %and3A_259 : vector<16xi32>
      %get3A_261 = arith.index_cast %mul3A_255 : i32 to index
      %get3A_262 = tpu.vector_load %arg8[%get3A_261] {strides = array<i32>} : memref<512xi32, #tpu.memory_space<vmem>>, vector<16xi32>,
      %and3A_263 = arith.constant -128 : i32
      %and3A_264 = vector.broadcast %and3A_263 : i32 to vector<16xi32>
      %and3A_265 = arith.andi %get3A_262, %and3A_264 : vector<16xi32>
      %slice3A_266 = vector.extract_strided_slice %and3A_260 {offsets = [6], sizes = [1], strides = [1]} : vector<16xi32> to vector<1xi32>
      %squeeze3A_267 = vector.extract %slice3A_266[0] : i32 from vector<1xi32>
      %multiple_of3A_268 = tpu.assume_multiple %squeeze3A_267, 128 : i32
      %dma_start3A_269 = arith.constant 6 : i32
      %dma_start3A_270 = arith.constant 0 : i32
      %dma_start3A_271 = arith.constant 0 : i32
      %dma_start3A_272 = tpu.memref_slice %arg9[%dma_start3A_269, %dma_start3A_270, %dma_start3A_271] : memref<8x32x128xf32, #tpu.memory_space<vmem>> -> memref<1x32x128xf32, #tpu.memory_space<vmem>>
      %dma_start3A_273 = tpu.memref_squeeze %dma_start3A_272 : memref<1x32x128xf32, #tpu.memory_space<vmem>> -> memref<32x128xf32, #tpu.memory_space<vmem>>
      %dma_start3A_274 = arith.constant 0 : i32
      %dma_start3A_275 = tpu.memref_slice %arg2[%dma_start3A_274, %multiple_of3A_268] : memref<32x1000000xf32, #tpu.memory_space<hbm>> -> memref<32x128xf32, #tpu.memory_space<hbm>>
      %dma_start3A_276 = arith.constant 0 : i32
      %dma_start3A_277 = arith.constant 0 : i32
      %dma_start3A_278 = tpu.memref_slice %arg9[%dma_start3A_269, %dma_start3A_276, %dma_start3A_277] : memref<8x32x128xf32, #tpu.memory_space<vmem>> -> memref<1x32x128xf32, #tpu.memory_space<vmem>>
      %dma_start3A_279 = tpu.memref_squeeze %dma_start3A_278 : memref<1x32x128xf32, #tpu.memory_space<vmem>> -> memref<32x128xf32, #tpu.memory_space<vmem>>
      %dma_start3A_280 = arith.constant 0 : i32
      %dma_start3A_281 = tpu.memref_slice %arg2[%dma_start3A_280, %multiple_of3A_268] : memref<32x1000000xf32, #tpu.memory_space<hbm>> -> memref<32x128xf32, #tpu.memory_space<hbm>>
      tpu.enqueue_dma source(%dma_start3A_281 : memref<32x128xf32, #tpu.memory_space<hbm>>) target(%dma_start3A_279 : memref<32x128xf32, #tpu.memory_space<vmem>>) target_semaphore(%arg15 : memref<!tpu.dma_semaphore, #tpu.memory_space<semaphore_mem>>)
      %slice3A_282 = vector.extract_strided_slice %and3A_265 {offsets = [6], sizes = [1], strides = [1]} : vector<16xi32> to vector<1xi32>
      %squeeze3A_283 = vector.extract %slice3A_282[0] : i32 from vector<1xi32>
      %multiple_of3A_284 = tpu.assume_multiple %squeeze3A_283, 128 : i32
      %dma_start3A_285 = arith.constant 6 : i32
      %dma_start3A_286 = arith.constant 0 : i32
      %dma_start3A_287 = arith.constant 0 : i32
      %dma_start3A_288 = tpu.memref_slice %arg10[%dma_start3A_285, %dma_start3A_286, %dma_start3A_287] : memref<8x32x128xf32, #tpu.memory_space<vmem>> -> memref<1x32x128xf32, #tpu.memory_space<vmem>>
      %dma_start3A_289 = tpu.memref_squeeze %dma_start3A_288 : memref<1x32x128xf32, #tpu.memory_space<vmem>> -> memref<32x128xf32, #tpu.memory_space<vmem>>
      %dma_start3A_290 = arith.constant 0 : i32
      %dma_start3A_291 = tpu.memref_slice %arg3[%dma_start3A_290, %multiple_of3A_284] : memref<32x1000000xf32, #tpu.memory_space<hbm>> -> memref<32x128xf32, #tpu.memory_space<hbm>>
      %dma_start3A_292 = arith.constant 0 : i32
      %dma_start3A_293 = arith.constant 0 : i32
      %dma_start3A_294 = tpu.memref_slice %arg10[%dma_start3A_285, %dma_start3A_292, %dma_start3A_293] : memref<8x32x128xf32, #tpu.memory_space<vmem>> -> memref<1x32x128xf32, #tpu.memory_space<vmem>>
      %dma_start3A_295 = tpu.memref_squeeze %dma_start3A_294 : memref<1x32x128xf32, #tpu.memory_space<vmem>> -> memref<32x128xf32, #tpu.memory_space<vmem>>
      %dma_start3A_296 = arith.constant 0 : i32
      %dma_start3A_297 = tpu.memref_slice %arg3[%dma_start3A_296, %multiple_of3A_284] : memref<32x1000000xf32, #tpu.memory_space<hbm>> -> memref<32x128xf32, #tpu.memory_space<hbm>>
      tpu.enqueue_dma source(%dma_start3A_297 : memref<32x128xf32, #tpu.memory_space<hbm>>) target(%dma_start3A_295 : memref<32x128xf32, #tpu.memory_space<vmem>>) target_semaphore(%arg19 : memref<!tpu.dma_semaphore, #tpu.memory_space<semaphore_mem>>)
      %slice3A_298 = vector.extract_strided_slice %and3A_260 {offsets = [7], sizes = [1], strides = [1]} : vector<16xi32> to vector<1xi32>
      %squeeze3A_299 = vector.extract %slice3A_298[0] : i32 from vector<1xi32>
      %multiple_of3A_300 = tpu.assume_multiple %squeeze3A_299, 128 : i32
      %dma_start3A_301 = arith.constant 7 : i32
      %dma_start3A_302 = arith.constant 0 : i32
      %dma_start3A_303 = arith.constant 0 : i32
      %dma_start3A_304 = tpu.memref_slice %arg9[%dma_start3A_301, %dma_start3A_302, %dma_start3A_303] : memref<8x32x128xf32, #tpu.memory_space<vmem>> -> memref<1x32x128xf32, #tpu.memory_space<vmem>>
      %dma_start3A_305 = tpu.memref_squeeze %dma_start3A_304 : memref<1x32x128xf32, #tpu.memory_space<vmem>> -> memref<32x128xf32, #tpu.memory_space<vmem>>
      %dma_start3A_306 = arith.constant 0 : i32
      %dma_start3A_307 = tpu.memref_slice %arg2[%dma_start3A_306, %multiple_of3A_300] : memref<32x1000000xf32, #tpu.memory_space<hbm>> -> memref<32x128xf32, #tpu.memory_space<hbm>>
      %dma_start3A_308 = arith.constant 0 : i32
      %dma_start3A_309 = arith.constant 0 : i32
      %dma_start3A_310 = tpu.memref_slice %arg9[%dma_start3A_301, %dma_start3A_308, %dma_start3A_309] : memref<8x32x128xf32, #tpu.memory_space<vmem>> -> memref<1x32x128xf32, #tpu.memory_space<vmem>>
      %dma_start3A_311 = tpu.memref_squeeze %dma_start3A_310 : memref<1x32x128xf32, #tpu.memory_space<vmem>> -> memref<32x128xf32, #tpu.memory_space<vmem>>
      %dma_start3A_312 = arith.constant 0 : i32
      %dma_start3A_313 = tpu.memref_slice %arg2[%dma_start3A_312, %multiple_of3A_300] : memref<32x1000000xf32, #tpu.memory_space<hbm>> -> memref<32x128xf32, #tpu.memory_space<hbm>>
      tpu.enqueue_dma source(%dma_start3A_313 : memref<32x128xf32, #tpu.memory_space<hbm>>) target(%dma_start3A_311 : memref<32x128xf32, #tpu.memory_space<vmem>>) target_semaphore(%arg15 : memref<!tpu.dma_semaphore, #tpu.memory_space<semaphore_mem>>)
      %slice3A_314 = vector.extract_strided_slice %and3A_265 {offsets = [7], sizes = [1], strides = [1]} : vector<16xi32> to vector<1xi32>
      %squeeze3A_315 = vector.extract %slice3A_314[0] : i32 from vector<1xi32>
      %multiple_of3A_316 = tpu.assume_multiple %squeeze3A_315, 128 : i32
      %dma_start3A_317 = arith.constant 7 : i32
      %dma_start3A_318 = arith.constant 0 : i32
      %dma_start3A_319 = arith.constant 0 : i32
      %dma_start3A_320 = tpu.memref_slice %arg10[%dma_start3A_317, %dma_start3A_318, %dma_start3A_319] : memref<8x32x128xf32, #tpu.memory_space<vmem>> -> memref<1x32x128xf32, #tpu.memory_space<vmem>>
      %dma_start3A_321 = tpu.memref_squeeze %dma_start3A_320 : memref<1x32x128xf32, #tpu.memory_space<vmem>> -> memref<32x128xf32, #tpu.memory_space<vmem>>
      %dma_start3A_322 = arith.constant 0 : i32
      %dma_start3A_323 = tpu.memref_slice %arg3[%dma_start3A_322, %multiple_of3A_316] : memref<32x1000000xf32, #tpu.memory_space<hbm>> -> memref<32x128xf32, #tpu.memory_space<hbm>>
      %dma_start3A_324 = arith.constant 0 : i32
      %dma_start3A_325 = arith.constant 0 : i32
      %dma_start3A_326 = tpu.memref_slice %arg10[%dma_start3A_317, %dma_start3A_324, %dma_start3A_325] : memref<8x32x128xf32, #tpu.memory_space<vmem>> -> memref<1x32x128xf32, #tpu.memory_space<vmem>>
      %dma_start3A_327 = tpu.memref_squeeze %dma_start3A_326 : memref<1x32x128xf32, #tpu.memory_space<vmem>> -> memref<32x128xf32, #tpu.memory_space<vmem>>
      %dma_start3A_328 = arith.constant 0 : i32
      %dma_start3A_329 = tpu.memref_slice %arg3[%dma_start3A_328, %multiple_of3A_316] : memref<32x1000000xf32, #tpu.memory_space<hbm>> -> memref<32x128xf32, #tpu.memory_space<hbm>>
      tpu.enqueue_dma source(%dma_start3A_329 : memref<32x128xf32, #tpu.memory_space<hbm>>) target(%dma_start3A_327 : memref<32x128xf32, #tpu.memory_space<vmem>>) target_semaphore(%arg19 : memref<!tpu.dma_semaphore, #tpu.memory_space<semaphore_mem>>)
      %dma_wait3A = arith.constant 0 : i32
      %dma_wait3A_330 = arith.constant 0 : i32
      %dma_wait3A_331 = arith.constant 0 : i32
      %dma_wait3A_332 = tpu.memref_slice %arg9[%dma_wait3A, %dma_wait3A_330, %dma_wait3A_331] : memref<8x32x128xf32, #tpu.memory_space<vmem>> -> memref<1x32x128xf32, #tpu.memory_space<vmem>>
      %dma_wait3A_333 = tpu.memref_squeeze %dma_wait3A_332 : memref<1x32x128xf32, #tpu.memory_space<vmem>> -> memref<32x128xf32, #tpu.memory_space<vmem>>
      %dma_wait3A_334 = arith.constant 0 : i32
      %dma_wait3A_335 = arith.constant 0 : i32
      %dma_wait3A_336 = tpu.memref_slice %arg2[%dma_wait3A_334, %dma_wait3A_335] : memref<32x1000000xf32, #tpu.memory_space<hbm>> -> memref<32x128xf32, #tpu.memory_space<hbm>>
      %dma_wait3A_337 = arith.constant 0 : i32
      %dma_wait3A_338 = arith.constant 0 : i32
      %dma_wait3A_339 = tpu.memref_slice %arg9[%dma_wait3A, %dma_wait3A_337, %dma_wait3A_338] : memref<8x32x128xf32, #tpu.memory_space<vmem>> -> memref<1x32x128xf32, #tpu.memory_space<vmem>>
      %dma_wait3A_340 = tpu.memref_squeeze %dma_wait3A_339 : memref<1x32x128xf32, #tpu.memory_space<vmem>> -> memref<32x128xf32, #tpu.memory_space<vmem>>
      %dma_wait3A_341 = arith.constant 0 : i32
      %dma_wait3A_342 = arith.constant 0 : i32
      %dma_wait3A_343 = tpu.memref_slice %arg2[%dma_wait3A_341, %dma_wait3A_342] : memref<32x1000000xf32, #tpu.memory_space<hbm>> -> memref<32x128xf32, #tpu.memory_space<hbm>>
      tpu.wait_dma2 semaphore(%arg12 : memref<!tpu.dma_semaphore, #tpu.memory_space<semaphore_mem>>) src(%dma_wait3A_343 : memref<32x128xf32, #tpu.memory_space<hbm>>) dst(%dma_wait3A_340 : memref<32x128xf32, #tpu.memory_space<vmem>>)
      %dma_wait3A_344 = arith.constant 0 : i32
      %dma_wait3A_345 = arith.constant 0 : i32
      %dma_wait3A_346 = arith.constant 0 : i32
      %dma_wait3A_347 = tpu.memref_slice %arg10[%dma_wait3A_344, %dma_wait3A_345, %dma_wait3A_346] : memref<8x32x128xf32, #tpu.memory_space<vmem>> -> memref<1x32x128xf32, #tpu.memory_space<vmem>>
      %dma_wait3A_348 = tpu.memref_squeeze %dma_wait3A_347 : memref<1x32x128xf32, #tpu.memory_space<vmem>> -> memref<32x128xf32, #tpu.memory_space<vmem>>
      %dma_wait3A_349 = arith.constant 0 : i32
      %dma_wait3A_350 = arith.constant 0 : i32
      %dma_wait3A_351 = tpu.memref_slice %arg3[%dma_wait3A_349, %dma_wait3A_350] : memref<32x1000000xf32, #tpu.memory_space<hbm>> -> memref<32x128xf32, #tpu.memory_space<hbm>>
      %dma_wait3A_352 = arith.constant 0 : i32
      %dma_wait3A_353 = arith.constant 0 : i32
      %dma_wait3A_354 = tpu.memref_slice %arg10[%dma_wait3A_344, %dma_wait3A_352, %dma_wait3A_353] : memref<8x32x128xf32, #tpu.memory_space<vmem>> -> memref<1x32x128xf32, #tpu.memory_space<vmem>>
      %dma_wait3A_355 = tpu.memref_squeeze %dma_wait3A_354 : memref<1x32x128xf32, #tpu.memory_space<vmem>> -> memref<32x128xf32, #tpu.memory_space<vmem>>
      %dma_wait3A_356 = arith.constant 0 : i32
      %dma_wait3A_357 = arith.constant 0 : i32
      %dma_wait3A_358 = tpu.memref_slice %arg3[%dma_wait3A_356, %dma_wait3A_357] : memref<32x1000000xf32, #tpu.memory_space<hbm>> -> memref<32x128xf32, #tpu.memory_space<hbm>>
      tpu.wait_dma2 semaphore(%arg16 : memref<!tpu.dma_semaphore, #tpu.memory_space<semaphore_mem>>) src(%dma_wait3A_358 : memref<32x128xf32, #tpu.memory_space<hbm>>) dst(%dma_wait3A_355 : memref<32x128xf32, #tpu.memory_space<vmem>>)
      %dma_wait3A_359 = arith.constant 0 : i32
      %dma_wait3A_360 = arith.constant 0 : i32
      %dma_wait3A_361 = arith.constant 0 : i32
      %dma_wait3A_362 = tpu.memref_slice %arg9[%dma_wait3A_359, %dma_wait3A_360, %dma_wait3A_361] : memref<8x32x128xf32, #tpu.memory_space<vmem>> -> memref<1x32x128xf32, #tpu.memory_space<vmem>>
      %dma_wait3A_363 = tpu.memref_squeeze %dma_wait3A_362 : memref<1x32x128xf32, #tpu.memory_space<vmem>> -> memref<32x128xf32, #tpu.memory_space<vmem>>
      %dma_wait3A_364 = arith.constant 0 : i32
      %dma_wait3A_365 = arith.constant 0 : i32
      %dma_wait3A_366 = tpu.memref_slice %arg2[%dma_wait3A_364, %dma_wait3A_365] : memref<32x1000000xf32, #tpu.memory_space<hbm>> -> memref<32x128xf32, #tpu.memory_space<hbm>>
      %dma_wait3A_367 = arith.constant 0 : i32
      %dma_wait3A_368 = arith.constant 0 : i32
      %dma_wait3A_369 = tpu.memref_slice %arg9[%dma_wait3A_359, %dma_wait3A_367, %dma_wait3A_368] : memref<8x32x128xf32, #tpu.memory_space<vmem>> -> memref<1x32x128xf32, #tpu.memory_space<vmem>>
      %dma_wait3A_370 = tpu.memref_squeeze %dma_wait3A_369 : memref<1x32x128xf32, #tpu.memory_space<vmem>> -> memref<32x128xf32, #tpu.memory_space<vmem>>
      %dma_wait3A_371 = arith.constant 0 : i32
      %dma_wait3A_372 = arith.constant 0 : i32
      %dma_wait3A_373 = tpu.memref_slice %arg2[%dma_wait3A_371, %dma_wait3A_372] : memref<32x1000000xf32, #tpu.memory_space<hbm>> -> memref<32x128xf32, #tpu.memory_space<hbm>>
      tpu.wait_dma2 semaphore(%arg12 : memref<!tpu.dma_semaphore, #tpu.memory_space<semaphore_mem>>) src(%dma_wait3A_373 : memref<32x128xf32, #tpu.memory_space<hbm>>) dst(%dma_wait3A_370 : memref<32x128xf32, #tpu.memory_space<vmem>>)
      %dma_wait3A_374 = arith.constant 0 : i32
      %dma_wait3A_375 = arith.constant 0 : i32
      %dma_wait3A_376 = arith.constant 0 : i32
      %dma_wait3A_377 = tpu.memref_slice %arg10[%dma_wait3A_374, %dma_wait3A_375, %dma_wait3A_376] : memref<8x32x128xf32, #tpu.memory_space<vmem>> -> memref<1x32x128xf32, #tpu.memory_space<vmem>>
      %dma_wait3A_378 = tpu.memref_squeeze %dma_wait3A_377 : memref<1x32x128xf32, #tpu.memory_space<vmem>> -> memref<32x128xf32, #tpu.memory_space<vmem>>
      %dma_wait3A_379 = arith.constant 0 : i32
      %dma_wait3A_380 = arith.constant 0 : i32
      %dma_wait3A_381 = tpu.memref_slice %arg3[%dma_wait3A_379, %dma_wait3A_380] : memref<32x1000000xf32, #tpu.memory_space<hbm>> -> memref<32x128xf32, #tpu.memory_space<hbm>>
      %dma_wait3A_382 = arith.constant 0 : i32
      %dma_wait3A_383 = arith.constant 0 : i32
      %dma_wait3A_384 = tpu.memref_slice %arg10[%dma_wait3A_374, %dma_wait3A_382, %dma_wait3A_383] : memref<8x32x128xf32, #tpu.memory_space<vmem>> -> memref<1x32x128xf32, #tpu.memory_space<vmem>>
      %dma_wait3A_385 = tpu.memref_squeeze %dma_wait3A_384 : memref<1x32x128xf32, #tpu.memory_space<vmem>> -> memref<32x128xf32, #tpu.memory_space<vmem>>
      %dma_wait3A_386 = arith.constant 0 : i32
      %dma_wait3A_387 = arith.constant 0 : i32
      %dma_wait3A_388 = tpu.memref_slice %arg3[%dma_wait3A_386, %dma_wait3A_387] : memref<32x1000000xf32, #tpu.memory_space<hbm>> -> memref<32x128xf32, #tpu.memory_space<hbm>>
      tpu.wait_dma2 semaphore(%arg16 : memref<!tpu.dma_semaphore, #tpu.memory_space<semaphore_mem>>) src(%dma_wait3A_388 : memref<32x128xf32, #tpu.memory_space<hbm>>) dst(%dma_wait3A_385 : memref<32x128xf32, #tpu.memory_space<vmem>>)
      %slice3A_389 = vector.extract_strided_slice %and3A_248 {offsets = [0], sizes = [1], strides = [1]} : vector<16xi32> to vector<1xi32>
      %squeeze3A_390 = vector.extract %slice3A_389[0] : i32 from vector<1xi32>
      %broadcast_in_dim3A = vector.broadcast %squeeze3A_390 : i32 to vector<16xi32>
      %slice3A_391 = vector.extract_strided_slice %and3A_253 {offsets = [0], sizes = [1], strides = [1]} : vector<16xi32> to vector<1xi32>
      %squeeze3A_392 = vector.extract %slice3A_391[0] : i32 from vector<1xi32>
      %broadcast_in_dim3A_393 = vector.broadcast %squeeze3A_392 : i32 to vector<16xi32>
      %gather3A = arith.constant 0 : i32
      %gather3A_394 = arith.constant 0 : i32
      %gather3A_395 = arith.constant 0 : i32
      %gather3A_396 = tpu.memref_slice %arg9[%gather3A, %gather3A_394, %gather3A_395] : memref<8x32x128xf32, #tpu.memory_space<vmem>> -> memref<1x32x128xf32, #tpu.memory_space<vmem>>
      %gather3A_397 = tpu.memref_squeeze %gather3A_396 : memref<1x32x128xf32, #tpu.memory_space<vmem>> -> memref<32x128xf32, #tpu.memory_space<vmem>>
      %gather3A_398 = tpu.vector_load_idx %gather3A_397[%iota3A, %broadcast_in_dim3A] : memref<32x128xf32, #tpu.memory_space<vmem>>[vector<16xi32>, vector<16xi32>], vector<16xf32>,
      %gather3A_399 = arith.constant 0 : i32
      %gather3A_400 = arith.constant 0 : i32
      %gather3A_401 = arith.constant 0 : i32
      %gather3A_402 = tpu.memref_slice %arg9[%gather3A_399, %gather3A_400, %gather3A_401] : memref<8x32x128xf32, #tpu.memory_space<vmem>> -> memref<1x32x128xf32, #tpu.memory_space<vmem>>
      %gather3A_403 = tpu.memref_squeeze %gather3A_402 : memref<1x32x128xf32, #tpu.memory_space<vmem>> -> memref<32x128xf32, #tpu.memory_space<vmem>>
      %gather3A_404 = tpu.vector_load_idx %gather3A_403[%add3A_5, %broadcast_in_dim3A] : memref<32x128xf32, #tpu.memory_space<vmem>>[vector<16xi32>, vector<16xi32>], vector<16xf32>,
      %gather3A_405 = arith.constant 0 : i32
      %gather3A_406 = arith.constant 0 : i32
      %gather3A_407 = arith.constant 0 : i32
      %gather3A_408 = tpu.memref_slice %arg10[%gather3A_405, %gather3A_406, %gather3A_407] : memref<8x32x128xf32, #tpu.memory_space<vmem>> -> memref<1x32x128xf32, #tpu.memory_space<vmem>>
      %gather3A_409 = tpu.memref_squeeze %gather3A_408 : memref<1x32x128xf32, #tpu.memory_space<vmem>> -> memref<32x128xf32, #tpu.memory_space<vmem>>
      %gather3A_410 = tpu.vector_load_idx %gather3A_409[%iota3A, %broadcast_in_dim3A_393] : memref<32x128xf32, #tpu.memory_space<vmem>>[vector<16xi32>, vector<16xi32>], vector<16xf32>,
      %gather3A_411 = arith.constant 0 : i32
      %gather3A_412 = arith.constant 0 : i32
      %gather3A_413 = arith.constant 0 : i32
      %gather3A_414 = tpu.memref_slice %arg10[%gather3A_411, %gather3A_412, %gather3A_413] : memref<8x32x128xf32, #tpu.memory_space<vmem>> -> memref<1x32x128xf32, #tpu.memory_space<vmem>>
      %gather3A_415 = tpu.memref_squeeze %gather3A_414 : memref<1x32x128xf32, #tpu.memory_space<vmem>> -> memref<32x128xf32, #tpu.memory_space<vmem>>
      %gather3A_416 = tpu.vector_load_idx %gather3A_415[%add3A_5, %broadcast_in_dim3A_393] : memref<32x128xf32, #tpu.memory_space<vmem>>[vector<16xi32>, vector<16xi32>], vector<16xf32>,
      %mul3A_417 = arith.mulf %gather3A_398, %gather3A_410 : vector<16xf32>
      %mul3A_418 = arith.mulf %gather3A_404, %gather3A_416 : vector<16xf32>
      %add3A_419 = arith.addf %mul3A_417, %mul3A_418 : vector<16xf32>
      %slice3A_420 = vector.extract_strided_slice %and3A_248 {offsets = [1], sizes = [1], strides = [1]} : vector<16xi32> to vector<1xi32>
      %squeeze3A_421 = vector.extract %slice3A_420[0] : i32 from vector<1xi32>
      %broadcast_in_dim3A_422 = vector.broadcast %squeeze3A_421 : i32 to vector<16xi32>
      %slice3A_423 = vector.extract_strided_slice %and3A_253 {offsets = [1], sizes = [1], strides = [1]} : vector<16xi32> to vector<1xi32>
      %squeeze3A_424 = vector.extract %slice3A_423[0] : i32 from vector<1xi32>
      %broadcast_in_dim3A_425 = vector.broadcast %squeeze3A_424 : i32 to vector<16xi32>
      %gather3A_426 = arith.constant 1 : i32
      %gather3A_427 = arith.constant 0 : i32
      %gather3A_428 = arith.constant 0 : i32
      %gather3A_429 = tpu.memref_slice %arg9[%gather3A_426, %gather3A_427, %gather3A_428] : memref<8x32x128xf32, #tpu.memory_space<vmem>> -> memref<1x32x128xf32, #tpu.memory_space<vmem>>
      %gather3A_430 = tpu.memref_squeeze %gather3A_429 : memref<1x32x128xf32, #tpu.memory_space<vmem>> -> memref<32x128xf32, #tpu.memory_space<vmem>>
      %gather3A_431 = tpu.vector_load_idx %gather3A_430[%iota3A, %broadcast_in_dim3A_422] : memref<32x128xf32, #tpu.memory_space<vmem>>[vector<16xi32>, vector<16xi32>], vector<16xf32>,
      %gather3A_432 = arith.constant 1 : i32
      %gather3A_433 = arith.constant 0 : i32
      %gather3A_434 = arith.constant 0 : i32
      %gather3A_435 = tpu.memref_slice %arg9[%gather3A_432, %gather3A_433, %gather3A_434] : memref<8x32x128xf32, #tpu.memory_space<vmem>> -> memref<1x32x128xf32, #tpu.memory_space<vmem>>
      %gather3A_436 = tpu.memref_squeeze %gather3A_435 : memref<1x32x128xf32, #tpu.memory_space<vmem>> -> memref<32x128xf32, #tpu.memory_space<vmem>>
      %gather3A_437 = tpu.vector_load_idx %gather3A_436[%add3A_5, %broadcast_in_dim3A_422] : memref<32x128xf32, #tpu.memory_space<vmem>>[vector<16xi32>, vector<16xi32>], vector<16xf32>,
      %gather3A_438 = arith.constant 1 : i32
      %gather3A_439 = arith.constant 0 : i32
      %gather3A_440 = arith.constant 0 : i32
      %gather3A_441 = tpu.memref_slice %arg10[%gather3A_438, %gather3A_439, %gather3A_440] : memref<8x32x128xf32, #tpu.memory_space<vmem>> -> memref<1x32x128xf32, #tpu.memory_space<vmem>>
      %gather3A_442 = tpu.memref_squeeze %gather3A_441 : memref<1x32x128xf32, #tpu.memory_space<vmem>> -> memref<32x128xf32, #tpu.memory_space<vmem>>
      %gather3A_443 = tpu.vector_load_idx %gather3A_442[%iota3A, %broadcast_in_dim3A_425] : memref<32x128xf32, #tpu.memory_space<vmem>>[vector<16xi32>, vector<16xi32>], vector<16xf32>,
      %gather3A_444 = arith.constant 1 : i32
      %gather3A_445 = arith.constant 0 : i32
      %gather3A_446 = arith.constant 0 : i32
      %gather3A_447 = tpu.memref_slice %arg10[%gather3A_444, %gather3A_445, %gather3A_446] : memref<8x32x128xf32, #tpu.memory_space<vmem>> -> memref<1x32x128xf32, #tpu.memory_space<vmem>>
      %gather3A_448 = tpu.memref_squeeze %gather3A_447 : memref<1x32x128xf32, #tpu.memory_space<vmem>> -> memref<32x128xf32, #tpu.memory_space<vmem>>
      %gather3A_449 = tpu.vector_load_idx %gather3A_448[%add3A_5, %broadcast_in_dim3A_425] : memref<32x128xf32, #tpu.memory_space<vmem>>[vector<16xi32>, vector<16xi32>], vector<16xf32>,
      %mul3A_450 = arith.mulf %gather3A_431, %gather3A_443 : vector<16xf32>
      %mul3A_451 = arith.mulf %gather3A_437, %gather3A_449 : vector<16xf32>
      %add3A_452 = arith.addf %mul3A_450, %mul3A_451 : vector<16xf32>
      %slice3A_453 = vector.extract_strided_slice %and3A_260 {offsets = [8], sizes = [1], strides = [1]} : vector<16xi32> to vector<1xi32>
      %squeeze3A_454 = vector.extract %slice3A_453[0] : i32 from vector<1xi32>
      %multiple_of3A_455 = tpu.assume_multiple %squeeze3A_454, 128 : i32
      %dma_start3A_456 = arith.constant 0 : i32
      %dma_start3A_457 = arith.constant 0 : i32
      %dma_start3A_458 = arith.constant 0 : i32
      %dma_start3A_459 = tpu.memref_slice %arg9[%dma_start3A_456, %dma_start3A_457, %dma_start3A_458] : memref<8x32x128xf32, #tpu.memory_space<vmem>> -> memref<1x32x128xf32, #tpu.memory_space<vmem>>
      %dma_start3A_460 = tpu.memref_squeeze %dma_start3A_459 : memref<1x32x128xf32, #tpu.memory_space<vmem>> -> memref<32x128xf32, #tpu.memory_space<vmem>>
      %dma_start3A_461 = arith.constant 0 : i32
      %dma_start3A_462 = tpu.memref_slice %arg2[%dma_start3A_461, %multiple_of3A_455] : memref<32x1000000xf32, #tpu.memory_space<hbm>> -> memref<32x128xf32, #tpu.memory_space<hbm>>
      %dma_start3A_463 = arith.constant 0 : i32
      %dma_start3A_464 = arith.constant 0 : i32
      %dma_start3A_465 = tpu.memref_slice %arg9[%dma_start3A_456, %dma_start3A_463, %dma_start3A_464] : memref<8x32x128xf32, #tpu.memory_space<vmem>> -> memref<1x32x128xf32, #tpu.memory_space<vmem>>
      %dma_start3A_466 = tpu.memref_squeeze %dma_start3A_465 : memref<1x32x128xf32, #tpu.memory_space<vmem>> -> memref<32x128xf32, #tpu.memory_space<vmem>>
      %dma_start3A_467 = arith.constant 0 : i32
      %dma_start3A_468 = tpu.memref_slice %arg2[%dma_start3A_467, %multiple_of3A_455] : memref<32x1000000xf32, #tpu.memory_space<hbm>> -> memref<32x128xf32, #tpu.memory_space<hbm>>
      tpu.enqueue_dma source(%dma_start3A_468 : memref<32x128xf32, #tpu.memory_space<hbm>>) target(%dma_start3A_466 : memref<32x128xf32, #tpu.memory_space<vmem>>) target_semaphore(%arg12 : memref<!tpu.dma_semaphore, #tpu.memory_space<semaphore_mem>>)
      %slice3A_469 = vector.extract_strided_slice %and3A_265 {offsets = [8], sizes = [1], strides = [1]} : vector<16xi32> to vector<1xi32>
      %squeeze3A_470 = vector.extract %slice3A_469[0] : i32 from vector<1xi32>
      %multiple_of3A_471 = tpu.assume_multiple %squeeze3A_470, 128 : i32
      %dma_start3A_472 = arith.constant 0 : i32
      %dma_start3A_473 = arith.constant 0 : i32
      %dma_start3A_474 = arith.constant 0 : i32
      %dma_start3A_475 = tpu.memref_slice %arg10[%dma_start3A_472, %dma_start3A_473, %dma_start3A_474] : memref<8x32x128xf32, #tpu.memory_space<vmem>> -> memref<1x32x128xf32, #tpu.memory_space<vmem>>
      %dma_start3A_476 = tpu.memref_squeeze %dma_start3A_475 : memref<1x32x128xf32, #tpu.memory_space<vmem>> -> memref<32x128xf32, #tpu.memory_space<vmem>>
      %dma_start3A_477 = arith.constant 0 : i32
      %dma_start3A_478 = tpu.memref_slice %arg3[%dma_start3A_477, %multiple_of3A_471] : memref<32x1000000xf32, #tpu.memory_space<hbm>> -> memref<32x128xf32, #tpu.memory_space<hbm>>
      %dma_start3A_479 = arith.constant 0 : i32
      %dma_start3A_480 = arith.constant 0 : i32
      %dma_start3A_481 = tpu.memref_slice %arg10[%dma_start3A_472, %dma_start3A_479, %dma_start3A_480] : memref<8x32x128xf32, #tpu.memory_space<vmem>> -> memref<1x32x128xf32, #tpu.memory_space<vmem>>
      %dma_start3A_482 = tpu.memref_squeeze %dma_start3A_481 : memref<1x32x128xf32, #tpu.memory_space<vmem>> -> memref<32x128xf32, #tpu.memory_space<vmem>>
      %dma_start3A_483 = arith.constant 0 : i32
      %dma_start3A_484 = tpu.memref_slice %arg3[%dma_start3A_483, %multiple_of3A_471] : memref<32x1000000xf32, #tpu.memory_space<hbm>> -> memref<32x128xf32, #tpu.memory_space<hbm>>
      tpu.enqueue_dma source(%dma_start3A_484 : memref<32x128xf32, #tpu.memory_space<hbm>>) target(%dma_start3A_482 : memref<32x128xf32, #tpu.memory_space<vmem>>) target_semaphore(%arg16 : memref<!tpu.dma_semaphore, #tpu.memory_space<semaphore_mem>>)
      %slice3A_485 = vector.extract_strided_slice %and3A_260 {offsets = [9], sizes = [1], strides = [1]} : vector<16xi32> to vector<1xi32>
      %squeeze3A_486 = vector.extract %slice3A_485[0] : i32 from vector<1xi32>
      %multiple_of3A_487 = tpu.assume_multiple %squeeze3A_486, 128 : i32
      %dma_start3A_488 = arith.constant 1 : i32
      %dma_start3A_489 = arith.constant 0 : i32
      %dma_start3A_490 = arith.constant 0 : i32
      %dma_start3A_491 = tpu.memref_slice %arg9[%dma_start3A_488, %dma_start3A_489, %dma_start3A_490] : memref<8x32x128xf32, #tpu.memory_space<vmem>> -> memref<1x32x128xf32, #tpu.memory_space<vmem>>
      %dma_start3A_492 = tpu.memref_squeeze %dma_start3A_491 : memref<1x32x128xf32, #tpu.memory_space<vmem>> -> memref<32x128xf32, #tpu.memory_space<vmem>>
      %dma_start3A_493 = arith.constant 0 : i32
      %dma_start3A_494 = tpu.memref_slice %arg2[%dma_start3A_493, %multiple_of3A_487] : memref<32x1000000xf32, #tpu.memory_space<hbm>> -> memref<32x128xf32, #tpu.memory_space<hbm>>
      %dma_start3A_495 = arith.constant 0 : i32
      %dma_start3A_496 = arith.constant 0 : i32
      %dma_start3A_497 = tpu.memref_slice %arg9[%dma_start3A_488, %dma_start3A_495, %dma_start3A_496] : memref<8x32x128xf32, #tpu.memory_space<vmem>> -> memref<1x32x128xf32, #tpu.memory_space<vmem>>
      %dma_start3A_498 = tpu.memref_squeeze %dma_start3A_497 : memref<1x32x128xf32, #tpu.memory_space<vmem>> -> memref<32x128xf32, #tpu.memory_space<vmem>>
      %dma_start3A_499 = arith.constant 0 : i32
      %dma_start3A_500 = tpu.memref_slice %arg2[%dma_start3A_499, %multiple_of3A_487] : memref<32x1000000xf32, #tpu.memory_space<hbm>> -> memref<32x128xf32, #tpu.memory_space<hbm>>
      tpu.enqueue_dma source(%dma_start3A_500 : memref<32x128xf32, #tpu.memory_space<hbm>>) target(%dma_start3A_498 : memref<32x128xf32, #tpu.memory_space<vmem>>) target_semaphore(%arg12 : memref<!tpu.dma_semaphore, #tpu.memory_space<semaphore_mem>>)
      %slice3A_501 = vector.extract_strided_slice %and3A_265 {offsets = [9], sizes = [1], strides = [1]} : vector<16xi32> to vector<1xi32>
      %squeeze3A_502 = vector.extract %slice3A_501[0] : i32 from vector<1xi32>
      %multiple_of3A_503 = tpu.assume_multiple %squeeze3A_502, 128 : i32
      %dma_start3A_504 = arith.constant 1 : i32
      %dma_start3A_505 = arith.constant 0 : i32
      %dma_start3A_506 = arith.constant 0 : i32
      %dma_start3A_507 = tpu.memref_slice %arg10[%dma_start3A_504, %dma_start3A_505, %dma_start3A_506] : memref<8x32x128xf32, #tpu.memory_space<vmem>> -> memref<1x32x128xf32, #tpu.memory_space<vmem>>
      %dma_start3A_508 = tpu.memref_squeeze %dma_start3A_507 : memref<1x32x128xf32, #tpu.memory_space<vmem>> -> memref<32x128xf32, #tpu.memory_space<vmem>>
      %dma_start3A_509 = arith.constant 0 : i32
      %dma_start3A_510 = tpu.memref_slice %arg3[%dma_start3A_509, %multiple_of3A_503] : memref<32x1000000xf32, #tpu.memory_space<hbm>> -> memref<32x128xf32, #tpu.memory_space<hbm>>
      %dma_start3A_511 = arith.constant 0 : i32
      %dma_start3A_512 = arith.constant 0 : i32
      %dma_start3A_513 = tpu.memref_slice %arg10[%dma_start3A_504, %dma_start3A_511, %dma_start3A_512] : memref<8x32x128xf32, #tpu.memory_space<vmem>> -> memref<1x32x128xf32, #tpu.memory_space<vmem>>
      %dma_start3A_514 = tpu.memref_squeeze %dma_start3A_513 : memref<1x32x128xf32, #tpu.memory_space<vmem>> -> memref<32x128xf32, #tpu.memory_space<vmem>>
      %dma_start3A_515 = arith.constant 0 : i32
      %dma_start3A_516 = tpu.memref_slice %arg3[%dma_start3A_515, %multiple_of3A_503] : memref<32x1000000xf32, #tpu.memory_space<hbm>> -> memref<32x128xf32, #tpu.memory_space<hbm>>
      tpu.enqueue_dma source(%dma_start3A_516 : memref<32x128xf32, #tpu.memory_space<hbm>>) target(%dma_start3A_514 : memref<32x128xf32, #tpu.memory_space<vmem>>) target_semaphore(%arg16 : memref<!tpu.dma_semaphore, #tpu.memory_space<semaphore_mem>>)
      %dma_wait3A_517 = arith.constant 0 : i32
      %dma_wait3A_518 = arith.constant 0 : i32
      %dma_wait3A_519 = arith.constant 0 : i32
      %dma_wait3A_520 = tpu.memref_slice %arg9[%dma_wait3A_517, %dma_wait3A_518, %dma_wait3A_519] : memref<8x32x128xf32, #tpu.memory_space<vmem>> -> memref<1x32x128xf32, #tpu.memory_space<vmem>>
      %dma_wait3A_521 = tpu.memref_squeeze %dma_wait3A_520 : memref<1x32x128xf32, #tpu.memory_space<vmem>> -> memref<32x128xf32, #tpu.memory_space<vmem>>
      %dma_wait3A_522 = arith.constant 0 : i32
      %dma_wait3A_523 = arith.constant 0 : i32
      %dma_wait3A_524 = tpu.memref_slice %arg2[%dma_wait3A_522, %dma_wait3A_523] : memref<32x1000000xf32, #tpu.memory_space<hbm>> -> memref<32x128xf32, #tpu.memory_space<hbm>>
      %dma_wait3A_525 = arith.constant 0 : i32
      %dma_wait3A_526 = arith.constant 0 : i32
      %dma_wait3A_527 = tpu.memref_slice %arg9[%dma_wait3A_517, %dma_wait3A_525, %dma_wait3A_526] : memref<8x32x128xf32, #tpu.memory_space<vmem>> -> memref<1x32x128xf32, #tpu.memory_space<vmem>>
      %dma_wait3A_528 = tpu.memref_squeeze %dma_wait3A_527 : memref<1x32x128xf32, #tpu.memory_space<vmem>> -> memref<32x128xf32, #tpu.memory_space<vmem>>
      %dma_wait3A_529 = arith.constant 0 : i32
      %dma_wait3A_530 = arith.constant 0 : i32
      %dma_wait3A_531 = tpu.memref_slice %arg2[%dma_wait3A_529, %dma_wait3A_530] : memref<32x1000000xf32, #tpu.memory_space<hbm>> -> memref<32x128xf32, #tpu.memory_space<hbm>>
      tpu.wait_dma2 semaphore(%arg13 : memref<!tpu.dma_semaphore, #tpu.memory_space<semaphore_mem>>) src(%dma_wait3A_531 : memref<32x128xf32, #tpu.memory_space<hbm>>) dst(%dma_wait3A_528 : memref<32x128xf32, #tpu.memory_space<vmem>>)
      %dma_wait3A_532 = arith.constant 0 : i32
      %dma_wait3A_533 = arith.constant 0 : i32
      %dma_wait3A_534 = arith.constant 0 : i32
      %dma_wait3A_535 = tpu.memref_slice %arg10[%dma_wait3A_532, %dma_wait3A_533, %dma_wait3A_534] : memref<8x32x128xf32, #tpu.memory_space<vmem>> -> memref<1x32x128xf32, #tpu.memory_space<vmem>>
      %dma_wait3A_536 = tpu.memref_squeeze %dma_wait3A_535 : memref<1x32x128xf32, #tpu.memory_space<vmem>> -> memref<32x128xf32, #tpu.memory_space<vmem>>
      %dma_wait3A_537 = arith.constant 0 : i32
      %dma_wait3A_538 = arith.constant 0 : i32
      %dma_wait3A_539 = tpu.memref_slice %arg3[%dma_wait3A_537, %dma_wait3A_538] : memref<32x1000000xf32, #tpu.memory_space<hbm>> -> memref<32x128xf32, #tpu.memory_space<hbm>>
      %dma_wait3A_540 = arith.constant 0 : i32
      %dma_wait3A_541 = arith.constant 0 : i32
      %dma_wait3A_542 = tpu.memref_slice %arg10[%dma_wait3A_532, %dma_wait3A_540, %dma_wait3A_541] : memref<8x32x128xf32, #tpu.memory_space<vmem>> -> memref<1x32x128xf32, #tpu.memory_space<vmem>>
      %dma_wait3A_543 = tpu.memref_squeeze %dma_wait3A_542 : memref<1x32x128xf32, #tpu.memory_space<vmem>> -> memref<32x128xf32, #tpu.memory_space<vmem>>
      %dma_wait3A_544 = arith.constant 0 : i32
      %dma_wait3A_545 = arith.constant 0 : i32
      %dma_wait3A_546 = tpu.memref_slice %arg3[%dma_wait3A_544, %dma_wait3A_545] : memref<32x1000000xf32, #tpu.memory_space<hbm>> -> memref<32x128xf32, #tpu.memory_space<hbm>>
      tpu.wait_dma2 semaphore(%arg17 : memref<!tpu.dma_semaphore, #tpu.memory_space<semaphore_mem>>) src(%dma_wait3A_546 : memref<32x128xf32, #tpu.memory_space<hbm>>) dst(%dma_wait3A_543 : memref<32x128xf32, #tpu.memory_space<vmem>>)
      %dma_wait3A_547 = arith.constant 0 : i32
      %dma_wait3A_548 = arith.constant 0 : i32
      %dma_wait3A_549 = arith.constant 0 : i32
      %dma_wait3A_550 = tpu.memref_slice %arg9[%dma_wait3A_547, %dma_wait3A_548, %dma_wait3A_549] : memref<8x32x128xf32, #tpu.memory_space<vmem>> -> memref<1x32x128xf32, #tpu.memory_space<vmem>>
      %dma_wait3A_551 = tpu.memref_squeeze %dma_wait3A_550 : memref<1x32x128xf32, #tpu.memory_space<vmem>> -> memref<32x128xf32, #tpu.memory_space<vmem>>
      %dma_wait3A_552 = arith.constant 0 : i32
      %dma_wait3A_553 = arith.constant 0 : i32
      %dma_wait3A_554 = tpu.memref_slice %arg2[%dma_wait3A_552, %dma_wait3A_553] : memref<32x1000000xf32, #tpu.memory_space<hbm>> -> memref<32x128xf32, #tpu.memory_space<hbm>>
      %dma_wait3A_555 = arith.constant 0 : i32
      %dma_wait3A_556 = arith.constant 0 : i32
      %dma_wait3A_557 = tpu.memref_slice %arg9[%dma_wait3A_547, %dma_wait3A_555, %dma_wait3A_556] : memref<8x32x128xf32, #tpu.memory_space<vmem>> -> memref<1x32x128xf32, #tpu.memory_space<vmem>>
      %dma_wait3A_558 = tpu.memref_squeeze %dma_wait3A_557 : memref<1x32x128xf32, #tpu.memory_space<vmem>> -> memref<32x128xf32, #tpu.memory_space<vmem>>
      %dma_wait3A_559 = arith.constant 0 : i32
      %dma_wait3A_560 = arith.constant 0 : i32
      %dma_wait3A_561 = tpu.memref_slice %arg2[%dma_wait3A_559, %dma_wait3A_560] : memref<32x1000000xf32, #tpu.memory_space<hbm>> -> memref<32x128xf32, #tpu.memory_space<hbm>>
      tpu.wait_dma2 semaphore(%arg13 : memref<!tpu.dma_semaphore, #tpu.memory_space<semaphore_mem>>) src(%dma_wait3A_561 : memref<32x128xf32, #tpu.memory_space<hbm>>) dst(%dma_wait3A_558 : memref<32x128xf32, #tpu.memory_space<vmem>>)
      %dma_wait3A_562 = arith.constant 0 : i32
      %dma_wait3A_563 = arith.constant 0 : i32
      %dma_wait3A_564 = arith.constant 0 : i32
      %dma_wait3A_565 = tpu.memref_slice %arg10[%dma_wait3A_562, %dma_wait3A_563, %dma_wait3A_564] : memref<8x32x128xf32, #tpu.memory_space<vmem>> -> memref<1x32x128xf32, #tpu.memory_space<vmem>>
      %dma_wait3A_566 = tpu.memref_squeeze %dma_wait3A_565 : memref<1x32x128xf32, #tpu.memory_space<vmem>> -> memref<32x128xf32, #tpu.memory_space<vmem>>
      %dma_wait3A_567 = arith.constant 0 : i32
      %dma_wait3A_568 = arith.constant 0 : i32
      %dma_wait3A_569 = tpu.memref_slice %arg3[%dma_wait3A_567, %dma_wait3A_568] : memref<32x1000000xf32, #tpu.memory_space<hbm>> -> memref<32x128xf32, #tpu.memory_space<hbm>>
      %dma_wait3A_570 = arith.constant 0 : i32
      %dma_wait3A_571 = arith.constant 0 : i32
      %dma_wait3A_572 = tpu.memref_slice %arg10[%dma_wait3A_562, %dma_wait3A_570, %dma_wait3A_571] : memref<8x32x128xf32, #tpu.memory_space<vmem>> -> memref<1x32x128xf32, #tpu.memory_space<vmem>>
      %dma_wait3A_573 = tpu.memref_squeeze %dma_wait3A_572 : memref<1x32x128xf32, #tpu.memory_space<vmem>> -> memref<32x128xf32, #tpu.memory_space<vmem>>
      %dma_wait3A_574 = arith.constant 0 : i32
      %dma_wait3A_575 = arith.constant 0 : i32
      %dma_wait3A_576 = tpu.memref_slice %arg3[%dma_wait3A_574, %dma_wait3A_575] : memref<32x1000000xf32, #tpu.memory_space<hbm>> -> memref<32x128xf32, #tpu.memory_space<hbm>>
      tpu.wait_dma2 semaphore(%arg17 : memref<!tpu.dma_semaphore, #tpu.memory_space<semaphore_mem>>) src(%dma_wait3A_576 : memref<32x128xf32, #tpu.memory_space<hbm>>) dst(%dma_wait3A_573 : memref<32x128xf32, #tpu.memory_space<vmem>>)
      %slice3A_577 = vector.extract_strided_slice %and3A_248 {offsets = [2], sizes = [1], strides = [1]} : vector<16xi32> to vector<1xi32>
      %squeeze3A_578 = vector.extract %slice3A_577[0] : i32 from vector<1xi32>
      %broadcast_in_dim3A_579 = vector.broadcast %squeeze3A_578 : i32 to vector<16xi32>
      %slice3A_580 = vector.extract_strided_slice %and3A_253 {offsets = [2], sizes = [1], strides = [1]} : vector<16xi32> to vector<1xi32>
      %squeeze3A_581 = vector.extract %slice3A_580[0] : i32 from vector<1xi32>
      %broadcast_in_dim3A_582 = vector.broadcast %squeeze3A_581 : i32 to vector<16xi32>
      %gather3A_583 = arith.constant 2 : i32
      %gather3A_584 = arith.constant 0 : i32
      %gather3A_585 = arith.constant 0 : i32
      %gather3A_586 = tpu.memref_slice %arg9[%gather3A_583, %gather3A_584, %gather3A_585] : memref<8x32x128xf32, #tpu.memory_space<vmem>> -> memref<1x32x128xf32, #tpu.memory_space<vmem>>
      %gather3A_587 = tpu.memref_squeeze %gather3A_586 : memref<1x32x128xf32, #tpu.memory_space<vmem>> -> memref<32x128xf32, #tpu.memory_space<vmem>>
      %gather3A_588 = tpu.vector_load_idx %gather3A_587[%iota3A, %broadcast_in_dim3A_579] : memref<32x128xf32, #tpu.memory_space<vmem>>[vector<16xi32>, vector<16xi32>], vector<16xf32>,
      %gather3A_589 = arith.constant 2 : i32
      %gather3A_590 = arith.constant 0 : i32
      %gather3A_591 = arith.constant 0 : i32
      %gather3A_592 = tpu.memref_slice %arg9[%gather3A_589, %gather3A_590, %gather3A_591] : memref<8x32x128xf32, #tpu.memory_space<vmem>> -> memref<1x32x128xf32, #tpu.memory_space<vmem>>
      %gather3A_593 = tpu.memref_squeeze %gather3A_592 : memref<1x32x128xf32, #tpu.memory_space<vmem>> -> memref<32x128xf32, #tpu.memory_space<vmem>>
      %gather3A_594 = tpu.vector_load_idx %gather3A_593[%add3A_5, %broadcast_in_dim3A_579] : memref<32x128xf32, #tpu.memory_space<vmem>>[vector<16xi32>, vector<16xi32>], vector<16xf32>,
      %gather3A_595 = arith.constant 2 : i32
      %gather3A_596 = arith.constant 0 : i32
      %gather3A_597 = arith.constant 0 : i32
      %gather3A_598 = tpu.memref_slice %arg10[%gather3A_595, %gather3A_596, %gather3A_597] : memref<8x32x128xf32, #tpu.memory_space<vmem>> -> memref<1x32x128xf32, #tpu.memory_space<vmem>>
      %gather3A_599 = tpu.memref_squeeze %gather3A_598 : memref<1x32x128xf32, #tpu.memory_space<vmem>> -> memref<32x128xf32, #tpu.memory_space<vmem>>
      %gather3A_600 = tpu.vector_load_idx %gather3A_599[%iota3A, %broadcast_in_dim3A_582] : memref<32x128xf32, #tpu.memory_space<vmem>>[vector<16xi32>, vector<16xi32>], vector<16xf32>,
      %gather3A_601 = arith.constant 2 : i32
      %gather3A_602 = arith.constant 0 : i32
      %gather3A_603 = arith.constant 0 : i32
      %gather3A_604 = tpu.memref_slice %arg10[%gather3A_601, %gather3A_602, %gather3A_603] : memref<8x32x128xf32, #tpu.memory_space<vmem>> -> memref<1x32x128xf32, #tpu.memory_space<vmem>>
      %gather3A_605 = tpu.memref_squeeze %gather3A_604 : memref<1x32x128xf32, #tpu.memory_space<vmem>> -> memref<32x128xf32, #tpu.memory_space<vmem>>
      %gather3A_606 = tpu.vector_load_idx %gather3A_605[%add3A_5, %broadcast_in_dim3A_582] : memref<32x128xf32, #tpu.memory_space<vmem>>[vector<16xi32>, vector<16xi32>], vector<16xf32>,
      %mul3A_607 = arith.mulf %gather3A_588, %gather3A_600 : vector<16xf32>
      %mul3A_608 = arith.mulf %gather3A_594, %gather3A_606 : vector<16xf32>
      %add3A_609 = arith.addf %mul3A_607, %mul3A_608 : vector<16xf32>
      %slice3A_610 = vector.extract_strided_slice %and3A_248 {offsets = [3], sizes = [1], strides = [1]} : vector<16xi32> to vector<1xi32>
      %squeeze3A_611 = vector.extract %slice3A_610[0] : i32 from vector<1xi32>
      %broadcast_in_dim3A_612 = vector.broadcast %squeeze3A_611 : i32 to vector<16xi32>
      %slice3A_613 = vector.extract_strided_slice %and3A_253 {offsets = [3], sizes = [1], strides = [1]} : vector<16xi32> to vector<1xi32>
      %squeeze3A_614 = vector.extract %slice3A_613[0] : i32 from vector<1xi32>
      %broadcast_in_dim3A_615 = vector.broadcast %squeeze3A_614 : i32 to vector<16xi32>
      %gather3A_616 = arith.constant 3 : i32
      %gather3A_617 = arith.constant 0 : i32
      %gather3A_618 = arith.constant 0 : i32
      %gather3A_619 = tpu.memref_slice %arg9[%gather3A_616, %gather3A_617, %gather3A_618] : memref<8x32x128xf32, #tpu.memory_space<vmem>> -> memref<1x32x128xf32, #tpu.memory_space<vmem>>
      %gather3A_620 = tpu.memref_squeeze %gather3A_619 : memref<1x32x128xf32, #tpu.memory_space<vmem>> -> memref<32x128xf32, #tpu.memory_space<vmem>>
      %gather3A_621 = tpu.vector_load_idx %gather3A_620[%iota3A, %broadcast_in_dim3A_612] : memref<32x128xf32, #tpu.memory_space<vmem>>[vector<16xi32>, vector<16xi32>], vector<16xf32>,
      %gather3A_622 = arith.constant 3 : i32
      %gather3A_623 = arith.constant 0 : i32
      %gather3A_624 = arith.constant 0 : i32
      %gather3A_625 = tpu.memref_slice %arg9[%gather3A_622, %gather3A_623, %gather3A_624] : memref<8x32x128xf32, #tpu.memory_space<vmem>> -> memref<1x32x128xf32, #tpu.memory_space<vmem>>
      %gather3A_626 = tpu.memref_squeeze %gather3A_625 : memref<1x32x128xf32, #tpu.memory_space<vmem>> -> memref<32x128xf32, #tpu.memory_space<vmem>>
      %gather3A_627 = tpu.vector_load_idx %gather3A_626[%add3A_5, %broadcast_in_dim3A_612] : memref<32x128xf32, #tpu.memory_space<vmem>>[vector<16xi32>, vector<16xi32>], vector<16xf32>,
      %gather3A_628 = arith.constant 3 : i32
      %gather3A_629 = arith.constant 0 : i32
      %gather3A_630 = arith.constant 0 : i32
      %gather3A_631 = tpu.memref_slice %arg10[%gather3A_628, %gather3A_629, %gather3A_630] : memref<8x32x128xf32, #tpu.memory_space<vmem>> -> memref<1x32x128xf32, #tpu.memory_space<vmem>>
      %gather3A_632 = tpu.memref_squeeze %gather3A_631 : memref<1x32x128xf32, #tpu.memory_space<vmem>> -> memref<32x128xf32, #tpu.memory_space<vmem>>
      %gather3A_633 = tpu.vector_load_idx %gather3A_632[%iota3A, %broadcast_in_dim3A_615] : memref<32x128xf32, #tpu.memory_space<vmem>>[vector<16xi32>, vector<16xi32>], vector<16xf32>,
      %gather3A_634 = arith.constant 3 : i32
      %gather3A_635 = arith.constant 0 : i32
      %gather3A_636 = arith.constant 0 : i32
      %gather3A_637 = tpu.memref_slice %arg10[%gather3A_634, %gather3A_635, %gather3A_636] : memref<8x32x128xf32, #tpu.memory_space<vmem>> -> memref<1x32x128xf32, #tpu.memory_space<vmem>>
      %gather3A_638 = tpu.memref_squeeze %gather3A_637 : memref<1x32x128xf32, #tpu.memory_space<vmem>> -> memref<32x128xf32, #tpu.memory_space<vmem>>
      %gather3A_639 = tpu.vector_load_idx %gather3A_638[%add3A_5, %broadcast_in_dim3A_615] : memref<32x128xf32, #tpu.memory_space<vmem>>[vector<16xi32>, vector<16xi32>], vector<16xf32>,
      %mul3A_640 = arith.mulf %gather3A_621, %gather3A_633 : vector<16xf32>
      %mul3A_641 = arith.mulf %gather3A_627, %gather3A_639 : vector<16xf32>
      %add3A_642 = arith.addf %mul3A_640, %mul3A_641 : vector<16xf32>
      %slice3A_643 = vector.extract_strided_slice %and3A_260 {offsets = [10], sizes = [1], strides = [1]} : vector<16xi32> to vector<1xi32>
      %squeeze3A_644 = vector.extract %slice3A_643[0] : i32 from vector<1xi32>
      %multiple_of3A_645 = tpu.assume_multiple %squeeze3A_644, 128 : i32
      %dma_start3A_646 = arith.constant 2 : i32
      %dma_start3A_647 = arith.constant 0 : i32
      %dma_start3A_648 = arith.constant 0 : i32
      %dma_start3A_649 = tpu.memref_slice %arg9[%dma_start3A_646, %dma_start3A_647, %dma_start3A_648] : memref<8x32x128xf32, #tpu.memory_space<vmem>> -> memref<1x32x128xf32, #tpu.memory_space<vmem>>
      %dma_start3A_650 = tpu.memref_squeeze %dma_start3A_649 : memref<1x32x128xf32, #tpu.memory_space<vmem>> -> memref<32x128xf32, #tpu.memory_space<vmem>>
      %dma_start3A_651 = arith.constant 0 : i32
      %dma_start3A_652 = tpu.memref_slice %arg2[%dma_start3A_651, %multiple_of3A_645] : memref<32x1000000xf32, #tpu.memory_space<hbm>> -> memref<32x128xf32, #tpu.memory_space<hbm>>
      %dma_start3A_653 = arith.constant 0 : i32
      %dma_start3A_654 = arith.constant 0 : i32
      %dma_start3A_655 = tpu.memref_slice %arg9[%dma_start3A_646, %dma_start3A_653, %dma_start3A_654] : memref<8x32x128xf32, #tpu.memory_space<vmem>> -> memref<1x32x128xf32, #tpu.memory_space<vmem>>
      %dma_start3A_656 = tpu.memref_squeeze %dma_start3A_655 : memref<1x32x128xf32, #tpu.memory_space<vmem>> -> memref<32x128xf32, #tpu.memory_space<vmem>>
      %dma_start3A_657 = arith.constant 0 : i32
      %dma_start3A_658 = tpu.memref_slice %arg2[%dma_start3A_657, %multiple_of3A_645] : memref<32x1000000xf32, #tpu.memory_space<hbm>> -> memref<32x128xf32, #tpu.memory_space<hbm>>
      tpu.enqueue_dma source(%dma_start3A_658 : memref<32x128xf32, #tpu.memory_space<hbm>>) target(%dma_start3A_656 : memref<32x128xf32, #tpu.memory_space<vmem>>) target_semaphore(%arg13 : memref<!tpu.dma_semaphore, #tpu.memory_space<semaphore_mem>>)
      %slice3A_659 = vector.extract_strided_slice %and3A_265 {offsets = [10], sizes = [1], strides = [1]} : vector<16xi32> to vector<1xi32>
      %squeeze3A_660 = vector.extract %slice3A_659[0] : i32 from vector<1xi32>
      %multiple_of3A_661 = tpu.assume_multiple %squeeze3A_660, 128 : i32
      %dma_start3A_662 = arith.constant 2 : i32
      %dma_start3A_663 = arith.constant 0 : i32
      %dma_start3A_664 = arith.constant 0 : i32
      %dma_start3A_665 = tpu.memref_slice %arg10[%dma_start3A_662, %dma_start3A_663, %dma_start3A_664] : memref<8x32x128xf32, #tpu.memory_space<vmem>> -> memref<1x32x128xf32, #tpu.memory_space<vmem>>
      %dma_start3A_666 = tpu.memref_squeeze %dma_start3A_665 : memref<1x32x128xf32, #tpu.memory_space<vmem>> -> memref<32x128xf32, #tpu.memory_space<vmem>>
      %dma_start3A_667 = arith.constant 0 : i32
      %dma_start3A_668 = tpu.memref_slice %arg3[%dma_start3A_667, %multiple_of3A_661] : memref<32x1000000xf32, #tpu.memory_space<hbm>> -> memref<32x128xf32, #tpu.memory_space<hbm>>
      %dma_start3A_669 = arith.constant 0 : i32
      %dma_start3A_670 = arith.constant 0 : i32
      %dma_start3A_671 = tpu.memref_slice %arg10[%dma_start3A_662, %dma_start3A_669, %dma_start3A_670] : memref<8x32x128xf32, #tpu.memory_space<vmem>> -> memref<1x32x128xf32, #tpu.memory_space<vmem>>
      %dma_start3A_672 = tpu.memref_squeeze %dma_start3A_671 : memref<1x32x128xf32, #tpu.memory_space<vmem>> -> memref<32x128xf32, #tpu.memory_space<vmem>>
      %dma_start3A_673 = arith.constant 0 : i32
      %dma_start3A_674 = tpu.memref_slice %arg3[%dma_start3A_673, %multiple_of3A_661] : memref<32x1000000xf32, #tpu.memory_space<hbm>> -> memref<32x128xf32, #tpu.memory_space<hbm>>
      tpu.enqueue_dma source(%dma_start3A_674 : memref<32x128xf32, #tpu.memory_space<hbm>>) target(%dma_start3A_672 : memref<32x128xf32, #tpu.memory_space<vmem>>) target_semaphore(%arg17 : memref<!tpu.dma_semaphore, #tpu.memory_space<semaphore_mem>>)
      %slice3A_675 = vector.extract_strided_slice %and3A_260 {offsets = [11], sizes = [1], strides = [1]} : vector<16xi32> to vector<1xi32>
      %squeeze3A_676 = vector.extract %slice3A_675[0] : i32 from vector<1xi32>
      %multiple_of3A_677 = tpu.assume_multiple %squeeze3A_676, 128 : i32
      %dma_start3A_678 = arith.constant 3 : i32
      %dma_start3A_679 = arith.constant 0 : i32
      %dma_start3A_680 = arith.constant 0 : i32
      %dma_start3A_681 = tpu.memref_slice %arg9[%dma_start3A_678, %dma_start3A_679, %dma_start3A_680] : memref<8x32x128xf32, #tpu.memory_space<vmem>> -> memref<1x32x128xf32, #tpu.memory_space<vmem>>
      %dma_start3A_682 = tpu.memref_squeeze %dma_start3A_681 : memref<1x32x128xf32, #tpu.memory_space<vmem>> -> memref<32x128xf32, #tpu.memory_space<vmem>>
      %dma_start3A_683 = arith.constant 0 : i32
      %dma_start3A_684 = tpu.memref_slice %arg2[%dma_start3A_683, %multiple_of3A_677] : memref<32x1000000xf32, #tpu.memory_space<hbm>> -> memref<32x128xf32, #tpu.memory_space<hbm>>
      %dma_start3A_685 = arith.constant 0 : i32
      %dma_start3A_686 = arith.constant 0 : i32
      %dma_start3A_687 = tpu.memref_slice %arg9[%dma_start3A_678, %dma_start3A_685, %dma_start3A_686] : memref<8x32x128xf32, #tpu.memory_space<vmem>> -> memref<1x32x128xf32, #tpu.memory_space<vmem>>
      %dma_start3A_688 = tpu.memref_squeeze %dma_start3A_687 : memref<1x32x128xf32, #tpu.memory_space<vmem>> -> memref<32x128xf32, #tpu.memory_space<vmem>>
      %dma_start3A_689 = arith.constant 0 : i32
      %dma_start3A_690 = tpu.memref_slice %arg2[%dma_start3A_689, %multiple_of3A_677] : memref<32x1000000xf32, #tpu.memory_space<hbm>> -> memref<32x128xf32, #tpu.memory_space<hbm>>
      tpu.enqueue_dma source(%dma_start3A_690 : memref<32x128xf32, #tpu.memory_space<hbm>>) target(%dma_start3A_688 : memref<32x128xf32, #tpu.memory_space<vmem>>) target_semaphore(%arg13 : memref<!tpu.dma_semaphore, #tpu.memory_space<semaphore_mem>>)
      %slice3A_691 = vector.extract_strided_slice %and3A_265 {offsets = [11], sizes = [1], strides = [1]} : vector<16xi32> to vector<1xi32>
      %squeeze3A_692 = vector.extract %slice3A_691[0] : i32 from vector<1xi32>
      %multiple_of3A_693 = tpu.assume_multiple %squeeze3A_692, 128 : i32
      %dma_start3A_694 = arith.constant 3 : i32
      %dma_start3A_695 = arith.constant 0 : i32
      %dma_start3A_696 = arith.constant 0 : i32
      %dma_start3A_697 = tpu.memref_slice %arg10[%dma_start3A_694, %dma_start3A_695, %dma_start3A_696] : memref<8x32x128xf32, #tpu.memory_space<vmem>> -> memref<1x32x128xf32, #tpu.memory_space<vmem>>
      %dma_start3A_698 = tpu.memref_squeeze %dma_start3A_697 : memref<1x32x128xf32, #tpu.memory_space<vmem>> -> memref<32x128xf32, #tpu.memory_space<vmem>>
      %dma_start3A_699 = arith.constant 0 : i32
      %dma_start3A_700 = tpu.memref_slice %arg3[%dma_start3A_699, %multiple_of3A_693] : memref<32x1000000xf32, #tpu.memory_space<hbm>> -> memref<32x128xf32, #tpu.memory_space<hbm>>
      %dma_start3A_701 = arith.constant 0 : i32
      %dma_start3A_702 = arith.constant 0 : i32
      %dma_start3A_703 = tpu.memref_slice %arg10[%dma_start3A_694, %dma_start3A_701, %dma_start3A_702] : memref<8x32x128xf32, #tpu.memory_space<vmem>> -> memref<1x32x128xf32, #tpu.memory_space<vmem>>
      %dma_start3A_704 = tpu.memref_squeeze %dma_start3A_703 : memref<1x32x128xf32, #tpu.memory_space<vmem>> -> memref<32x128xf32, #tpu.memory_space<vmem>>
      %dma_start3A_705 = arith.constant 0 : i32
      %dma_start3A_706 = tpu.memref_slice %arg3[%dma_start3A_705, %multiple_of3A_693] : memref<32x1000000xf32, #tpu.memory_space<hbm>> -> memref<32x128xf32, #tpu.memory_space<hbm>>
      tpu.enqueue_dma source(%dma_start3A_706 : memref<32x128xf32, #tpu.memory_space<hbm>>) target(%dma_start3A_704 : memref<32x128xf32, #tpu.memory_space<vmem>>) target_semaphore(%arg17 : memref<!tpu.dma_semaphore, #tpu.memory_space<semaphore_mem>>)
      %dma_wait3A_707 = arith.constant 0 : i32
      %dma_wait3A_708 = arith.constant 0 : i32
      %dma_wait3A_709 = arith.constant 0 : i32
      %dma_wait3A_710 = tpu.memref_slice %arg9[%dma_wait3A_707, %dma_wait3A_708, %dma_wait3A_709] : memref<8x32x128xf32, #tpu.memory_space<vmem>> -> memref<1x32x128xf32, #tpu.memory_space<vmem>>
      %dma_wait3A_711 = tpu.memref_squeeze %dma_wait3A_710 : memref<1x32x128xf32, #tpu.memory_space<vmem>> -> memref<32x128xf32, #tpu.memory_space<vmem>>
      %dma_wait3A_712 = arith.constant 0 : i32
      %dma_wait3A_713 = arith.constant 0 : i32
      %dma_wait3A_714 = tpu.memref_slice %arg2[%dma_wait3A_712, %dma_wait3A_713] : memref<32x1000000xf32, #tpu.memory_space<hbm>> -> memref<32x128xf32, #tpu.memory_space<hbm>>
      %dma_wait3A_715 = arith.constant 0 : i32
      %dma_wait3A_716 = arith.constant 0 : i32
      %dma_wait3A_717 = tpu.memref_slice %arg9[%dma_wait3A_707, %dma_wait3A_715, %dma_wait3A_716] : memref<8x32x128xf32, #tpu.memory_space<vmem>> -> memref<1x32x128xf32, #tpu.memory_space<vmem>>
      %dma_wait3A_718 = tpu.memref_squeeze %dma_wait3A_717 : memref<1x32x128xf32, #tpu.memory_space<vmem>> -> memref<32x128xf32, #tpu.memory_space<vmem>>
      %dma_wait3A_719 = arith.constant 0 : i32
      %dma_wait3A_720 = arith.constant 0 : i32
      %dma_wait3A_721 = tpu.memref_slice %arg2[%dma_wait3A_719, %dma_wait3A_720] : memref<32x1000000xf32, #tpu.memory_space<hbm>> -> memref<32x128xf32, #tpu.memory_space<hbm>>
      tpu.wait_dma2 semaphore(%arg14 : memref<!tpu.dma_semaphore, #tpu.memory_space<semaphore_mem>>) src(%dma_wait3A_721 : memref<32x128xf32, #tpu.memory_space<hbm>>) dst(%dma_wait3A_718 : memref<32x128xf32, #tpu.memory_space<vmem>>)
      %dma_wait3A_722 = arith.constant 0 : i32
      %dma_wait3A_723 = arith.constant 0 : i32
      %dma_wait3A_724 = arith.constant 0 : i32
      %dma_wait3A_725 = tpu.memref_slice %arg10[%dma_wait3A_722, %dma_wait3A_723, %dma_wait3A_724] : memref<8x32x128xf32, #tpu.memory_space<vmem>> -> memref<1x32x128xf32, #tpu.memory_space<vmem>>
      %dma_wait3A_726 = tpu.memref_squeeze %dma_wait3A_725 : memref<1x32x128xf32, #tpu.memory_space<vmem>> -> memref<32x128xf32, #tpu.memory_space<vmem>>
      %dma_wait3A_727 = arith.constant 0 : i32
      %dma_wait3A_728 = arith.constant 0 : i32
      %dma_wait3A_729 = tpu.memref_slice %arg3[%dma_wait3A_727, %dma_wait3A_728] : memref<32x1000000xf32, #tpu.memory_space<hbm>> -> memref<32x128xf32, #tpu.memory_space<hbm>>
      %dma_wait3A_730 = arith.constant 0 : i32
      %dma_wait3A_731 = arith.constant 0 : i32
      %dma_wait3A_732 = tpu.memref_slice %arg10[%dma_wait3A_722, %dma_wait3A_730, %dma_wait3A_731] : memref<8x32x128xf32, #tpu.memory_space<vmem>> -> memref<1x32x128xf32, #tpu.memory_space<vmem>>
      %dma_wait3A_733 = tpu.memref_squeeze %dma_wait3A_732 : memref<1x32x128xf32, #tpu.memory_space<vmem>> -> memref<32x128xf32, #tpu.memory_space<vmem>>
      %dma_wait3A_734 = arith.constant 0 : i32
      %dma_wait3A_735 = arith.constant 0 : i32
      %dma_wait3A_736 = tpu.memref_slice %arg3[%dma_wait3A_734, %dma_wait3A_735] : memref<32x1000000xf32, #tpu.memory_space<hbm>> -> memref<32x128xf32, #tpu.memory_space<hbm>>
      tpu.wait_dma2 semaphore(%arg18 : memref<!tpu.dma_semaphore, #tpu.memory_space<semaphore_mem>>) src(%dma_wait3A_736 : memref<32x128xf32, #tpu.memory_space<hbm>>) dst(%dma_wait3A_733 : memref<32x128xf32, #tpu.memory_space<vmem>>)
      %dma_wait3A_737 = arith.constant 0 : i32
      %dma_wait3A_738 = arith.constant 0 : i32
      %dma_wait3A_739 = arith.constant 0 : i32
      %dma_wait3A_740 = tpu.memref_slice %arg9[%dma_wait3A_737, %dma_wait3A_738, %dma_wait3A_739] : memref<8x32x128xf32, #tpu.memory_space<vmem>> -> memref<1x32x128xf32, #tpu.memory_space<vmem>>
      %dma_wait3A_741 = tpu.memref_squeeze %dma_wait3A_740 : memref<1x32x128xf32, #tpu.memory_space<vmem>> -> memref<32x128xf32, #tpu.memory_space<vmem>>
      %dma_wait3A_742 = arith.constant 0 : i32
      %dma_wait3A_743 = arith.constant 0 : i32
      %dma_wait3A_744 = tpu.memref_slice %arg2[%dma_wait3A_742, %dma_wait3A_743] : memref<32x1000000xf32, #tpu.memory_space<hbm>> -> memref<32x128xf32, #tpu.memory_space<hbm>>
      %dma_wait3A_745 = arith.constant 0 : i32
      %dma_wait3A_746 = arith.constant 0 : i32
      %dma_wait3A_747 = tpu.memref_slice %arg9[%dma_wait3A_737, %dma_wait3A_745, %dma_wait3A_746] : memref<8x32x128xf32, #tpu.memory_space<vmem>> -> memref<1x32x128xf32, #tpu.memory_space<vmem>>
      %dma_wait3A_748 = tpu.memref_squeeze %dma_wait3A_747 : memref<1x32x128xf32, #tpu.memory_space<vmem>> -> memref<32x128xf32, #tpu.memory_space<vmem>>
      %dma_wait3A_749 = arith.constant 0 : i32
      %dma_wait3A_750 = arith.constant 0 : i32
      %dma_wait3A_751 = tpu.memref_slice %arg2[%dma_wait3A_749, %dma_wait3A_750] : memref<32x1000000xf32, #tpu.memory_space<hbm>> -> memref<32x128xf32, #tpu.memory_space<hbm>>
      tpu.wait_dma2 semaphore(%arg14 : memref<!tpu.dma_semaphore, #tpu.memory_space<semaphore_mem>>) src(%dma_wait3A_751 : memref<32x128xf32, #tpu.memory_space<hbm>>) dst(%dma_wait3A_748 : memref<32x128xf32, #tpu.memory_space<vmem>>)
      %dma_wait3A_752 = arith.constant 0 : i32
      %dma_wait3A_753 = arith.constant 0 : i32
      %dma_wait3A_754 = arith.constant 0 : i32
      %dma_wait3A_755 = tpu.memref_slice %arg10[%dma_wait3A_752, %dma_wait3A_753, %dma_wait3A_754] : memref<8x32x128xf32, #tpu.memory_space<vmem>> -> memref<1x32x128xf32, #tpu.memory_space<vmem>>
      %dma_wait3A_756 = tpu.memref_squeeze %dma_wait3A_755 : memref<1x32x128xf32, #tpu.memory_space<vmem>> -> memref<32x128xf32, #tpu.memory_space<vmem>>
      %dma_wait3A_757 = arith.constant 0 : i32
      %dma_wait3A_758 = arith.constant 0 : i32
      %dma_wait3A_759 = tpu.memref_slice %arg3[%dma_wait3A_757, %dma_wait3A_758] : memref<32x1000000xf32, #tpu.memory_space<hbm>> -> memref<32x128xf32, #tpu.memory_space<hbm>>
      %dma_wait3A_760 = arith.constant 0 : i32
      %dma_wait3A_761 = arith.constant 0 : i32
      %dma_wait3A_762 = tpu.memref_slice %arg10[%dma_wait3A_752, %dma_wait3A_760, %dma_wait3A_761] : memref<8x32x128xf32, #tpu.memory_space<vmem>> -> memref<1x32x128xf32, #tpu.memory_space<vmem>>
      %dma_wait3A_763 = tpu.memref_squeeze %dma_wait3A_762 : memref<1x32x128xf32, #tpu.memory_space<vmem>> -> memref<32x128xf32, #tpu.memory_space<vmem>>
      %dma_wait3A_764 = arith.constant 0 : i32
      %dma_wait3A_765 = arith.constant 0 : i32
      %dma_wait3A_766 = tpu.memref_slice %arg3[%dma_wait3A_764, %dma_wait3A_765] : memref<32x1000000xf32, #tpu.memory_space<hbm>> -> memref<32x128xf32, #tpu.memory_space<hbm>>
      tpu.wait_dma2 semaphore(%arg18 : memref<!tpu.dma_semaphore, #tpu.memory_space<semaphore_mem>>) src(%dma_wait3A_766 : memref<32x128xf32, #tpu.memory_space<hbm>>) dst(%dma_wait3A_763 : memref<32x128xf32, #tpu.memory_space<vmem>>)
      %slice3A_767 = vector.extract_strided_slice %and3A_248 {offsets = [4], sizes = [1], strides = [1]} : vector<16xi32> to vector<1xi32>
      %squeeze3A_768 = vector.extract %slice3A_767[0] : i32 from vector<1xi32>
      %broadcast_in_dim3A_769 = vector.broadcast %squeeze3A_768 : i32 to vector<16xi32>
      %slice3A_770 = vector.extract_strided_slice %and3A_253 {offsets = [4], sizes = [1], strides = [1]} : vector<16xi32> to vector<1xi32>
      %squeeze3A_771 = vector.extract %slice3A_770[0] : i32 from vector<1xi32>
      %broadcast_in_dim3A_772 = vector.broadcast %squeeze3A_771 : i32 to vector<16xi32>
      %gather3A_773 = arith.constant 4 : i32
      %gather3A_774 = arith.constant 0 : i32
      %gather3A_775 = arith.constant 0 : i32
      %gather3A_776 = tpu.memref_slice %arg9[%gather3A_773, %gather3A_774, %gather3A_775] : memref<8x32x128xf32, #tpu.memory_space<vmem>> -> memref<1x32x128xf32, #tpu.memory_space<vmem>>
      %gather3A_777 = tpu.memref_squeeze %gather3A_776 : memref<1x32x128xf32, #tpu.memory_space<vmem>> -> memref<32x128xf32, #tpu.memory_space<vmem>>
      %gather3A_778 = tpu.vector_load_idx %gather3A_777[%iota3A, %broadcast_in_dim3A_769] : memref<32x128xf32, #tpu.memory_space<vmem>>[vector<16xi32>, vector<16xi32>], vector<16xf32>,
      %gather3A_779 = arith.constant 4 : i32
      %gather3A_780 = arith.constant 0 : i32
      %gather3A_781 = arith.constant 0 : i32
      %gather3A_782 = tpu.memref_slice %arg9[%gather3A_779, %gather3A_780, %gather3A_781] : memref<8x32x128xf32, #tpu.memory_space<vmem>> -> memref<1x32x128xf32, #tpu.memory_space<vmem>>
      %gather3A_783 = tpu.memref_squeeze %gather3A_782 : memref<1x32x128xf32, #tpu.memory_space<vmem>> -> memref<32x128xf32, #tpu.memory_space<vmem>>
      %gather3A_784 = tpu.vector_load_idx %gather3A_783[%add3A_5, %broadcast_in_dim3A_769] : memref<32x128xf32, #tpu.memory_space<vmem>>[vector<16xi32>, vector<16xi32>], vector<16xf32>,
      %gather3A_785 = arith.constant 4 : i32
      %gather3A_786 = arith.constant 0 : i32
      %gather3A_787 = arith.constant 0 : i32
      %gather3A_788 = tpu.memref_slice %arg10[%gather3A_785, %gather3A_786, %gather3A_787] : memref<8x32x128xf32, #tpu.memory_space<vmem>> -> memref<1x32x128xf32, #tpu.memory_space<vmem>>
      %gather3A_789 = tpu.memref_squeeze %gather3A_788 : memref<1x32x128xf32, #tpu.memory_space<vmem>> -> memref<32x128xf32, #tpu.memory_space<vmem>>
      %gather3A_790 = tpu.vector_load_idx %gather3A_789[%iota3A, %broadcast_in_dim3A_772] : memref<32x128xf32, #tpu.memory_space<vmem>>[vector<16xi32>, vector<16xi32>], vector<16xf32>,
      %gather3A_791 = arith.constant 4 : i32
      %gather3A_792 = arith.constant 0 : i32
      %gather3A_793 = arith.constant 0 : i32
      %gather3A_794 = tpu.memref_slice %arg10[%gather3A_791, %gather3A_792, %gather3A_793] : memref<8x32x128xf32, #tpu.memory_space<vmem>> -> memref<1x32x128xf32, #tpu.memory_space<vmem>>
      %gather3A_795 = tpu.memref_squeeze %gather3A_794 : memref<1x32x128xf32, #tpu.memory_space<vmem>> -> memref<32x128xf32, #tpu.memory_space<vmem>>
      %gather3A_796 = tpu.vector_load_idx %gather3A_795[%add3A_5, %broadcast_in_dim3A_772] : memref<32x128xf32, #tpu.memory_space<vmem>>[vector<16xi32>, vector<16xi32>], vector<16xf32>,
      %mul3A_797 = arith.mulf %gather3A_778, %gather3A_790 : vector<16xf32>
      %mul3A_798 = arith.mulf %gather3A_784, %gather3A_796 : vector<16xf32>
      %add3A_799 = arith.addf %mul3A_797, %mul3A_798 : vector<16xf32>
      %slice3A_800 = vector.extract_strided_slice %and3A_248 {offsets = [5], sizes = [1], strides = [1]} : vector<16xi32> to vector<1xi32>
      %squeeze3A_801 = vector.extract %slice3A_800[0] : i32 from vector<1xi32>
      %broadcast_in_dim3A_802 = vector.broadcast %squeeze3A_801 : i32 to vector<16xi32>
      %slice3A_803 = vector.extract_strided_slice %and3A_253 {offsets = [5], sizes = [1], strides = [1]} : vector<16xi32> to vector<1xi32>
      %squeeze3A_804 = vector.extract %slice3A_803[0] : i32 from vector<1xi32>
      %broadcast_in_dim3A_805 = vector.broadcast %squeeze3A_804 : i32 to vector<16xi32>
      %gather3A_806 = arith.constant 5 : i32
      %gather3A_807 = arith.constant 0 : i32
      %gather3A_808 = arith.constant 0 : i32
      %gather3A_809 = tpu.memref_slice %arg9[%gather3A_806, %gather3A_807, %gather3A_808] : memref<8x32x128xf32, #tpu.memory_space<vmem>> -> memref<1x32x128xf32, #tpu.memory_space<vmem>>
      %gather3A_810 = tpu.memref_squeeze %gather3A_809 : memref<1x32x128xf32, #tpu.memory_space<vmem>> -> memref<32x128xf32, #tpu.memory_space<vmem>>
      %gather3A_811 = tpu.vector_load_idx %gather3A_810[%iota3A, %broadcast_in_dim3A_802] : memref<32x128xf32, #tpu.memory_space<vmem>>[vector<16xi32>, vector<16xi32>], vector<16xf32>,
      %gather3A_812 = arith.constant 5 : i32
      %gather3A_813 = arith.constant 0 : i32
      %gather3A_814 = arith.constant 0 : i32
      %gather3A_815 = tpu.memref_slice %arg9[%gather3A_812, %gather3A_813, %gather3A_814] : memref<8x32x128xf32, #tpu.memory_space<vmem>> -> memref<1x32x128xf32, #tpu.memory_space<vmem>>
      %gather3A_816 = tpu.memref_squeeze %gather3A_815 : memref<1x32x128xf32, #tpu.memory_space<vmem>> -> memref<32x128xf32, #tpu.memory_space<vmem>>
      %gather3A_817 = tpu.vector_load_idx %gather3A_816[%add3A_5, %broadcast_in_dim3A_802] : memref<32x128xf32, #tpu.memory_space<vmem>>[vector<16xi32>, vector<16xi32>], vector<16xf32>,
      %gather3A_818 = arith.constant 5 : i32
      %gather3A_819 = arith.constant 0 : i32
      %gather3A_820 = arith.constant 0 : i32
      %gather3A_821 = tpu.memref_slice %arg10[%gather3A_818, %gather3A_819, %gather3A_820] : memref<8x32x128xf32, #tpu.memory_space<vmem>> -> memref<1x32x128xf32, #tpu.memory_space<vmem>>
      %gather3A_822 = tpu.memref_squeeze %gather3A_821 : memref<1x32x128xf32, #tpu.memory_space<vmem>> -> memref<32x128xf32, #tpu.memory_space<vmem>>
      %gather3A_823 = tpu.vector_load_idx %gather3A_822[%iota3A, %broadcast_in_dim3A_805] : memref<32x128xf32, #tpu.memory_space<vmem>>[vector<16xi32>, vector<16xi32>], vector<16xf32>,
      %gather3A_824 = arith.constant 5 : i32
      %gather3A_825 = arith.constant 0 : i32
      %gather3A_826 = arith.constant 0 : i32
      %gather3A_827 = tpu.memref_slice %arg10[%gather3A_824, %gather3A_825, %gather3A_826] : memref<8x32x128xf32, #tpu.memory_space<vmem>> -> memref<1x32x128xf32, #tpu.memory_space<vmem>>
      %gather3A_828 = tpu.memref_squeeze %gather3A_827 : memref<1x32x128xf32, #tpu.memory_space<vmem>> -> memref<32x128xf32, #tpu.memory_space<vmem>>
      %gather3A_829 = tpu.vector_load_idx %gather3A_828[%add3A_5, %broadcast_in_dim3A_805] : memref<32x128xf32, #tpu.memory_space<vmem>>[vector<16xi32>, vector<16xi32>], vector<16xf32>,
      %mul3A_830 = arith.mulf %gather3A_811, %gather3A_823 : vector<16xf32>
      %mul3A_831 = arith.mulf %gather3A_817, %gather3A_829 : vector<16xf32>
      %add3A_832 = arith.addf %mul3A_830, %mul3A_831 : vector<16xf32>
      %slice3A_833 = vector.extract_strided_slice %and3A_260 {offsets = [12], sizes = [1], strides = [1]} : vector<16xi32> to vector<1xi32>
      %squeeze3A_834 = vector.extract %slice3A_833[0] : i32 from vector<1xi32>
      %multiple_of3A_835 = tpu.assume_multiple %squeeze3A_834, 128 : i32
      %dma_start3A_836 = arith.constant 4 : i32
      %dma_start3A_837 = arith.constant 0 : i32
      %dma_start3A_838 = arith.constant 0 : i32
      %dma_start3A_839 = tpu.memref_slice %arg9[%dma_start3A_836, %dma_start3A_837, %dma_start3A_838] : memref<8x32x128xf32, #tpu.memory_space<vmem>> -> memref<1x32x128xf32, #tpu.memory_space<vmem>>
      %dma_start3A_840 = tpu.memref_squeeze %dma_start3A_839 : memref<1x32x128xf32, #tpu.memory_space<vmem>> -> memref<32x128xf32, #tpu.memory_space<vmem>>
      %dma_start3A_841 = arith.constant 0 : i32
      %dma_start3A_842 = tpu.memref_slice %arg2[%dma_start3A_841, %multiple_of3A_835] : memref<32x1000000xf32, #tpu.memory_space<hbm>> -> memref<32x128xf32, #tpu.memory_space<hbm>>
      %dma_start3A_843 = arith.constant 0 : i32
      %dma_start3A_844 = arith.constant 0 : i32
      %dma_start3A_845 = tpu.memref_slice %arg9[%dma_start3A_836, %dma_start3A_843, %dma_start3A_844] : memref<8x32x128xf32, #tpu.memory_space<vmem>> -> memref<1x32x128xf32, #tpu.memory_space<vmem>>
      %dma_start3A_846 = tpu.memref_squeeze %dma_start3A_845 : memref<1x32x128xf32, #tpu.memory_space<vmem>> -> memref<32x128xf32, #tpu.memory_space<vmem>>
      %dma_start3A_847 = arith.constant 0 : i32
      %dma_start3A_848 = tpu.memref_slice %arg2[%dma_start3A_847, %multiple_of3A_835] : memref<32x1000000xf32, #tpu.memory_space<hbm>> -> memref<32x128xf32, #tpu.memory_space<hbm>>
      tpu.enqueue_dma source(%dma_start3A_848 : memref<32x128xf32, #tpu.memory_space<hbm>>) target(%dma_start3A_846 : memref<32x128xf32, #tpu.memory_space<vmem>>) target_semaphore(%arg14 : memref<!tpu.dma_semaphore, #tpu.memory_space<semaphore_mem>>)
      %slice3A_849 = vector.extract_strided_slice %and3A_265 {offsets = [12], sizes = [1], strides = [1]} : vector<16xi32> to vector<1xi32>
      %squeeze3A_850 = vector.extract %slice3A_849[0] : i32 from vector<1xi32>
      %multiple_of3A_851 = tpu.assume_multiple %squeeze3A_850, 128 : i32
      %dma_start3A_852 = arith.constant 4 : i32
      %dma_start3A_853 = arith.constant 0 : i32
      %dma_start3A_854 = arith.constant 0 : i32
      %dma_start3A_855 = tpu.memref_slice %arg10[%dma_start3A_852, %dma_start3A_853, %dma_start3A_854] : memref<8x32x128xf32, #tpu.memory_space<vmem>> -> memref<1x32x128xf32, #tpu.memory_space<vmem>>
      %dma_start3A_856 = tpu.memref_squeeze %dma_start3A_855 : memref<1x32x128xf32, #tpu.memory_space<vmem>> -> memref<32x128xf32, #tpu.memory_space<vmem>>
      %dma_start3A_857 = arith.constant 0 : i32
      %dma_start3A_858 = tpu.memref_slice %arg3[%dma_start3A_857, %multiple_of3A_851] : memref<32x1000000xf32, #tpu.memory_space<hbm>> -> memref<32x128xf32, #tpu.memory_space<hbm>>
      %dma_start3A_859 = arith.constant 0 : i32
      %dma_start3A_860 = arith.constant 0 : i32
      %dma_start3A_861 = tpu.memref_slice %arg10[%dma_start3A_852, %dma_start3A_859, %dma_start3A_860] : memref<8x32x128xf32, #tpu.memory_space<vmem>> -> memref<1x32x128xf32, #tpu.memory_space<vmem>>
      %dma_start3A_862 = tpu.memref_squeeze %dma_start3A_861 : memref<1x32x128xf32, #tpu.memory_space<vmem>> -> memref<32x128xf32, #tpu.memory_space<vmem>>
      %dma_start3A_863 = arith.constant 0 : i32
      %dma_start3A_864 = tpu.memref_slice %arg3[%dma_start3A_863, %multiple_of3A_851] : memref<32x1000000xf32, #tpu.memory_space<hbm>> -> memref<32x128xf32, #tpu.memory_space<hbm>>
      tpu.enqueue_dma source(%dma_start3A_864 : memref<32x128xf32, #tpu.memory_space<hbm>>) target(%dma_start3A_862 : memref<32x128xf32, #tpu.memory_space<vmem>>) target_semaphore(%arg18 : memref<!tpu.dma_semaphore, #tpu.memory_space<semaphore_mem>>)
      %slice3A_865 = vector.extract_strided_slice %and3A_260 {offsets = [13], sizes = [1], strides = [1]} : vector<16xi32> to vector<1xi32>
      %squeeze3A_866 = vector.extract %slice3A_865[0] : i32 from vector<1xi32>
      %multiple_of3A_867 = tpu.assume_multiple %squeeze3A_866, 128 : i32
      %dma_start3A_868 = arith.constant 5 : i32
      %dma_start3A_869 = arith.constant 0 : i32
      %dma_start3A_870 = arith.constant 0 : i32
      %dma_start3A_871 = tpu.memref_slice %arg9[%dma_start3A_868, %dma_start3A_869, %dma_start3A_870] : memref<8x32x128xf32, #tpu.memory_space<vmem>> -> memref<1x32x128xf32, #tpu.memory_space<vmem>>
      %dma_start3A_872 = tpu.memref_squeeze %dma_start3A_871 : memref<1x32x128xf32, #tpu.memory_space<vmem>> -> memref<32x128xf32, #tpu.memory_space<vmem>>
      %dma_start3A_873 = arith.constant 0 : i32
      %dma_start3A_874 = tpu.memref_slice %arg2[%dma_start3A_873, %multiple_of3A_867] : memref<32x1000000xf32, #tpu.memory_space<hbm>> -> memref<32x128xf32, #tpu.memory_space<hbm>>
      %dma_start3A_875 = arith.constant 0 : i32
      %dma_start3A_876 = arith.constant 0 : i32
      %dma_start3A_877 = tpu.memref_slice %arg9[%dma_start3A_868, %dma_start3A_875, %dma_start3A_876] : memref<8x32x128xf32, #tpu.memory_space<vmem>> -> memref<1x32x128xf32, #tpu.memory_space<vmem>>
      %dma_start3A_878 = tpu.memref_squeeze %dma_start3A_877 : memref<1x32x128xf32, #tpu.memory_space<vmem>> -> memref<32x128xf32, #tpu.memory_space<vmem>>
      %dma_start3A_879 = arith.constant 0 : i32
      %dma_start3A_880 = tpu.memref_slice %arg2[%dma_start3A_879, %multiple_of3A_867] : memref<32x1000000xf32, #tpu.memory_space<hbm>> -> memref<32x128xf32, #tpu.memory_space<hbm>>
      tpu.enqueue_dma source(%dma_start3A_880 : memref<32x128xf32, #tpu.memory_space<hbm>>) target(%dma_start3A_878 : memref<32x128xf32, #tpu.memory_space<vmem>>) target_semaphore(%arg14 : memref<!tpu.dma_semaphore, #tpu.memory_space<semaphore_mem>>)
      %slice3A_881 = vector.extract_strided_slice %and3A_265 {offsets = [13], sizes = [1], strides = [1]} : vector<16xi32> to vector<1xi32>
      %squeeze3A_882 = vector.extract %slice3A_881[0] : i32 from vector<1xi32>
      %multiple_of3A_883 = tpu.assume_multiple %squeeze3A_882, 128 : i32
      %dma_start3A_884 = arith.constant 5 : i32
      %dma_start3A_885 = arith.constant 0 : i32
      %dma_start3A_886 = arith.constant 0 : i32
      %dma_start3A_887 = tpu.memref_slice %arg10[%dma_start3A_884, %dma_start3A_885, %dma_start3A_886] : memref<8x32x128xf32, #tpu.memory_space<vmem>> -> memref<1x32x128xf32, #tpu.memory_space<vmem>>
      %dma_start3A_888 = tpu.memref_squeeze %dma_start3A_887 : memref<1x32x128xf32, #tpu.memory_space<vmem>> -> memref<32x128xf32, #tpu.memory_space<vmem>>
      %dma_start3A_889 = arith.constant 0 : i32
      %dma_start3A_890 = tpu.memref_slice %arg3[%dma_start3A_889, %multiple_of3A_883] : memref<32x1000000xf32, #tpu.memory_space<hbm>> -> memref<32x128xf32, #tpu.memory_space<hbm>>
      %dma_start3A_891 = arith.constant 0 : i32
      %dma_start3A_892 = arith.constant 0 : i32
      %dma_start3A_893 = tpu.memref_slice %arg10[%dma_start3A_884, %dma_start3A_891, %dma_start3A_892] : memref<8x32x128xf32, #tpu.memory_space<vmem>> -> memref<1x32x128xf32, #tpu.memory_space<vmem>>
      %dma_start3A_894 = tpu.memref_squeeze %dma_start3A_893 : memref<1x32x128xf32, #tpu.memory_space<vmem>> -> memref<32x128xf32, #tpu.memory_space<vmem>>
      %dma_start3A_895 = arith.constant 0 : i32
      %dma_start3A_896 = tpu.memref_slice %arg3[%dma_start3A_895, %multiple_of3A_883] : memref<32x1000000xf32, #tpu.memory_space<hbm>> -> memref<32x128xf32, #tpu.memory_space<hbm>>
      tpu.enqueue_dma source(%dma_start3A_896 : memref<32x128xf32, #tpu.memory_space<hbm>>) target(%dma_start3A_894 : memref<32x128xf32, #tpu.memory_space<vmem>>) target_semaphore(%arg18 : memref<!tpu.dma_semaphore, #tpu.memory_space<semaphore_mem>>)
      %dma_wait3A_897 = arith.constant 0 : i32
      %dma_wait3A_898 = arith.constant 0 : i32
      %dma_wait3A_899 = arith.constant 0 : i32
      %dma_wait3A_900 = tpu.memref_slice %arg9[%dma_wait3A_897, %dma_wait3A_898, %dma_wait3A_899] : memref<8x32x128xf32, #tpu.memory_space<vmem>> -> memref<1x32x128xf32, #tpu.memory_space<vmem>>
      %dma_wait3A_901 = tpu.memref_squeeze %dma_wait3A_900 : memref<1x32x128xf32, #tpu.memory_space<vmem>> -> memref<32x128xf32, #tpu.memory_space<vmem>>
      %dma_wait3A_902 = arith.constant 0 : i32
      %dma_wait3A_903 = arith.constant 0 : i32
      %dma_wait3A_904 = tpu.memref_slice %arg2[%dma_wait3A_902, %dma_wait3A_903] : memref<32x1000000xf32, #tpu.memory_space<hbm>> -> memref<32x128xf32, #tpu.memory_space<hbm>>
      %dma_wait3A_905 = arith.constant 0 : i32
      %dma_wait3A_906 = arith.constant 0 : i32
      %dma_wait3A_907 = tpu.memref_slice %arg9[%dma_wait3A_897, %dma_wait3A_905, %dma_wait3A_906] : memref<8x32x128xf32, #tpu.memory_space<vmem>> -> memref<1x32x128xf32, #tpu.memory_space<vmem>>
      %dma_wait3A_908 = tpu.memref_squeeze %dma_wait3A_907 : memref<1x32x128xf32, #tpu.memory_space<vmem>> -> memref<32x128xf32, #tpu.memory_space<vmem>>
      %dma_wait3A_909 = arith.constant 0 : i32
      %dma_wait3A_910 = arith.constant 0 : i32
      %dma_wait3A_911 = tpu.memref_slice %arg2[%dma_wait3A_909, %dma_wait3A_910] : memref<32x1000000xf32, #tpu.memory_space<hbm>> -> memref<32x128xf32, #tpu.memory_space<hbm>>
      tpu.wait_dma2 semaphore(%arg15 : memref<!tpu.dma_semaphore, #tpu.memory_space<semaphore_mem>>) src(%dma_wait3A_911 : memref<32x128xf32, #tpu.memory_space<hbm>>) dst(%dma_wait3A_908 : memref<32x128xf32, #tpu.memory_space<vmem>>)
      %dma_wait3A_912 = arith.constant 0 : i32
      %dma_wait3A_913 = arith.constant 0 : i32
      %dma_wait3A_914 = arith.constant 0 : i32
      %dma_wait3A_915 = tpu.memref_slice %arg10[%dma_wait3A_912, %dma_wait3A_913, %dma_wait3A_914] : memref<8x32x128xf32, #tpu.memory_space<vmem>> -> memref<1x32x128xf32, #tpu.memory_space<vmem>>
      %dma_wait3A_916 = tpu.memref_squeeze %dma_wait3A_915 : memref<1x32x128xf32, #tpu.memory_space<vmem>> -> memref<32x128xf32, #tpu.memory_space<vmem>>
      %dma_wait3A_917 = arith.constant 0 : i32
      %dma_wait3A_918 = arith.constant 0 : i32
      %dma_wait3A_919 = tpu.memref_slice %arg3[%dma_wait3A_917, %dma_wait3A_918] : memref<32x1000000xf32, #tpu.memory_space<hbm>> -> memref<32x128xf32, #tpu.memory_space<hbm>>
      %dma_wait3A_920 = arith.constant 0 : i32
      %dma_wait3A_921 = arith.constant 0 : i32
      %dma_wait3A_922 = tpu.memref_slice %arg10[%dma_wait3A_912, %dma_wait3A_920, %dma_wait3A_921] : memref<8x32x128xf32, #tpu.memory_space<vmem>> -> memref<1x32x128xf32, #tpu.memory_space<vmem>>
      %dma_wait3A_923 = tpu.memref_squeeze %dma_wait3A_922 : memref<1x32x128xf32, #tpu.memory_space<vmem>> -> memref<32x128xf32, #tpu.memory_space<vmem>>
      %dma_wait3A_924 = arith.constant 0 : i32
      %dma_wait3A_925 = arith.constant 0 : i32
      %dma_wait3A_926 = tpu.memref_slice %arg3[%dma_wait3A_924, %dma_wait3A_925] : memref<32x1000000xf32, #tpu.memory_space<hbm>> -> memref<32x128xf32, #tpu.memory_space<hbm>>
      tpu.wait_dma2 semaphore(%arg19 : memref<!tpu.dma_semaphore, #tpu.memory_space<semaphore_mem>>) src(%dma_wait3A_926 : memref<32x128xf32, #tpu.memory_space<hbm>>) dst(%dma_wait3A_923 : memref<32x128xf32, #tpu.memory_space<vmem>>)
      %dma_wait3A_927 = arith.constant 0 : i32
      %dma_wait3A_928 = arith.constant 0 : i32
      %dma_wait3A_929 = arith.constant 0 : i32
      %dma_wait3A_930 = tpu.memref_slice %arg9[%dma_wait3A_927, %dma_wait3A_928, %dma_wait3A_929] : memref<8x32x128xf32, #tpu.memory_space<vmem>> -> memref<1x32x128xf32, #tpu.memory_space<vmem>>
      %dma_wait3A_931 = tpu.memref_squeeze %dma_wait3A_930 : memref<1x32x128xf32, #tpu.memory_space<vmem>> -> memref<32x128xf32, #tpu.memory_space<vmem>>
      %dma_wait3A_932 = arith.constant 0 : i32
      %dma_wait3A_933 = arith.constant 0 : i32
      %dma_wait3A_934 = tpu.memref_slice %arg2[%dma_wait3A_932, %dma_wait3A_933] : memref<32x1000000xf32, #tpu.memory_space<hbm>> -> memref<32x128xf32, #tpu.memory_space<hbm>>
      %dma_wait3A_935 = arith.constant 0 : i32
      %dma_wait3A_936 = arith.constant 0 : i32
      %dma_wait3A_937 = tpu.memref_slice %arg9[%dma_wait3A_927, %dma_wait3A_935, %dma_wait3A_936] : memref<8x32x128xf32, #tpu.memory_space<vmem>> -> memref<1x32x128xf32, #tpu.memory_space<vmem>>
      %dma_wait3A_938 = tpu.memref_squeeze %dma_wait3A_937 : memref<1x32x128xf32, #tpu.memory_space<vmem>> -> memref<32x128xf32, #tpu.memory_space<vmem>>
      %dma_wait3A_939 = arith.constant 0 : i32
      %dma_wait3A_940 = arith.constant 0 : i32
      %dma_wait3A_941 = tpu.memref_slice %arg2[%dma_wait3A_939, %dma_wait3A_940] : memref<32x1000000xf32, #tpu.memory_space<hbm>> -> memref<32x128xf32, #tpu.memory_space<hbm>>
      tpu.wait_dma2 semaphore(%arg15 : memref<!tpu.dma_semaphore, #tpu.memory_space<semaphore_mem>>) src(%dma_wait3A_941 : memref<32x128xf32, #tpu.memory_space<hbm>>) dst(%dma_wait3A_938 : memref<32x128xf32, #tpu.memory_space<vmem>>)
      %dma_wait3A_942 = arith.constant 0 : i32
      %dma_wait3A_943 = arith.constant 0 : i32
      %dma_wait3A_944 = arith.constant 0 : i32
      %dma_wait3A_945 = tpu.memref_slice %arg10[%dma_wait3A_942, %dma_wait3A_943, %dma_wait3A_944] : memref<8x32x128xf32, #tpu.memory_space<vmem>> -> memref<1x32x128xf32, #tpu.memory_space<vmem>>
      %dma_wait3A_946 = tpu.memref_squeeze %dma_wait3A_945 : memref<1x32x128xf32, #tpu.memory_space<vmem>> -> memref<32x128xf32, #tpu.memory_space<vmem>>
      %dma_wait3A_947 = arith.constant 0 : i32
      %dma_wait3A_948 = arith.constant 0 : i32
      %dma_wait3A_949 = tpu.memref_slice %arg3[%dma_wait3A_947, %dma_wait3A_948] : memref<32x1000000xf32, #tpu.memory_space<hbm>> -> memref<32x128xf32, #tpu.memory_space<hbm>>
      %dma_wait3A_950 = arith.constant 0 : i32
      %dma_wait3A_951 = arith.constant 0 : i32
      %dma_wait3A_952 = tpu.memref_slice %arg10[%dma_wait3A_942, %dma_wait3A_950, %dma_wait3A_951] : memref<8x32x128xf32, #tpu.memory_space<vmem>> -> memref<1x32x128xf32, #tpu.memory_space<vmem>>
      %dma_wait3A_953 = tpu.memref_squeeze %dma_wait3A_952 : memref<1x32x128xf32, #tpu.memory_space<vmem>> -> memref<32x128xf32, #tpu.memory_space<vmem>>
      %dma_wait3A_954 = arith.constant 0 : i32
      %dma_wait3A_955 = arith.constant 0 : i32
      %dma_wait3A_956 = tpu.memref_slice %arg3[%dma_wait3A_954, %dma_wait3A_955] : memref<32x1000000xf32, #tpu.memory_space<hbm>> -> memref<32x128xf32, #tpu.memory_space<hbm>>
      tpu.wait_dma2 semaphore(%arg19 : memref<!tpu.dma_semaphore, #tpu.memory_space<semaphore_mem>>) src(%dma_wait3A_956 : memref<32x128xf32, #tpu.memory_space<hbm>>) dst(%dma_wait3A_953 : memref<32x128xf32, #tpu.memory_space<vmem>>)
      %slice3A_957 = vector.extract_strided_slice %and3A_248 {offsets = [6], sizes = [1], strides = [1]} : vector<16xi32> to vector<1xi32>
      %squeeze3A_958 = vector.extract %slice3A_957[0] : i32 from vector<1xi32>
      %broadcast_in_dim3A_959 = vector.broadcast %squeeze3A_958 : i32 to vector<16xi32>
      %slice3A_960 = vector.extract_strided_slice %and3A_253 {offsets = [6], sizes = [1], strides = [1]} : vector<16xi32> to vector<1xi32>
      %squeeze3A_961 = vector.extract %slice3A_960[0] : i32 from vector<1xi32>
      %broadcast_in_dim3A_962 = vector.broadcast %squeeze3A_961 : i32 to vector<16xi32>
      %gather3A_963 = arith.constant 6 : i32
      %gather3A_964 = arith.constant 0 : i32
      %gather3A_965 = arith.constant 0 : i32
      %gather3A_966 = tpu.memref_slice %arg9[%gather3A_963, %gather3A_964, %gather3A_965] : memref<8x32x128xf32, #tpu.memory_space<vmem>> -> memref<1x32x128xf32, #tpu.memory_space<vmem>>
      %gather3A_967 = tpu.memref_squeeze %gather3A_966 : memref<1x32x128xf32, #tpu.memory_space<vmem>> -> memref<32x128xf32, #tpu.memory_space<vmem>>
      %gather3A_968 = tpu.vector_load_idx %gather3A_967[%iota3A, %broadcast_in_dim3A_959] : memref<32x128xf32, #tpu.memory_space<vmem>>[vector<16xi32>, vector<16xi32>], vector<16xf32>,
      %gather3A_969 = arith.constant 6 : i32
      %gather3A_970 = arith.constant 0 : i32
      %gather3A_971 = arith.constant 0 : i32
      %gather3A_972 = tpu.memref_slice %arg9[%gather3A_969, %gather3A_970, %gather3A_971] : memref<8x32x128xf32, #tpu.memory_space<vmem>> -> memref<1x32x128xf32, #tpu.memory_space<vmem>>
      %gather3A_973 = tpu.memref_squeeze %gather3A_972 : memref<1x32x128xf32, #tpu.memory_space<vmem>> -> memref<32x128xf32, #tpu.memory_space<vmem>>
      %gather3A_974 = tpu.vector_load_idx %gather3A_973[%add3A_5, %broadcast_in_dim3A_959] : memref<32x128xf32, #tpu.memory_space<vmem>>[vector<16xi32>, vector<16xi32>], vector<16xf32>,
      %gather3A_975 = arith.constant 6 : i32
      %gather3A_976 = arith.constant 0 : i32
      %gather3A_977 = arith.constant 0 : i32
      %gather3A_978 = tpu.memref_slice %arg10[%gather3A_975, %gather3A_976, %gather3A_977] : memref<8x32x128xf32, #tpu.memory_space<vmem>> -> memref<1x32x128xf32, #tpu.memory_space<vmem>>
      %gather3A_979 = tpu.memref_squeeze %gather3A_978 : memref<1x32x128xf32, #tpu.memory_space<vmem>> -> memref<32x128xf32, #tpu.memory_space<vmem>>
      %gather3A_980 = tpu.vector_load_idx %gather3A_979[%iota3A, %broadcast_in_dim3A_962] : memref<32x128xf32, #tpu.memory_space<vmem>>[vector<16xi32>, vector<16xi32>], vector<16xf32>,
      %gather3A_981 = arith.constant 6 : i32
      %gather3A_982 = arith.constant 0 : i32
      %gather3A_983 = arith.constant 0 : i32
      %gather3A_984 = tpu.memref_slice %arg10[%gather3A_981, %gather3A_982, %gather3A_983] : memref<8x32x128xf32, #tpu.memory_space<vmem>> -> memref<1x32x128xf32, #tpu.memory_space<vmem>>
      %gather3A_985 = tpu.memref_squeeze %gather3A_984 : memref<1x32x128xf32, #tpu.memory_space<vmem>> -> memref<32x128xf32, #tpu.memory_space<vmem>>
      %gather3A_986 = tpu.vector_load_idx %gather3A_985[%add3A_5, %broadcast_in_dim3A_962] : memref<32x128xf32, #tpu.memory_space<vmem>>[vector<16xi32>, vector<16xi32>], vector<16xf32>,
      %mul3A_987 = arith.mulf %gather3A_968, %gather3A_980 : vector<16xf32>
      %mul3A_988 = arith.mulf %gather3A_974, %gather3A_986 : vector<16xf32>
      %add3A_989 = arith.addf %mul3A_987, %mul3A_988 : vector<16xf32>
      %slice3A_990 = vector.extract_strided_slice %and3A_248 {offsets = [7], sizes = [1], strides = [1]} : vector<16xi32> to vector<1xi32>
      %squeeze3A_991 = vector.extract %slice3A_990[0] : i32 from vector<1xi32>
      %broadcast_in_dim3A_992 = vector.broadcast %squeeze3A_991 : i32 to vector<16xi32>
      %slice3A_993 = vector.extract_strided_slice %and3A_253 {offsets = [7], sizes = [1], strides = [1]} : vector<16xi32> to vector<1xi32>
      %squeeze3A_994 = vector.extract %slice3A_993[0] : i32 from vector<1xi32>
      %broadcast_in_dim3A_995 = vector.broadcast %squeeze3A_994 : i32 to vector<16xi32>
      %gather3A_996 = arith.constant 7 : i32
      %gather3A_997 = arith.constant 0 : i32
      %gather3A_998 = arith.constant 0 : i32
      %gather3A_999 = tpu.memref_slice %arg9[%gather3A_996, %gather3A_997, %gather3A_998] : memref<8x32x128xf32, #tpu.memory_space<vmem>> -> memref<1x32x128xf32, #tpu.memory_space<vmem>>
      %gather3A_1000 = tpu.memref_squeeze %gather3A_999 : memref<1x32x128xf32, #tpu.memory_space<vmem>> -> memref<32x128xf32, #tpu.memory_space<vmem>>
      %gather3A_1001 = tpu.vector_load_idx %gather3A_1000[%iota3A, %broadcast_in_dim3A_992] : memref<32x128xf32, #tpu.memory_space<vmem>>[vector<16xi32>, vector<16xi32>], vector<16xf32>,
      %gather3A_1002 = arith.constant 7 : i32
      %gather3A_1003 = arith.constant 0 : i32
      %gather3A_1004 = arith.constant 0 : i32
      %gather3A_1005 = tpu.memref_slice %arg9[%gather3A_1002, %gather3A_1003, %gather3A_1004] : memref<8x32x128xf32, #tpu.memory_space<vmem>> -> memref<1x32x128xf32, #tpu.memory_space<vmem>>
      %gather3A_1006 = tpu.memref_squeeze %gather3A_1005 : memref<1x32x128xf32, #tpu.memory_space<vmem>> -> memref<32x128xf32, #tpu.memory_space<vmem>>
      %gather3A_1007 = tpu.vector_load_idx %gather3A_1006[%add3A_5, %broadcast_in_dim3A_992] : memref<32x128xf32, #tpu.memory_space<vmem>>[vector<16xi32>, vector<16xi32>], vector<16xf32>,
      %gather3A_1008 = arith.constant 7 : i32
      %gather3A_1009 = arith.constant 0 : i32
      %gather3A_1010 = arith.constant 0 : i32
      %gather3A_1011 = tpu.memref_slice %arg10[%gather3A_1008, %gather3A_1009, %gather3A_1010] : memref<8x32x128xf32, #tpu.memory_space<vmem>> -> memref<1x32x128xf32, #tpu.memory_space<vmem>>
      %gather3A_1012 = tpu.memref_squeeze %gather3A_1011 : memref<1x32x128xf32, #tpu.memory_space<vmem>> -> memref<32x128xf32, #tpu.memory_space<vmem>>
      %gather3A_1013 = tpu.vector_load_idx %gather3A_1012[%iota3A, %broadcast_in_dim3A_995] : memref<32x128xf32, #tpu.memory_space<vmem>>[vector<16xi32>, vector<16xi32>], vector<16xf32>,
      %gather3A_1014 = arith.constant 7 : i32
      %gather3A_1015 = arith.constant 0 : i32
      %gather3A_1016 = arith.constant 0 : i32
      %gather3A_1017 = tpu.memref_slice %arg10[%gather3A_1014, %gather3A_1015, %gather3A_1016] : memref<8x32x128xf32, #tpu.memory_space<vmem>> -> memref<1x32x128xf32, #tpu.memory_space<vmem>>
      %gather3A_1018 = tpu.memref_squeeze %gather3A_1017 : memref<1x32x128xf32, #tpu.memory_space<vmem>> -> memref<32x128xf32, #tpu.memory_space<vmem>>
      %gather3A_1019 = tpu.vector_load_idx %gather3A_1018[%add3A_5, %broadcast_in_dim3A_995] : memref<32x128xf32, #tpu.memory_space<vmem>>[vector<16xi32>, vector<16xi32>], vector<16xf32>,
      %mul3A_1020 = arith.mulf %gather3A_1001, %gather3A_1013 : vector<16xf32>
      %mul3A_1021 = arith.mulf %gather3A_1007, %gather3A_1019 : vector<16xf32>
      %add3A_1022 = arith.addf %mul3A_1020, %mul3A_1021 : vector<16xf32>
      %slice3A_1023 = vector.extract_strided_slice %and3A_260 {offsets = [14], sizes = [1], strides = [1]} : vector<16xi32> to vector<1xi32>
      %squeeze3A_1024 = vector.extract %slice3A_1023[0] : i32 from vector<1xi32>
      %multiple_of3A_1025 = tpu.assume_multiple %squeeze3A_1024, 128 : i32
      %dma_start3A_1026 = arith.constant 6 : i32
      %dma_start3A_1027 = arith.constant 0 : i32
      %dma_start3A_1028 = arith.constant 0 : i32
      %dma_start3A_1029 = tpu.memref_slice %arg9[%dma_start3A_1026, %dma_start3A_1027, %dma_start3A_1028] : memref<8x32x128xf32, #tpu.memory_space<vmem>> -> memref<1x32x128xf32, #tpu.memory_space<vmem>>
      %dma_start3A_1030 = tpu.memref_squeeze %dma_start3A_1029 : memref<1x32x128xf32, #tpu.memory_space<vmem>> -> memref<32x128xf32, #tpu.memory_space<vmem>>
      %dma_start3A_1031 = arith.constant 0 : i32
      %dma_start3A_1032 = tpu.memref_slice %arg2[%dma_start3A_1031, %multiple_of3A_1025] : memref<32x1000000xf32, #tpu.memory_space<hbm>> -> memref<32x128xf32, #tpu.memory_space<hbm>>
      %dma_start3A_1033 = arith.constant 0 : i32
      %dma_start3A_1034 = arith.constant 0 : i32
      %dma_start3A_1035 = tpu.memref_slice %arg9[%dma_start3A_1026, %dma_start3A_1033, %dma_start3A_1034] : memref<8x32x128xf32, #tpu.memory_space<vmem>> -> memref<1x32x128xf32, #tpu.memory_space<vmem>>
      %dma_start3A_1036 = tpu.memref_squeeze %dma_start3A_1035 : memref<1x32x128xf32, #tpu.memory_space<vmem>> -> memref<32x128xf32, #tpu.memory_space<vmem>>
      %dma_start3A_1037 = arith.constant 0 : i32
      %dma_start3A_1038 = tpu.memref_slice %arg2[%dma_start3A_1037, %multiple_of3A_1025] : memref<32x1000000xf32, #tpu.memory_space<hbm>> -> memref<32x128xf32, #tpu.memory_space<hbm>>
      tpu.enqueue_dma source(%dma_start3A_1038 : memref<32x128xf32, #tpu.memory_space<hbm>>) target(%dma_start3A_1036 : memref<32x128xf32, #tpu.memory_space<vmem>>) target_semaphore(%arg15 : memref<!tpu.dma_semaphore, #tpu.memory_space<semaphore_mem>>)
      %slice3A_1039 = vector.extract_strided_slice %and3A_265 {offsets = [14], sizes = [1], strides = [1]} : vector<16xi32> to vector<1xi32>
      %squeeze3A_1040 = vector.extract %slice3A_1039[0] : i32 from vector<1xi32>
      %multiple_of3A_1041 = tpu.assume_multiple %squeeze3A_1040, 128 : i32
      %dma_start3A_1042 = arith.constant 6 : i32
      %dma_start3A_1043 = arith.constant 0 : i32
      %dma_start3A_1044 = arith.constant 0 : i32
      %dma_start3A_1045 = tpu.memref_slice %arg10[%dma_start3A_1042, %dma_start3A_1043, %dma_start3A_1044] : memref<8x32x128xf32, #tpu.memory_space<vmem>> -> memref<1x32x128xf32, #tpu.memory_space<vmem>>
      %dma_start3A_1046 = tpu.memref_squeeze %dma_start3A_1045 : memref<1x32x128xf32, #tpu.memory_space<vmem>> -> memref<32x128xf32, #tpu.memory_space<vmem>>
      %dma_start3A_1047 = arith.constant 0 : i32
      %dma_start3A_1048 = tpu.memref_slice %arg3[%dma_start3A_1047, %multiple_of3A_1041] : memref<32x1000000xf32, #tpu.memory_space<hbm>> -> memref<32x128xf32, #tpu.memory_space<hbm>>
      %dma_start3A_1049 = arith.constant 0 : i32
      %dma_start3A_1050 = arith.constant 0 : i32
      %dma_start3A_1051 = tpu.memref_slice %arg10[%dma_start3A_1042, %dma_start3A_1049, %dma_start3A_1050] : memref<8x32x128xf32, #tpu.memory_space<vmem>> -> memref<1x32x128xf32, #tpu.memory_space<vmem>>
      %dma_start3A_1052 = tpu.memref_squeeze %dma_start3A_1051 : memref<1x32x128xf32, #tpu.memory_space<vmem>> -> memref<32x128xf32, #tpu.memory_space<vmem>>
      %dma_start3A_1053 = arith.constant 0 : i32
      %dma_start3A_1054 = tpu.memref_slice %arg3[%dma_start3A_1053, %multiple_of3A_1041] : memref<32x1000000xf32, #tpu.memory_space<hbm>> -> memref<32x128xf32, #tpu.memory_space<hbm>>
      tpu.enqueue_dma source(%dma_start3A_1054 : memref<32x128xf32, #tpu.memory_space<hbm>>) target(%dma_start3A_1052 : memref<32x128xf32, #tpu.memory_space<vmem>>) target_semaphore(%arg19 : memref<!tpu.dma_semaphore, #tpu.memory_space<semaphore_mem>>)
      %slice3A_1055 = vector.extract_strided_slice %and3A_260 {offsets = [15], sizes = [1], strides = [1]} : vector<16xi32> to vector<1xi32>
      %squeeze3A_1056 = vector.extract %slice3A_1055[0] : i32 from vector<1xi32>
      %multiple_of3A_1057 = tpu.assume_multiple %squeeze3A_1056, 128 : i32
      %dma_start3A_1058 = arith.constant 7 : i32
      %dma_start3A_1059 = arith.constant 0 : i32
      %dma_start3A_1060 = arith.constant 0 : i32
      %dma_start3A_1061 = tpu.memref_slice %arg9[%dma_start3A_1058, %dma_start3A_1059, %dma_start3A_1060] : memref<8x32x128xf32, #tpu.memory_space<vmem>> -> memref<1x32x128xf32, #tpu.memory_space<vmem>>
      %dma_start3A_1062 = tpu.memref_squeeze %dma_start3A_1061 : memref<1x32x128xf32, #tpu.memory_space<vmem>> -> memref<32x128xf32, #tpu.memory_space<vmem>>
      %dma_start3A_1063 = arith.constant 0 : i32
      %dma_start3A_1064 = tpu.memref_slice %arg2[%dma_start3A_1063, %multiple_of3A_1057] : memref<32x1000000xf32, #tpu.memory_space<hbm>> -> memref<32x128xf32, #tpu.memory_space<hbm>>
      %dma_start3A_1065 = arith.constant 0 : i32
      %dma_start3A_1066 = arith.constant 0 : i32
      %dma_start3A_1067 = tpu.memref_slice %arg9[%dma_start3A_1058, %dma_start3A_1065, %dma_start3A_1066] : memref<8x32x128xf32, #tpu.memory_space<vmem>> -> memref<1x32x128xf32, #tpu.memory_space<vmem>>
      %dma_start3A_1068 = tpu.memref_squeeze %dma_start3A_1067 : memref<1x32x128xf32, #tpu.memory_space<vmem>> -> memref<32x128xf32, #tpu.memory_space<vmem>>
      %dma_start3A_1069 = arith.constant 0 : i32
      %dma_start3A_1070 = tpu.memref_slice %arg2[%dma_start3A_1069, %multiple_of3A_1057] : memref<32x1000000xf32, #tpu.memory_space<hbm>> -> memref<32x128xf32, #tpu.memory_space<hbm>>
      tpu.enqueue_dma source(%dma_start3A_1070 : memref<32x128xf32, #tpu.memory_space<hbm>>) target(%dma_start3A_1068 : memref<32x128xf32, #tpu.memory_space<vmem>>) target_semaphore(%arg15 : memref<!tpu.dma_semaphore, #tpu.memory_space<semaphore_mem>>)
      %slice3A_1071 = vector.extract_strided_slice %and3A_265 {offsets = [15], sizes = [1], strides = [1]} : vector<16xi32> to vector<1xi32>
      %squeeze3A_1072 = vector.extract %slice3A_1071[0] : i32 from vector<1xi32>
      %multiple_of3A_1073 = tpu.assume_multiple %squeeze3A_1072, 128 : i32
      %dma_start3A_1074 = arith.constant 7 : i32
      %dma_start3A_1075 = arith.constant 0 : i32
      %dma_start3A_1076 = arith.constant 0 : i32
      %dma_start3A_1077 = tpu.memref_slice %arg10[%dma_start3A_1074, %dma_start3A_1075, %dma_start3A_1076] : memref<8x32x128xf32, #tpu.memory_space<vmem>> -> memref<1x32x128xf32, #tpu.memory_space<vmem>>
      %dma_start3A_1078 = tpu.memref_squeeze %dma_start3A_1077 : memref<1x32x128xf32, #tpu.memory_space<vmem>> -> memref<32x128xf32, #tpu.memory_space<vmem>>
      %dma_start3A_1079 = arith.constant 0 : i32
      %dma_start3A_1080 = tpu.memref_slice %arg3[%dma_start3A_1079, %multiple_of3A_1073] : memref<32x1000000xf32, #tpu.memory_space<hbm>> -> memref<32x128xf32, #tpu.memory_space<hbm>>
      %dma_start3A_1081 = arith.constant 0 : i32
      %dma_start3A_1082 = arith.constant 0 : i32
      %dma_start3A_1083 = tpu.memref_slice %arg10[%dma_start3A_1074, %dma_start3A_1081, %dma_start3A_1082] : memref<8x32x128xf32, #tpu.memory_space<vmem>> -> memref<1x32x128xf32, #tpu.memory_space<vmem>>
      %dma_start3A_1084 = tpu.memref_squeeze %dma_start3A_1083 : memref<1x32x128xf32, #tpu.memory_space<vmem>> -> memref<32x128xf32, #tpu.memory_space<vmem>>
      %dma_start3A_1085 = arith.constant 0 : i32
      %dma_start3A_1086 = tpu.memref_slice %arg3[%dma_start3A_1085, %multiple_of3A_1073] : memref<32x1000000xf32, #tpu.memory_space<hbm>> -> memref<32x128xf32, #tpu.memory_space<hbm>>
      tpu.enqueue_dma source(%dma_start3A_1086 : memref<32x128xf32, #tpu.memory_space<hbm>>) target(%dma_start3A_1084 : memref<32x128xf32, #tpu.memory_space<vmem>>) target_semaphore(%arg19 : memref<!tpu.dma_semaphore, #tpu.memory_space<semaphore_mem>>)
      %dma_wait3A_1087 = arith.constant 0 : i32
      %dma_wait3A_1088 = arith.constant 0 : i32
      %dma_wait3A_1089 = arith.constant 0 : i32
      %dma_wait3A_1090 = tpu.memref_slice %arg9[%dma_wait3A_1087, %dma_wait3A_1088, %dma_wait3A_1089] : memref<8x32x128xf32, #tpu.memory_space<vmem>> -> memref<1x32x128xf32, #tpu.memory_space<vmem>>
      %dma_wait3A_1091 = tpu.memref_squeeze %dma_wait3A_1090 : memref<1x32x128xf32, #tpu.memory_space<vmem>> -> memref<32x128xf32, #tpu.memory_space<vmem>>
      %dma_wait3A_1092 = arith.constant 0 : i32
      %dma_wait3A_1093 = arith.constant 0 : i32
      %dma_wait3A_1094 = tpu.memref_slice %arg2[%dma_wait3A_1092, %dma_wait3A_1093] : memref<32x1000000xf32, #tpu.memory_space<hbm>> -> memref<32x128xf32, #tpu.memory_space<hbm>>
      %dma_wait3A_1095 = arith.constant 0 : i32
      %dma_wait3A_1096 = arith.constant 0 : i32
      %dma_wait3A_1097 = tpu.memref_slice %arg9[%dma_wait3A_1087, %dma_wait3A_1095, %dma_wait3A_1096] : memref<8x32x128xf32, #tpu.memory_space<vmem>> -> memref<1x32x128xf32, #tpu.memory_space<vmem>>
      %dma_wait3A_1098 = tpu.memref_squeeze %dma_wait3A_1097 : memref<1x32x128xf32, #tpu.memory_space<vmem>> -> memref<32x128xf32, #tpu.memory_space<vmem>>
      %dma_wait3A_1099 = arith.constant 0 : i32
      %dma_wait3A_1100 = arith.constant 0 : i32
      %dma_wait3A_1101 = tpu.memref_slice %arg2[%dma_wait3A_1099, %dma_wait3A_1100] : memref<32x1000000xf32, #tpu.memory_space<hbm>> -> memref<32x128xf32, #tpu.memory_space<hbm>>
      tpu.wait_dma2 semaphore(%arg12 : memref<!tpu.dma_semaphore, #tpu.memory_space<semaphore_mem>>) src(%dma_wait3A_1101 : memref<32x128xf32, #tpu.memory_space<hbm>>) dst(%dma_wait3A_1098 : memref<32x128xf32, #tpu.memory_space<vmem>>)
      %dma_wait3A_1102 = arith.constant 0 : i32
      %dma_wait3A_1103 = arith.constant 0 : i32
      %dma_wait3A_1104 = arith.constant 0 : i32
      %dma_wait3A_1105 = tpu.memref_slice %arg10[%dma_wait3A_1102, %dma_wait3A_1103, %dma_wait3A_1104] : memref<8x32x128xf32, #tpu.memory_space<vmem>> -> memref<1x32x128xf32, #tpu.memory_space<vmem>>
      %dma_wait3A_1106 = tpu.memref_squeeze %dma_wait3A_1105 : memref<1x32x128xf32, #tpu.memory_space<vmem>> -> memref<32x128xf32, #tpu.memory_space<vmem>>
      %dma_wait3A_1107 = arith.constant 0 : i32
      %dma_wait3A_1108 = arith.constant 0 : i32
      %dma_wait3A_1109 = tpu.memref_slice %arg3[%dma_wait3A_1107, %dma_wait3A_1108] : memref<32x1000000xf32, #tpu.memory_space<hbm>> -> memref<32x128xf32, #tpu.memory_space<hbm>>
      %dma_wait3A_1110 = arith.constant 0 : i32
      %dma_wait3A_1111 = arith.constant 0 : i32
      %dma_wait3A_1112 = tpu.memref_slice %arg10[%dma_wait3A_1102, %dma_wait3A_1110, %dma_wait3A_1111] : memref<8x32x128xf32, #tpu.memory_space<vmem>> -> memref<1x32x128xf32, #tpu.memory_space<vmem>>
      %dma_wait3A_1113 = tpu.memref_squeeze %dma_wait3A_1112 : memref<1x32x128xf32, #tpu.memory_space<vmem>> -> memref<32x128xf32, #tpu.memory_space<vmem>>
      %dma_wait3A_1114 = arith.constant 0 : i32
      %dma_wait3A_1115 = arith.constant 0 : i32
      %dma_wait3A_1116 = tpu.memref_slice %arg3[%dma_wait3A_1114, %dma_wait3A_1115] : memref<32x1000000xf32, #tpu.memory_space<hbm>> -> memref<32x128xf32, #tpu.memory_space<hbm>>
      tpu.wait_dma2 semaphore(%arg16 : memref<!tpu.dma_semaphore, #tpu.memory_space<semaphore_mem>>) src(%dma_wait3A_1116 : memref<32x128xf32, #tpu.memory_space<hbm>>) dst(%dma_wait3A_1113 : memref<32x128xf32, #tpu.memory_space<vmem>>)
      %dma_wait3A_1117 = arith.constant 0 : i32
      %dma_wait3A_1118 = arith.constant 0 : i32
      %dma_wait3A_1119 = arith.constant 0 : i32
      %dma_wait3A_1120 = tpu.memref_slice %arg9[%dma_wait3A_1117, %dma_wait3A_1118, %dma_wait3A_1119] : memref<8x32x128xf32, #tpu.memory_space<vmem>> -> memref<1x32x128xf32, #tpu.memory_space<vmem>>
      %dma_wait3A_1121 = tpu.memref_squeeze %dma_wait3A_1120 : memref<1x32x128xf32, #tpu.memory_space<vmem>> -> memref<32x128xf32, #tpu.memory_space<vmem>>
      %dma_wait3A_1122 = arith.constant 0 : i32
      %dma_wait3A_1123 = arith.constant 0 : i32
      %dma_wait3A_1124 = tpu.memref_slice %arg2[%dma_wait3A_1122, %dma_wait3A_1123] : memref<32x1000000xf32, #tpu.memory_space<hbm>> -> memref<32x128xf32, #tpu.memory_space<hbm>>
      %dma_wait3A_1125 = arith.constant 0 : i32
      %dma_wait3A_1126 = arith.constant 0 : i32
      %dma_wait3A_1127 = tpu.memref_slice %arg9[%dma_wait3A_1117, %dma_wait3A_1125, %dma_wait3A_1126] : memref<8x32x128xf32, #tpu.memory_space<vmem>> -> memref<1x32x128xf32, #tpu.memory_space<vmem>>
      %dma_wait3A_1128 = tpu.memref_squeeze %dma_wait3A_1127 : memref<1x32x128xf32, #tpu.memory_space<vmem>> -> memref<32x128xf32, #tpu.memory_space<vmem>>
      %dma_wait3A_1129 = arith.constant 0 : i32
      %dma_wait3A_1130 = arith.constant 0 : i32
      %dma_wait3A_1131 = tpu.memref_slice %arg2[%dma_wait3A_1129, %dma_wait3A_1130] : memref<32x1000000xf32, #tpu.memory_space<hbm>> -> memref<32x128xf32, #tpu.memory_space<hbm>>
      tpu.wait_dma2 semaphore(%arg12 : memref<!tpu.dma_semaphore, #tpu.memory_space<semaphore_mem>>) src(%dma_wait3A_1131 : memref<32x128xf32, #tpu.memory_space<hbm>>) dst(%dma_wait3A_1128 : memref<32x128xf32, #tpu.memory_space<vmem>>)
      %dma_wait3A_1132 = arith.constant 0 : i32
      %dma_wait3A_1133 = arith.constant 0 : i32
      %dma_wait3A_1134 = arith.constant 0 : i32
      %dma_wait3A_1135 = tpu.memref_slice %arg10[%dma_wait3A_1132, %dma_wait3A_1133, %dma_wait3A_1134] : memref<8x32x128xf32, #tpu.memory_space<vmem>> -> memref<1x32x128xf32, #tpu.memory_space<vmem>>
      %dma_wait3A_1136 = tpu.memref_squeeze %dma_wait3A_1135 : memref<1x32x128xf32, #tpu.memory_space<vmem>> -> memref<32x128xf32, #tpu.memory_space<vmem>>
      %dma_wait3A_1137 = arith.constant 0 : i32
      %dma_wait3A_1138 = arith.constant 0 : i32
      %dma_wait3A_1139 = tpu.memref_slice %arg3[%dma_wait3A_1137, %dma_wait3A_1138] : memref<32x1000000xf32, #tpu.memory_space<hbm>> -> memref<32x128xf32, #tpu.memory_space<hbm>>
      %dma_wait3A_1140 = arith.constant 0 : i32
      %dma_wait3A_1141 = arith.constant 0 : i32
      %dma_wait3A_1142 = tpu.memref_slice %arg10[%dma_wait3A_1132, %dma_wait3A_1140, %dma_wait3A_1141] : memref<8x32x128xf32, #tpu.memory_space<vmem>> -> memref<1x32x128xf32, #tpu.memory_space<vmem>>
      %dma_wait3A_1143 = tpu.memref_squeeze %dma_wait3A_1142 : memref<1x32x128xf32, #tpu.memory_space<vmem>> -> memref<32x128xf32, #tpu.memory_space<vmem>>
      %dma_wait3A_1144 = arith.constant 0 : i32
      %dma_wait3A_1145 = arith.constant 0 : i32
      %dma_wait3A_1146 = tpu.memref_slice %arg3[%dma_wait3A_1144, %dma_wait3A_1145] : memref<32x1000000xf32, #tpu.memory_space<hbm>> -> memref<32x128xf32, #tpu.memory_space<hbm>>
      tpu.wait_dma2 semaphore(%arg16 : memref<!tpu.dma_semaphore, #tpu.memory_space<semaphore_mem>>) src(%dma_wait3A_1146 : memref<32x128xf32, #tpu.memory_space<hbm>>) dst(%dma_wait3A_1143 : memref<32x128xf32, #tpu.memory_space<vmem>>)
      %slice3A_1147 = vector.extract_strided_slice %and3A_248 {offsets = [8], sizes = [1], strides = [1]} : vector<16xi32> to vector<1xi32>
      %squeeze3A_1148 = vector.extract %slice3A_1147[0] : i32 from vector<1xi32>
      %broadcast_in_dim3A_1149 = vector.broadcast %squeeze3A_1148 : i32 to vector<16xi32>
      %slice3A_1150 = vector.extract_strided_slice %and3A_253 {offsets = [8], sizes = [1], strides = [1]} : vector<16xi32> to vector<1xi32>
      %squeeze3A_1151 = vector.extract %slice3A_1150[0] : i32 from vector<1xi32>
      %broadcast_in_dim3A_1152 = vector.broadcast %squeeze3A_1151 : i32 to vector<16xi32>
      %gather3A_1153 = arith.constant 0 : i32
      %gather3A_1154 = arith.constant 0 : i32
      %gather3A_1155 = arith.constant 0 : i32
      %gather3A_1156 = tpu.memref_slice %arg9[%gather3A_1153, %gather3A_1154, %gather3A_1155] : memref<8x32x128xf32, #tpu.memory_space<vmem>> -> memref<1x32x128xf32, #tpu.memory_space<vmem>>
      %gather3A_1157 = tpu.memref_squeeze %gather3A_1156 : memref<1x32x128xf32, #tpu.memory_space<vmem>> -> memref<32x128xf32, #tpu.memory_space<vmem>>
      %gather3A_1158 = tpu.vector_load_idx %gather3A_1157[%iota3A, %broadcast_in_dim3A_1149] : memref<32x128xf32, #tpu.memory_space<vmem>>[vector<16xi32>, vector<16xi32>], vector<16xf32>,
      %gather3A_1159 = arith.constant 0 : i32
      %gather3A_1160 = arith.constant 0 : i32
      %gather3A_1161 = arith.constant 0 : i32
      %gather3A_1162 = tpu.memref_slice %arg9[%gather3A_1159, %gather3A_1160, %gather3A_1161] : memref<8x32x128xf32, #tpu.memory_space<vmem>> -> memref<1x32x128xf32, #tpu.memory_space<vmem>>
      %gather3A_1163 = tpu.memref_squeeze %gather3A_1162 : memref<1x32x128xf32, #tpu.memory_space<vmem>> -> memref<32x128xf32, #tpu.memory_space<vmem>>
      %gather3A_1164 = tpu.vector_load_idx %gather3A_1163[%add3A_5, %broadcast_in_dim3A_1149] : memref<32x128xf32, #tpu.memory_space<vmem>>[vector<16xi32>, vector<16xi32>], vector<16xf32>,
      %gather3A_1165 = arith.constant 0 : i32
      %gather3A_1166 = arith.constant 0 : i32
      %gather3A_1167 = arith.constant 0 : i32
      %gather3A_1168 = tpu.memref_slice %arg10[%gather3A_1165, %gather3A_1166, %gather3A_1167] : memref<8x32x128xf32, #tpu.memory_space<vmem>> -> memref<1x32x128xf32, #tpu.memory_space<vmem>>
      %gather3A_1169 = tpu.memref_squeeze %gather3A_1168 : memref<1x32x128xf32, #tpu.memory_space<vmem>> -> memref<32x128xf32, #tpu.memory_space<vmem>>
      %gather3A_1170 = tpu.vector_load_idx %gather3A_1169[%iota3A, %broadcast_in_dim3A_1152] : memref<32x128xf32, #tpu.memory_space<vmem>>[vector<16xi32>, vector<16xi32>], vector<16xf32>,
      %gather3A_1171 = arith.constant 0 : i32
      %gather3A_1172 = arith.constant 0 : i32
      %gather3A_1173 = arith.constant 0 : i32
      %gather3A_1174 = tpu.memref_slice %arg10[%gather3A_1171, %gather3A_1172, %gather3A_1173] : memref<8x32x128xf32, #tpu.memory_space<vmem>> -> memref<1x32x128xf32, #tpu.memory_space<vmem>>
      %gather3A_1175 = tpu.memref_squeeze %gather3A_1174 : memref<1x32x128xf32, #tpu.memory_space<vmem>> -> memref<32x128xf32, #tpu.memory_space<vmem>>
      %gather3A_1176 = tpu.vector_load_idx %gather3A_1175[%add3A_5, %broadcast_in_dim3A_1152] : memref<32x128xf32, #tpu.memory_space<vmem>>[vector<16xi32>, vector<16xi32>], vector<16xf32>,
      %mul3A_1177 = arith.mulf %gather3A_1158, %gather3A_1170 : vector<16xf32>
      %mul3A_1178 = arith.mulf %gather3A_1164, %gather3A_1176 : vector<16xf32>
      %add3A_1179 = arith.addf %mul3A_1177, %mul3A_1178 : vector<16xf32>
      %slice3A_1180 = vector.extract_strided_slice %and3A_248 {offsets = [9], sizes = [1], strides = [1]} : vector<16xi32> to vector<1xi32>
      %squeeze3A_1181 = vector.extract %slice3A_1180[0] : i32 from vector<1xi32>
      %broadcast_in_dim3A_1182 = vector.broadcast %squeeze3A_1181 : i32 to vector<16xi32>
      %slice3A_1183 = vector.extract_strided_slice %and3A_253 {offsets = [9], sizes = [1], strides = [1]} : vector<16xi32> to vector<1xi32>
      %squeeze3A_1184 = vector.extract %slice3A_1183[0] : i32 from vector<1xi32>
      %broadcast_in_dim3A_1185 = vector.broadcast %squeeze3A_1184 : i32 to vector<16xi32>
      %gather3A_1186 = arith.constant 1 : i32
      %gather3A_1187 = arith.constant 0 : i32
      %gather3A_1188 = arith.constant 0 : i32
      %gather3A_1189 = tpu.memref_slice %arg9[%gather3A_1186, %gather3A_1187, %gather3A_1188] : memref<8x32x128xf32, #tpu.memory_space<vmem>> -> memref<1x32x128xf32, #tpu.memory_space<vmem>>
      %gather3A_1190 = tpu.memref_squeeze %gather3A_1189 : memref<1x32x128xf32, #tpu.memory_space<vmem>> -> memref<32x128xf32, #tpu.memory_space<vmem>>
      %gather3A_1191 = tpu.vector_load_idx %gather3A_1190[%iota3A, %broadcast_in_dim3A_1182] : memref<32x128xf32, #tpu.memory_space<vmem>>[vector<16xi32>, vector<16xi32>], vector<16xf32>,
      %gather3A_1192 = arith.constant 1 : i32
      %gather3A_1193 = arith.constant 0 : i32
      %gather3A_1194 = arith.constant 0 : i32
      %gather3A_1195 = tpu.memref_slice %arg9[%gather3A_1192, %gather3A_1193, %gather3A_1194] : memref<8x32x128xf32, #tpu.memory_space<vmem>> -> memref<1x32x128xf32, #tpu.memory_space<vmem>>
      %gather3A_1196 = tpu.memref_squeeze %gather3A_1195 : memref<1x32x128xf32, #tpu.memory_space<vmem>> -> memref<32x128xf32, #tpu.memory_space<vmem>>
      %gather3A_1197 = tpu.vector_load_idx %gather3A_1196[%add3A_5, %broadcast_in_dim3A_1182] : memref<32x128xf32, #tpu.memory_space<vmem>>[vector<16xi32>, vector<16xi32>], vector<16xf32>,
      %gather3A_1198 = arith.constant 1 : i32
      %gather3A_1199 = arith.constant 0 : i32
      %gather3A_1200 = arith.constant 0 : i32
      %gather3A_1201 = tpu.memref_slice %arg10[%gather3A_1198, %gather3A_1199, %gather3A_1200] : memref<8x32x128xf32, #tpu.memory_space<vmem>> -> memref<1x32x128xf32, #tpu.memory_space<vmem>>
      %gather3A_1202 = tpu.memref_squeeze %gather3A_1201 : memref<1x32x128xf32, #tpu.memory_space<vmem>> -> memref<32x128xf32, #tpu.memory_space<vmem>>
      %gather3A_1203 = tpu.vector_load_idx %gather3A_1202[%iota3A, %broadcast_in_dim3A_1185] : memref<32x128xf32, #tpu.memory_space<vmem>>[vector<16xi32>, vector<16xi32>], vector<16xf32>,
      %gather3A_1204 = arith.constant 1 : i32
      %gather3A_1205 = arith.constant 0 : i32
      %gather3A_1206 = arith.constant 0 : i32
      %gather3A_1207 = tpu.memref_slice %arg10[%gather3A_1204, %gather3A_1205, %gather3A_1206] : memref<8x32x128xf32, #tpu.memory_space<vmem>> -> memref<1x32x128xf32, #tpu.memory_space<vmem>>
      %gather3A_1208 = tpu.memref_squeeze %gather3A_1207 : memref<1x32x128xf32, #tpu.memory_space<vmem>> -> memref<32x128xf32, #tpu.memory_space<vmem>>
      %gather3A_1209 = tpu.vector_load_idx %gather3A_1208[%add3A_5, %broadcast_in_dim3A_1185] : memref<32x128xf32, #tpu.memory_space<vmem>>[vector<16xi32>, vector<16xi32>], vector<16xf32>,
      %mul3A_1210 = arith.mulf %gather3A_1191, %gather3A_1203 : vector<16xf32>
      %mul3A_1211 = arith.mulf %gather3A_1197, %gather3A_1209 : vector<16xf32>
      %add3A_1212 = arith.addf %mul3A_1210, %mul3A_1211 : vector<16xf32>
      %add3A_1213 = arith.constant 1 : i32
      %add3A_1214 = arith.addi %scan3A_241, %add3A_1213 : i32
      %lt3A = arith.constant 32 : i32
      %lt3A_1215 = arith.cmpi slt, %add3A_1214, %lt3A : i32
      %convert_element_type3A = arith.extui %lt3A_1215 : i1 to i32
      %cond3A = arith.constant 0 : i32
      %cond3A_1216 = arith.cmpi ne, %convert_element_type3A, %cond3A : i32
      scf.if %cond3A_1216 {
        %add3A_1744 = arith.constant 1 : i32
        %add3A_1745 = arith.addi %scan3A_241, %add3A_1744 : i32
        %mul3A_1746 = arith.constant 16 : i32
        %mul3A_1747 = arith.muli %add3A_1745, %mul3A_1746 : i32
        %get3A_1748 = arith.index_cast %mul3A_1747 : i32 to index
        %get3A_1749 = tpu.vector_load %arg7[%get3A_1748] {strides = array<i32>} : memref<512xi32, #tpu.memory_space<vmem>>, vector<16xi32>,
        %and3A_1750 = arith.constant -128 : i32
        %and3A_1751 = vector.broadcast %and3A_1750 : i32 to vector<16xi32>
        %and3A_1752 = arith.andi %get3A_1749, %and3A_1751 : vector<16xi32>
        %get3A_1753 = arith.index_cast %mul3A_1747 : i32 to index
        %get3A_1754 = tpu.vector_load %arg8[%get3A_1753] {strides = array<i32>} : memref<512xi32, #tpu.memory_space<vmem>>, vector<16xi32>,
        %and3A_1755 = arith.constant -128 : i32
        %and3A_1756 = vector.broadcast %and3A_1755 : i32 to vector<16xi32>
        %and3A_1757 = arith.andi %get3A_1754, %and3A_1756 : vector<16xi32>
        %slice3A_1758 = vector.extract_strided_slice %and3A_1752 {offsets = [0], sizes = [1], strides = [1]} : vector<16xi32> to vector<1xi32>
        %squeeze3A_1759 = vector.extract %slice3A_1758[0] : i32 from vector<1xi32>
        %multiple_of3A_1760 = tpu.assume_multiple %squeeze3A_1759, 128 : i32
        %dma_start3A_1761 = arith.constant 0 : i32
        %dma_start3A_1762 = arith.constant 0 : i32
        %dma_start3A_1763 = arith.constant 0 : i32
        %dma_start3A_1764 = tpu.memref_slice %arg9[%dma_start3A_1761, %dma_start3A_1762, %dma_start3A_1763] : memref<8x32x128xf32, #tpu.memory_space<vmem>> -> memref<1x32x128xf32, #tpu.memory_space<vmem>>
        %dma_start3A_1765 = tpu.memref_squeeze %dma_start3A_1764 : memref<1x32x128xf32, #tpu.memory_space<vmem>> -> memref<32x128xf32, #tpu.memory_space<vmem>>
        %dma_start3A_1766 = arith.constant 0 : i32
        %dma_start3A_1767 = tpu.memref_slice %arg2[%dma_start3A_1766, %multiple_of3A_1760] : memref<32x1000000xf32, #tpu.memory_space<hbm>> -> memref<32x128xf32, #tpu.memory_space<hbm>>
        %dma_start3A_1768 = arith.constant 0 : i32
        %dma_start3A_1769 = arith.constant 0 : i32
        %dma_start3A_1770 = tpu.memref_slice %arg9[%dma_start3A_1761, %dma_start3A_1768, %dma_start3A_1769] : memref<8x32x128xf32, #tpu.memory_space<vmem>> -> memref<1x32x128xf32, #tpu.memory_space<vmem>>
        %dma_start3A_1771 = tpu.memref_squeeze %dma_start3A_1770 : memref<1x32x128xf32, #tpu.memory_space<vmem>> -> memref<32x128xf32, #tpu.memory_space<vmem>>
        %dma_start3A_1772 = arith.constant 0 : i32
        %dma_start3A_1773 = tpu.memref_slice %arg2[%dma_start3A_1772, %multiple_of3A_1760] : memref<32x1000000xf32, #tpu.memory_space<hbm>> -> memref<32x128xf32, #tpu.memory_space<hbm>>
        tpu.enqueue_dma source(%dma_start3A_1773 : memref<32x128xf32, #tpu.memory_space<hbm>>) target(%dma_start3A_1771 : memref<32x128xf32, #tpu.memory_space<vmem>>) target_semaphore(%arg12 : memref<!tpu.dma_semaphore, #tpu.memory_space<semaphore_mem>>)
        %slice3A_1774 = vector.extract_strided_slice %and3A_1757 {offsets = [0], sizes = [1], strides = [1]} : vector<16xi32> to vector<1xi32>
        %squeeze3A_1775 = vector.extract %slice3A_1774[0] : i32 from vector<1xi32>
        %multiple_of3A_1776 = tpu.assume_multiple %squeeze3A_1775, 128 : i32
        %dma_start3A_1777 = arith.constant 0 : i32
        %dma_start3A_1778 = arith.constant 0 : i32
        %dma_start3A_1779 = arith.constant 0 : i32
        %dma_start3A_1780 = tpu.memref_slice %arg10[%dma_start3A_1777, %dma_start3A_1778, %dma_start3A_1779] : memref<8x32x128xf32, #tpu.memory_space<vmem>> -> memref<1x32x128xf32, #tpu.memory_space<vmem>>
        %dma_start3A_1781 = tpu.memref_squeeze %dma_start3A_1780 : memref<1x32x128xf32, #tpu.memory_space<vmem>> -> memref<32x128xf32, #tpu.memory_space<vmem>>
        %dma_start3A_1782 = arith.constant 0 : i32
        %dma_start3A_1783 = tpu.memref_slice %arg3[%dma_start3A_1782, %multiple_of3A_1776] : memref<32x1000000xf32, #tpu.memory_space<hbm>> -> memref<32x128xf32, #tpu.memory_space<hbm>>
        %dma_start3A_1784 = arith.constant 0 : i32
        %dma_start3A_1785 = arith.constant 0 : i32
        %dma_start3A_1786 = tpu.memref_slice %arg10[%dma_start3A_1777, %dma_start3A_1784, %dma_start3A_1785] : memref<8x32x128xf32, #tpu.memory_space<vmem>> -> memref<1x32x128xf32, #tpu.memory_space<vmem>>
        %dma_start3A_1787 = tpu.memref_squeeze %dma_start3A_1786 : memref<1x32x128xf32, #tpu.memory_space<vmem>> -> memref<32x128xf32, #tpu.memory_space<vmem>>
        %dma_start3A_1788 = arith.constant 0 : i32
        %dma_start3A_1789 = tpu.memref_slice %arg3[%dma_start3A_1788, %multiple_of3A_1776] : memref<32x1000000xf32, #tpu.memory_space<hbm>> -> memref<32x128xf32, #tpu.memory_space<hbm>>
        tpu.enqueue_dma source(%dma_start3A_1789 : memref<32x128xf32, #tpu.memory_space<hbm>>) target(%dma_start3A_1787 : memref<32x128xf32, #tpu.memory_space<vmem>>) target_semaphore(%arg16 : memref<!tpu.dma_semaphore, #tpu.memory_space<semaphore_mem>>)
        %slice3A_1790 = vector.extract_strided_slice %and3A_1752 {offsets = [1], sizes = [1], strides = [1]} : vector<16xi32> to vector<1xi32>
        %squeeze3A_1791 = vector.extract %slice3A_1790[0] : i32 from vector<1xi32>
        %multiple_of3A_1792 = tpu.assume_multiple %squeeze3A_1791, 128 : i32
        %dma_start3A_1793 = arith.constant 1 : i32
        %dma_start3A_1794 = arith.constant 0 : i32
        %dma_start3A_1795 = arith.constant 0 : i32
        %dma_start3A_1796 = tpu.memref_slice %arg9[%dma_start3A_1793, %dma_start3A_1794, %dma_start3A_1795] : memref<8x32x128xf32, #tpu.memory_space<vmem>> -> memref<1x32x128xf32, #tpu.memory_space<vmem>>
        %dma_start3A_1797 = tpu.memref_squeeze %dma_start3A_1796 : memref<1x32x128xf32, #tpu.memory_space<vmem>> -> memref<32x128xf32, #tpu.memory_space<vmem>>
        %dma_start3A_1798 = arith.constant 0 : i32
        %dma_start3A_1799 = tpu.memref_slice %arg2[%dma_start3A_1798, %multiple_of3A_1792] : memref<32x1000000xf32, #tpu.memory_space<hbm>> -> memref<32x128xf32, #tpu.memory_space<hbm>>
        %dma_start3A_1800 = arith.constant 0 : i32
        %dma_start3A_1801 = arith.constant 0 : i32
        %dma_start3A_1802 = tpu.memref_slice %arg9[%dma_start3A_1793, %dma_start3A_1800, %dma_start3A_1801] : memref<8x32x128xf32, #tpu.memory_space<vmem>> -> memref<1x32x128xf32, #tpu.memory_space<vmem>>
        %dma_start3A_1803 = tpu.memref_squeeze %dma_start3A_1802 : memref<1x32x128xf32, #tpu.memory_space<vmem>> -> memref<32x128xf32, #tpu.memory_space<vmem>>
        %dma_start3A_1804 = arith.constant 0 : i32
        %dma_start3A_1805 = tpu.memref_slice %arg2[%dma_start3A_1804, %multiple_of3A_1792] : memref<32x1000000xf32, #tpu.memory_space<hbm>> -> memref<32x128xf32, #tpu.memory_space<hbm>>
        tpu.enqueue_dma source(%dma_start3A_1805 : memref<32x128xf32, #tpu.memory_space<hbm>>) target(%dma_start3A_1803 : memref<32x128xf32, #tpu.memory_space<vmem>>) target_semaphore(%arg12 : memref<!tpu.dma_semaphore, #tpu.memory_space<semaphore_mem>>)
        %slice3A_1806 = vector.extract_strided_slice %and3A_1757 {offsets = [1], sizes = [1], strides = [1]} : vector<16xi32> to vector<1xi32>
        %squeeze3A_1807 = vector.extract %slice3A_1806[0] : i32 from vector<1xi32>
        %multiple_of3A_1808 = tpu.assume_multiple %squeeze3A_1807, 128 : i32
        %dma_start3A_1809 = arith.constant 1 : i32
        %dma_start3A_1810 = arith.constant 0 : i32
        %dma_start3A_1811 = arith.constant 0 : i32
        %dma_start3A_1812 = tpu.memref_slice %arg10[%dma_start3A_1809, %dma_start3A_1810, %dma_start3A_1811] : memref<8x32x128xf32, #tpu.memory_space<vmem>> -> memref<1x32x128xf32, #tpu.memory_space<vmem>>
        %dma_start3A_1813 = tpu.memref_squeeze %dma_start3A_1812 : memref<1x32x128xf32, #tpu.memory_space<vmem>> -> memref<32x128xf32, #tpu.memory_space<vmem>>
        %dma_start3A_1814 = arith.constant 0 : i32
        %dma_start3A_1815 = tpu.memref_slice %arg3[%dma_start3A_1814, %multiple_of3A_1808] : memref<32x1000000xf32, #tpu.memory_space<hbm>> -> memref<32x128xf32, #tpu.memory_space<hbm>>
        %dma_start3A_1816 = arith.constant 0 : i32
        %dma_start3A_1817 = arith.constant 0 : i32
        %dma_start3A_1818 = tpu.memref_slice %arg10[%dma_start3A_1809, %dma_start3A_1816, %dma_start3A_1817] : memref<8x32x128xf32, #tpu.memory_space<vmem>> -> memref<1x32x128xf32, #tpu.memory_space<vmem>>
        %dma_start3A_1819 = tpu.memref_squeeze %dma_start3A_1818 : memref<1x32x128xf32, #tpu.memory_space<vmem>> -> memref<32x128xf32, #tpu.memory_space<vmem>>
        %dma_start3A_1820 = arith.constant 0 : i32
        %dma_start3A_1821 = tpu.memref_slice %arg3[%dma_start3A_1820, %multiple_of3A_1808] : memref<32x1000000xf32, #tpu.memory_space<hbm>> -> memref<32x128xf32, #tpu.memory_space<hbm>>
        tpu.enqueue_dma source(%dma_start3A_1821 : memref<32x128xf32, #tpu.memory_space<hbm>>) target(%dma_start3A_1819 : memref<32x128xf32, #tpu.memory_space<vmem>>) target_semaphore(%arg16 : memref<!tpu.dma_semaphore, #tpu.memory_space<semaphore_mem>>)
      } else {
      }
      %dma_wait3A_1217 = arith.constant 0 : i32
      %dma_wait3A_1218 = arith.constant 0 : i32
      %dma_wait3A_1219 = arith.constant 0 : i32
      %dma_wait3A_1220 = tpu.memref_slice %arg9[%dma_wait3A_1217, %dma_wait3A_1218, %dma_wait3A_1219] : memref<8x32x128xf32, #tpu.memory_space<vmem>> -> memref<1x32x128xf32, #tpu.memory_space<vmem>>
      %dma_wait3A_1221 = tpu.memref_squeeze %dma_wait3A_1220 : memref<1x32x128xf32, #tpu.memory_space<vmem>> -> memref<32x128xf32, #tpu.memory_space<vmem>>
      %dma_wait3A_1222 = arith.constant 0 : i32
      %dma_wait3A_1223 = arith.constant 0 : i32
      %dma_wait3A_1224 = tpu.memref_slice %arg2[%dma_wait3A_1222, %dma_wait3A_1223] : memref<32x1000000xf32, #tpu.memory_space<hbm>> -> memref<32x128xf32, #tpu.memory_space<hbm>>
      %dma_wait3A_1225 = arith.constant 0 : i32
      %dma_wait3A_1226 = arith.constant 0 : i32
      %dma_wait3A_1227 = tpu.memref_slice %arg9[%dma_wait3A_1217, %dma_wait3A_1225, %dma_wait3A_1226] : memref<8x32x128xf32, #tpu.memory_space<vmem>> -> memref<1x32x128xf32, #tpu.memory_space<vmem>>
      %dma_wait3A_1228 = tpu.memref_squeeze %dma_wait3A_1227 : memref<1x32x128xf32, #tpu.memory_space<vmem>> -> memref<32x128xf32, #tpu.memory_space<vmem>>
      %dma_wait3A_1229 = arith.constant 0 : i32
      %dma_wait3A_1230 = arith.constant 0 : i32
      %dma_wait3A_1231 = tpu.memref_slice %arg2[%dma_wait3A_1229, %dma_wait3A_1230] : memref<32x1000000xf32, #tpu.memory_space<hbm>> -> memref<32x128xf32, #tpu.memory_space<hbm>>
      tpu.wait_dma2 semaphore(%arg13 : memref<!tpu.dma_semaphore, #tpu.memory_space<semaphore_mem>>) src(%dma_wait3A_1231 : memref<32x128xf32, #tpu.memory_space<hbm>>) dst(%dma_wait3A_1228 : memref<32x128xf32, #tpu.memory_space<vmem>>)
      %dma_wait3A_1232 = arith.constant 0 : i32
      %dma_wait3A_1233 = arith.constant 0 : i32
      %dma_wait3A_1234 = arith.constant 0 : i32
      %dma_wait3A_1235 = tpu.memref_slice %arg10[%dma_wait3A_1232, %dma_wait3A_1233, %dma_wait3A_1234] : memref<8x32x128xf32, #tpu.memory_space<vmem>> -> memref<1x32x128xf32, #tpu.memory_space<vmem>>
      %dma_wait3A_1236 = tpu.memref_squeeze %dma_wait3A_1235 : memref<1x32x128xf32, #tpu.memory_space<vmem>> -> memref<32x128xf32, #tpu.memory_space<vmem>>
      %dma_wait3A_1237 = arith.constant 0 : i32
      %dma_wait3A_1238 = arith.constant 0 : i32
      %dma_wait3A_1239 = tpu.memref_slice %arg3[%dma_wait3A_1237, %dma_wait3A_1238] : memref<32x1000000xf32, #tpu.memory_space<hbm>> -> memref<32x128xf32, #tpu.memory_space<hbm>>
      %dma_wait3A_1240 = arith.constant 0 : i32
      %dma_wait3A_1241 = arith.constant 0 : i32
      %dma_wait3A_1242 = tpu.memref_slice %arg10[%dma_wait3A_1232, %dma_wait3A_1240, %dma_wait3A_1241] : memref<8x32x128xf32, #tpu.memory_space<vmem>> -> memref<1x32x128xf32, #tpu.memory_space<vmem>>
      %dma_wait3A_1243 = tpu.memref_squeeze %dma_wait3A_1242 : memref<1x32x128xf32, #tpu.memory_space<vmem>> -> memref<32x128xf32, #tpu.memory_space<vmem>>
      %dma_wait3A_1244 = arith.constant 0 : i32
      %dma_wait3A_1245 = arith.constant 0 : i32
      %dma_wait3A_1246 = tpu.memref_slice %arg3[%dma_wait3A_1244, %dma_wait3A_1245] : memref<32x1000000xf32, #tpu.memory_space<hbm>> -> memref<32x128xf32, #tpu.memory_space<hbm>>
      tpu.wait_dma2 semaphore(%arg17 : memref<!tpu.dma_semaphore, #tpu.memory_space<semaphore_mem>>) src(%dma_wait3A_1246 : memref<32x128xf32, #tpu.memory_space<hbm>>) dst(%dma_wait3A_1243 : memref<32x128xf32, #tpu.memory_space<vmem>>)
      %dma_wait3A_1247 = arith.constant 0 : i32
      %dma_wait3A_1248 = arith.constant 0 : i32
      %dma_wait3A_1249 = arith.constant 0 : i32
      %dma_wait3A_1250 = tpu.memref_slice %arg9[%dma_wait3A_1247, %dma_wait3A_1248, %dma_wait3A_1249] : memref<8x32x128xf32, #tpu.memory_space<vmem>> -> memref<1x32x128xf32, #tpu.memory_space<vmem>>
      %dma_wait3A_1251 = tpu.memref_squeeze %dma_wait3A_1250 : memref<1x32x128xf32, #tpu.memory_space<vmem>> -> memref<32x128xf32, #tpu.memory_space<vmem>>
      %dma_wait3A_1252 = arith.constant 0 : i32
      %dma_wait3A_1253 = arith.constant 0 : i32
      %dma_wait3A_1254 = tpu.memref_slice %arg2[%dma_wait3A_1252, %dma_wait3A_1253] : memref<32x1000000xf32, #tpu.memory_space<hbm>> -> memref<32x128xf32, #tpu.memory_space<hbm>>
      %dma_wait3A_1255 = arith.constant 0 : i32
      %dma_wait3A_1256 = arith.constant 0 : i32
      %dma_wait3A_1257 = tpu.memref_slice %arg9[%dma_wait3A_1247, %dma_wait3A_1255, %dma_wait3A_1256] : memref<8x32x128xf32, #tpu.memory_space<vmem>> -> memref<1x32x128xf32, #tpu.memory_space<vmem>>
      %dma_wait3A_1258 = tpu.memref_squeeze %dma_wait3A_1257 : memref<1x32x128xf32, #tpu.memory_space<vmem>> -> memref<32x128xf32, #tpu.memory_space<vmem>>
      %dma_wait3A_1259 = arith.constant 0 : i32
      %dma_wait3A_1260 = arith.constant 0 : i32
      %dma_wait3A_1261 = tpu.memref_slice %arg2[%dma_wait3A_1259, %dma_wait3A_1260] : memref<32x1000000xf32, #tpu.memory_space<hbm>> -> memref<32x128xf32, #tpu.memory_space<hbm>>
      tpu.wait_dma2 semaphore(%arg13 : memref<!tpu.dma_semaphore, #tpu.memory_space<semaphore_mem>>) src(%dma_wait3A_1261 : memref<32x128xf32, #tpu.memory_space<hbm>>) dst(%dma_wait3A_1258 : memref<32x128xf32, #tpu.memory_space<vmem>>)
      %dma_wait3A_1262 = arith.constant 0 : i32
      %dma_wait3A_1263 = arith.constant 0 : i32
      %dma_wait3A_1264 = arith.constant 0 : i32
      %dma_wait3A_1265 = tpu.memref_slice %arg10[%dma_wait3A_1262, %dma_wait3A_1263, %dma_wait3A_1264] : memref<8x32x128xf32, #tpu.memory_space<vmem>> -> memref<1x32x128xf32, #tpu.memory_space<vmem>>
      %dma_wait3A_1266 = tpu.memref_squeeze %dma_wait3A_1265 : memref<1x32x128xf32, #tpu.memory_space<vmem>> -> memref<32x128xf32, #tpu.memory_space<vmem>>
      %dma_wait3A_1267 = arith.constant 0 : i32
      %dma_wait3A_1268 = arith.constant 0 : i32
      %dma_wait3A_1269 = tpu.memref_slice %arg3[%dma_wait3A_1267, %dma_wait3A_1268] : memref<32x1000000xf32, #tpu.memory_space<hbm>> -> memref<32x128xf32, #tpu.memory_space<hbm>>
      %dma_wait3A_1270 = arith.constant 0 : i32
      %dma_wait3A_1271 = arith.constant 0 : i32
      %dma_wait3A_1272 = tpu.memref_slice %arg10[%dma_wait3A_1262, %dma_wait3A_1270, %dma_wait3A_1271] : memref<8x32x128xf32, #tpu.memory_space<vmem>> -> memref<1x32x128xf32, #tpu.memory_space<vmem>>
      %dma_wait3A_1273 = tpu.memref_squeeze %dma_wait3A_1272 : memref<1x32x128xf32, #tpu.memory_space<vmem>> -> memref<32x128xf32, #tpu.memory_space<vmem>>
      %dma_wait3A_1274 = arith.constant 0 : i32
      %dma_wait3A_1275 = arith.constant 0 : i32
      %dma_wait3A_1276 = tpu.memref_slice %arg3[%dma_wait3A_1274, %dma_wait3A_1275] : memref<32x1000000xf32, #tpu.memory_space<hbm>> -> memref<32x128xf32, #tpu.memory_space<hbm>>
      tpu.wait_dma2 semaphore(%arg17 : memref<!tpu.dma_semaphore, #tpu.memory_space<semaphore_mem>>) src(%dma_wait3A_1276 : memref<32x128xf32, #tpu.memory_space<hbm>>) dst(%dma_wait3A_1273 : memref<32x128xf32, #tpu.memory_space<vmem>>)
      %slice3A_1277 = vector.extract_strided_slice %and3A_248 {offsets = [10], sizes = [1], strides = [1]} : vector<16xi32> to vector<1xi32>
      %squeeze3A_1278 = vector.extract %slice3A_1277[0] : i32 from vector<1xi32>
      %broadcast_in_dim3A_1279 = vector.broadcast %squeeze3A_1278 : i32 to vector<16xi32>
      %slice3A_1280 = vector.extract_strided_slice %and3A_253 {offsets = [10], sizes = [1], strides = [1]} : vector<16xi32> to vector<1xi32>
      %squeeze3A_1281 = vector.extract %slice3A_1280[0] : i32 from vector<1xi32>
      %broadcast_in_dim3A_1282 = vector.broadcast %squeeze3A_1281 : i32 to vector<16xi32>
      %gather3A_1283 = arith.constant 2 : i32
      %gather3A_1284 = arith.constant 0 : i32
      %gather3A_1285 = arith.constant 0 : i32
      %gather3A_1286 = tpu.memref_slice %arg9[%gather3A_1283, %gather3A_1284, %gather3A_1285] : memref<8x32x128xf32, #tpu.memory_space<vmem>> -> memref<1x32x128xf32, #tpu.memory_space<vmem>>
      %gather3A_1287 = tpu.memref_squeeze %gather3A_1286 : memref<1x32x128xf32, #tpu.memory_space<vmem>> -> memref<32x128xf32, #tpu.memory_space<vmem>>
      %gather3A_1288 = tpu.vector_load_idx %gather3A_1287[%iota3A, %broadcast_in_dim3A_1279] : memref<32x128xf32, #tpu.memory_space<vmem>>[vector<16xi32>, vector<16xi32>], vector<16xf32>,
      %gather3A_1289 = arith.constant 2 : i32
      %gather3A_1290 = arith.constant 0 : i32
      %gather3A_1291 = arith.constant 0 : i32
      %gather3A_1292 = tpu.memref_slice %arg9[%gather3A_1289, %gather3A_1290, %gather3A_1291] : memref<8x32x128xf32, #tpu.memory_space<vmem>> -> memref<1x32x128xf32, #tpu.memory_space<vmem>>
      %gather3A_1293 = tpu.memref_squeeze %gather3A_1292 : memref<1x32x128xf32, #tpu.memory_space<vmem>> -> memref<32x128xf32, #tpu.memory_space<vmem>>
      %gather3A_1294 = tpu.vector_load_idx %gather3A_1293[%add3A_5, %broadcast_in_dim3A_1279] : memref<32x128xf32, #tpu.memory_space<vmem>>[vector<16xi32>, vector<16xi32>], vector<16xf32>,
      %gather3A_1295 = arith.constant 2 : i32
      %gather3A_1296 = arith.constant 0 : i32
      %gather3A_1297 = arith.constant 0 : i32
      %gather3A_1298 = tpu.memref_slice %arg10[%gather3A_1295, %gather3A_1296, %gather3A_1297] : memref<8x32x128xf32, #tpu.memory_space<vmem>> -> memref<1x32x128xf32, #tpu.memory_space<vmem>>
      %gather3A_1299 = tpu.memref_squeeze %gather3A_1298 : memref<1x32x128xf32, #tpu.memory_space<vmem>> -> memref<32x128xf32, #tpu.memory_space<vmem>>
      %gather3A_1300 = tpu.vector_load_idx %gather3A_1299[%iota3A, %broadcast_in_dim3A_1282] : memref<32x128xf32, #tpu.memory_space<vmem>>[vector<16xi32>, vector<16xi32>], vector<16xf32>,
      %gather3A_1301 = arith.constant 2 : i32
      %gather3A_1302 = arith.constant 0 : i32
      %gather3A_1303 = arith.constant 0 : i32
      %gather3A_1304 = tpu.memref_slice %arg10[%gather3A_1301, %gather3A_1302, %gather3A_1303] : memref<8x32x128xf32, #tpu.memory_space<vmem>> -> memref<1x32x128xf32, #tpu.memory_space<vmem>>
      %gather3A_1305 = tpu.memref_squeeze %gather3A_1304 : memref<1x32x128xf32, #tpu.memory_space<vmem>> -> memref<32x128xf32, #tpu.memory_space<vmem>>
      %gather3A_1306 = tpu.vector_load_idx %gather3A_1305[%add3A_5, %broadcast_in_dim3A_1282] : memref<32x128xf32, #tpu.memory_space<vmem>>[vector<16xi32>, vector<16xi32>], vector<16xf32>,
      %mul3A_1307 = arith.mulf %gather3A_1288, %gather3A_1300 : vector<16xf32>
      %mul3A_1308 = arith.mulf %gather3A_1294, %gather3A_1306 : vector<16xf32>
      %add3A_1309 = arith.addf %mul3A_1307, %mul3A_1308 : vector<16xf32>
      %slice3A_1310 = vector.extract_strided_slice %and3A_248 {offsets = [11], sizes = [1], strides = [1]} : vector<16xi32> to vector<1xi32>
      %squeeze3A_1311 = vector.extract %slice3A_1310[0] : i32 from vector<1xi32>
      %broadcast_in_dim3A_1312 = vector.broadcast %squeeze3A_1311 : i32 to vector<16xi32>
      %slice3A_1313 = vector.extract_strided_slice %and3A_253 {offsets = [11], sizes = [1], strides = [1]} : vector<16xi32> to vector<1xi32>
      %squeeze3A_1314 = vector.extract %slice3A_1313[0] : i32 from vector<1xi32>
      %broadcast_in_dim3A_1315 = vector.broadcast %squeeze3A_1314 : i32 to vector<16xi32>
      %gather3A_1316 = arith.constant 3 : i32
      %gather3A_1317 = arith.constant 0 : i32
      %gather3A_1318 = arith.constant 0 : i32
      %gather3A_1319 = tpu.memref_slice %arg9[%gather3A_1316, %gather3A_1317, %gather3A_1318] : memref<8x32x128xf32, #tpu.memory_space<vmem>> -> memref<1x32x128xf32, #tpu.memory_space<vmem>>
      %gather3A_1320 = tpu.memref_squeeze %gather3A_1319 : memref<1x32x128xf32, #tpu.memory_space<vmem>> -> memref<32x128xf32, #tpu.memory_space<vmem>>
      %gather3A_1321 = tpu.vector_load_idx %gather3A_1320[%iota3A, %broadcast_in_dim3A_1312] : memref<32x128xf32, #tpu.memory_space<vmem>>[vector<16xi32>, vector<16xi32>], vector<16xf32>,
      %gather3A_1322 = arith.constant 3 : i32
      %gather3A_1323 = arith.constant 0 : i32
      %gather3A_1324 = arith.constant 0 : i32
      %gather3A_1325 = tpu.memref_slice %arg9[%gather3A_1322, %gather3A_1323, %gather3A_1324] : memref<8x32x128xf32, #tpu.memory_space<vmem>> -> memref<1x32x128xf32, #tpu.memory_space<vmem>>
      %gather3A_1326 = tpu.memref_squeeze %gather3A_1325 : memref<1x32x128xf32, #tpu.memory_space<vmem>> -> memref<32x128xf32, #tpu.memory_space<vmem>>
      %gather3A_1327 = tpu.vector_load_idx %gather3A_1326[%add3A_5, %broadcast_in_dim3A_1312] : memref<32x128xf32, #tpu.memory_space<vmem>>[vector<16xi32>, vector<16xi32>], vector<16xf32>,
      %gather3A_1328 = arith.constant 3 : i32
      %gather3A_1329 = arith.constant 0 : i32
      %gather3A_1330 = arith.constant 0 : i32
      %gather3A_1331 = tpu.memref_slice %arg10[%gather3A_1328, %gather3A_1329, %gather3A_1330] : memref<8x32x128xf32, #tpu.memory_space<vmem>> -> memref<1x32x128xf32, #tpu.memory_space<vmem>>
      %gather3A_1332 = tpu.memref_squeeze %gather3A_1331 : memref<1x32x128xf32, #tpu.memory_space<vmem>> -> memref<32x128xf32, #tpu.memory_space<vmem>>
      %gather3A_1333 = tpu.vector_load_idx %gather3A_1332[%iota3A, %broadcast_in_dim3A_1315] : memref<32x128xf32, #tpu.memory_space<vmem>>[vector<16xi32>, vector<16xi32>], vector<16xf32>,
      %gather3A_1334 = arith.constant 3 : i32
      %gather3A_1335 = arith.constant 0 : i32
      %gather3A_1336 = arith.constant 0 : i32
      %gather3A_1337 = tpu.memref_slice %arg10[%gather3A_1334, %gather3A_1335, %gather3A_1336] : memref<8x32x128xf32, #tpu.memory_space<vmem>> -> memref<1x32x128xf32, #tpu.memory_space<vmem>>
      %gather3A_1338 = tpu.memref_squeeze %gather3A_1337 : memref<1x32x128xf32, #tpu.memory_space<vmem>> -> memref<32x128xf32, #tpu.memory_space<vmem>>
      %gather3A_1339 = tpu.vector_load_idx %gather3A_1338[%add3A_5, %broadcast_in_dim3A_1315] : memref<32x128xf32, #tpu.memory_space<vmem>>[vector<16xi32>, vector<16xi32>], vector<16xf32>,
      %mul3A_1340 = arith.mulf %gather3A_1321, %gather3A_1333 : vector<16xf32>
      %mul3A_1341 = arith.mulf %gather3A_1327, %gather3A_1339 : vector<16xf32>
      %add3A_1342 = arith.addf %mul3A_1340, %mul3A_1341 : vector<16xf32>
      %add3A_1343 = arith.constant 1 : i32
      %add3A_1344 = arith.addi %scan3A_241, %add3A_1343 : i32
      %lt3A_1345 = arith.constant 32 : i32
      %lt3A_1346 = arith.cmpi slt, %add3A_1344, %lt3A_1345 : i32
      %convert_element_type3A_1347 = arith.extui %lt3A_1346 : i1 to i32
      %cond3A_1348 = arith.constant 0 : i32
      %cond3A_1349 = arith.cmpi ne, %convert_element_type3A_1347, %cond3A_1348 : i32
      scf.if %cond3A_1349 {
        %add3A_1744 = arith.constant 1 : i32
        %add3A_1745 = arith.addi %scan3A_241, %add3A_1744 : i32
        %mul3A_1746 = arith.constant 16 : i32
        %mul3A_1747 = arith.muli %add3A_1745, %mul3A_1746 : i32
        %get3A_1748 = arith.index_cast %mul3A_1747 : i32 to index
        %get3A_1749 = tpu.vector_load %arg7[%get3A_1748] {strides = array<i32>} : memref<512xi32, #tpu.memory_space<vmem>>, vector<16xi32>,
        %and3A_1750 = arith.constant -128 : i32
        %and3A_1751 = vector.broadcast %and3A_1750 : i32 to vector<16xi32>
        %and3A_1752 = arith.andi %get3A_1749, %and3A_1751 : vector<16xi32>
        %get3A_1753 = arith.index_cast %mul3A_1747 : i32 to index
        %get3A_1754 = tpu.vector_load %arg8[%get3A_1753] {strides = array<i32>} : memref<512xi32, #tpu.memory_space<vmem>>, vector<16xi32>,
        %and3A_1755 = arith.constant -128 : i32
        %and3A_1756 = vector.broadcast %and3A_1755 : i32 to vector<16xi32>
        %and3A_1757 = arith.andi %get3A_1754, %and3A_1756 : vector<16xi32>
        %slice3A_1758 = vector.extract_strided_slice %and3A_1752 {offsets = [2], sizes = [1], strides = [1]} : vector<16xi32> to vector<1xi32>
        %squeeze3A_1759 = vector.extract %slice3A_1758[0] : i32 from vector<1xi32>
        %multiple_of3A_1760 = tpu.assume_multiple %squeeze3A_1759, 128 : i32
        %dma_start3A_1761 = arith.constant 2 : i32
        %dma_start3A_1762 = arith.constant 0 : i32
        %dma_start3A_1763 = arith.constant 0 : i32
        %dma_start3A_1764 = tpu.memref_slice %arg9[%dma_start3A_1761, %dma_start3A_1762, %dma_start3A_1763] : memref<8x32x128xf32, #tpu.memory_space<vmem>> -> memref<1x32x128xf32, #tpu.memory_space<vmem>>
        %dma_start3A_1765 = tpu.memref_squeeze %dma_start3A_1764 : memref<1x32x128xf32, #tpu.memory_space<vmem>> -> memref<32x128xf32, #tpu.memory_space<vmem>>
        %dma_start3A_1766 = arith.constant 0 : i32
        %dma_start3A_1767 = tpu.memref_slice %arg2[%dma_start3A_1766, %multiple_of3A_1760] : memref<32x1000000xf32, #tpu.memory_space<hbm>> -> memref<32x128xf32, #tpu.memory_space<hbm>>
        %dma_start3A_1768 = arith.constant 0 : i32
        %dma_start3A_1769 = arith.constant 0 : i32
        %dma_start3A_1770 = tpu.memref_slice %arg9[%dma_start3A_1761, %dma_start3A_1768, %dma_start3A_1769] : memref<8x32x128xf32, #tpu.memory_space<vmem>> -> memref<1x32x128xf32, #tpu.memory_space<vmem>>
        %dma_start3A_1771 = tpu.memref_squeeze %dma_start3A_1770 : memref<1x32x128xf32, #tpu.memory_space<vmem>> -> memref<32x128xf32, #tpu.memory_space<vmem>>
        %dma_start3A_1772 = arith.constant 0 : i32
        %dma_start3A_1773 = tpu.memref_slice %arg2[%dma_start3A_1772, %multiple_of3A_1760] : memref<32x1000000xf32, #tpu.memory_space<hbm>> -> memref<32x128xf32, #tpu.memory_space<hbm>>
        tpu.enqueue_dma source(%dma_start3A_1773 : memref<32x128xf32, #tpu.memory_space<hbm>>) target(%dma_start3A_1771 : memref<32x128xf32, #tpu.memory_space<vmem>>) target_semaphore(%arg13 : memref<!tpu.dma_semaphore, #tpu.memory_space<semaphore_mem>>)
        %slice3A_1774 = vector.extract_strided_slice %and3A_1757 {offsets = [2], sizes = [1], strides = [1]} : vector<16xi32> to vector<1xi32>
        %squeeze3A_1775 = vector.extract %slice3A_1774[0] : i32 from vector<1xi32>
        %multiple_of3A_1776 = tpu.assume_multiple %squeeze3A_1775, 128 : i32
        %dma_start3A_1777 = arith.constant 2 : i32
        %dma_start3A_1778 = arith.constant 0 : i32
        %dma_start3A_1779 = arith.constant 0 : i32
        %dma_start3A_1780 = tpu.memref_slice %arg10[%dma_start3A_1777, %dma_start3A_1778, %dma_start3A_1779] : memref<8x32x128xf32, #tpu.memory_space<vmem>> -> memref<1x32x128xf32, #tpu.memory_space<vmem>>
        %dma_start3A_1781 = tpu.memref_squeeze %dma_start3A_1780 : memref<1x32x128xf32, #tpu.memory_space<vmem>> -> memref<32x128xf32, #tpu.memory_space<vmem>>
        %dma_start3A_1782 = arith.constant 0 : i32
        %dma_start3A_1783 = tpu.memref_slice %arg3[%dma_start3A_1782, %multiple_of3A_1776] : memref<32x1000000xf32, #tpu.memory_space<hbm>> -> memref<32x128xf32, #tpu.memory_space<hbm>>
        %dma_start3A_1784 = arith.constant 0 : i32
        %dma_start3A_1785 = arith.constant 0 : i32
        %dma_start3A_1786 = tpu.memref_slice %arg10[%dma_start3A_1777, %dma_start3A_1784, %dma_start3A_1785] : memref<8x32x128xf32, #tpu.memory_space<vmem>> -> memref<1x32x128xf32, #tpu.memory_space<vmem>>
        %dma_start3A_1787 = tpu.memref_squeeze %dma_start3A_1786 : memref<1x32x128xf32, #tpu.memory_space<vmem>> -> memref<32x128xf32, #tpu.memory_space<vmem>>
        %dma_start3A_1788 = arith.constant 0 : i32
        %dma_start3A_1789 = tpu.memref_slice %arg3[%dma_start3A_1788, %multiple_of3A_1776] : memref<32x1000000xf32, #tpu.memory_space<hbm>> -> memref<32x128xf32, #tpu.memory_space<hbm>>
        tpu.enqueue_dma source(%dma_start3A_1789 : memref<32x128xf32, #tpu.memory_space<hbm>>) target(%dma_start3A_1787 : memref<32x128xf32, #tpu.memory_space<vmem>>) target_semaphore(%arg17 : memref<!tpu.dma_semaphore, #tpu.memory_space<semaphore_mem>>)
        %slice3A_1790 = vector.extract_strided_slice %and3A_1752 {offsets = [3], sizes = [1], strides = [1]} : vector<16xi32> to vector<1xi32>
        %squeeze3A_1791 = vector.extract %slice3A_1790[0] : i32 from vector<1xi32>
        %multiple_of3A_1792 = tpu.assume_multiple %squeeze3A_1791, 128 : i32
        %dma_start3A_1793 = arith.constant 3 : i32
        %dma_start3A_1794 = arith.constant 0 : i32
        %dma_start3A_1795 = arith.constant 0 : i32
        %dma_start3A_1796 = tpu.memref_slice %arg9[%dma_start3A_1793, %dma_start3A_1794, %dma_start3A_1795] : memref<8x32x128xf32, #tpu.memory_space<vmem>> -> memref<1x32x128xf32, #tpu.memory_space<vmem>>
        %dma_start3A_1797 = tpu.memref_squeeze %dma_start3A_1796 : memref<1x32x128xf32, #tpu.memory_space<vmem>> -> memref<32x128xf32, #tpu.memory_space<vmem>>
        %dma_start3A_1798 = arith.constant 0 : i32
        %dma_start3A_1799 = tpu.memref_slice %arg2[%dma_start3A_1798, %multiple_of3A_1792] : memref<32x1000000xf32, #tpu.memory_space<hbm>> -> memref<32x128xf32, #tpu.memory_space<hbm>>
        %dma_start3A_1800 = arith.constant 0 : i32
        %dma_start3A_1801 = arith.constant 0 : i32
        %dma_start3A_1802 = tpu.memref_slice %arg9[%dma_start3A_1793, %dma_start3A_1800, %dma_start3A_1801] : memref<8x32x128xf32, #tpu.memory_space<vmem>> -> memref<1x32x128xf32, #tpu.memory_space<vmem>>
        %dma_start3A_1803 = tpu.memref_squeeze %dma_start3A_1802 : memref<1x32x128xf32, #tpu.memory_space<vmem>> -> memref<32x128xf32, #tpu.memory_space<vmem>>
        %dma_start3A_1804 = arith.constant 0 : i32
        %dma_start3A_1805 = tpu.memref_slice %arg2[%dma_start3A_1804, %multiple_of3A_1792] : memref<32x1000000xf32, #tpu.memory_space<hbm>> -> memref<32x128xf32, #tpu.memory_space<hbm>>
        tpu.enqueue_dma source(%dma_start3A_1805 : memref<32x128xf32, #tpu.memory_space<hbm>>) target(%dma_start3A_1803 : memref<32x128xf32, #tpu.memory_space<vmem>>) target_semaphore(%arg13 : memref<!tpu.dma_semaphore, #tpu.memory_space<semaphore_mem>>)
        %slice3A_1806 = vector.extract_strided_slice %and3A_1757 {offsets = [3], sizes = [1], strides = [1]} : vector<16xi32> to vector<1xi32>
        %squeeze3A_1807 = vector.extract %slice3A_1806[0] : i32 from vector<1xi32>
        %multiple_of3A_1808 = tpu.assume_multiple %squeeze3A_1807, 128 : i32
        %dma_start3A_1809 = arith.constant 3 : i32
        %dma_start3A_1810 = arith.constant 0 : i32
        %dma_start3A_1811 = arith.constant 0 : i32
        %dma_start3A_1812 = tpu.memref_slice %arg10[%dma_start3A_1809, %dma_start3A_1810, %dma_start3A_1811] : memref<8x32x128xf32, #tpu.memory_space<vmem>> -> memref<1x32x128xf32, #tpu.memory_space<vmem>>
        %dma_start3A_1813 = tpu.memref_squeeze %dma_start3A_1812 : memref<1x32x128xf32, #tpu.memory_space<vmem>> -> memref<32x128xf32, #tpu.memory_space<vmem>>
        %dma_start3A_1814 = arith.constant 0 : i32
        %dma_start3A_1815 = tpu.memref_slice %arg3[%dma_start3A_1814, %multiple_of3A_1808] : memref<32x1000000xf32, #tpu.memory_space<hbm>> -> memref<32x128xf32, #tpu.memory_space<hbm>>
        %dma_start3A_1816 = arith.constant 0 : i32
        %dma_start3A_1817 = arith.constant 0 : i32
        %dma_start3A_1818 = tpu.memref_slice %arg10[%dma_start3A_1809, %dma_start3A_1816, %dma_start3A_1817] : memref<8x32x128xf32, #tpu.memory_space<vmem>> -> memref<1x32x128xf32, #tpu.memory_space<vmem>>
        %dma_start3A_1819 = tpu.memref_squeeze %dma_start3A_1818 : memref<1x32x128xf32, #tpu.memory_space<vmem>> -> memref<32x128xf32, #tpu.memory_space<vmem>>
        %dma_start3A_1820 = arith.constant 0 : i32
        %dma_start3A_1821 = tpu.memref_slice %arg3[%dma_start3A_1820, %multiple_of3A_1808] : memref<32x1000000xf32, #tpu.memory_space<hbm>> -> memref<32x128xf32, #tpu.memory_space<hbm>>
        tpu.enqueue_dma source(%dma_start3A_1821 : memref<32x128xf32, #tpu.memory_space<hbm>>) target(%dma_start3A_1819 : memref<32x128xf32, #tpu.memory_space<vmem>>) target_semaphore(%arg17 : memref<!tpu.dma_semaphore, #tpu.memory_space<semaphore_mem>>)
      } else {
      }
      %dma_wait3A_1350 = arith.constant 0 : i32
      %dma_wait3A_1351 = arith.constant 0 : i32
      %dma_wait3A_1352 = arith.constant 0 : i32
      %dma_wait3A_1353 = tpu.memref_slice %arg9[%dma_wait3A_1350, %dma_wait3A_1351, %dma_wait3A_1352] : memref<8x32x128xf32, #tpu.memory_space<vmem>> -> memref<1x32x128xf32, #tpu.memory_space<vmem>>
      %dma_wait3A_1354 = tpu.memref_squeeze %dma_wait3A_1353 : memref<1x32x128xf32, #tpu.memory_space<vmem>> -> memref<32x128xf32, #tpu.memory_space<vmem>>
      %dma_wait3A_1355 = arith.constant 0 : i32
      %dma_wait3A_1356 = arith.constant 0 : i32
      %dma_wait3A_1357 = tpu.memref_slice %arg2[%dma_wait3A_1355, %dma_wait3A_1356] : memref<32x1000000xf32, #tpu.memory_space<hbm>> -> memref<32x128xf32, #tpu.memory_space<hbm>>
      %dma_wait3A_1358 = arith.constant 0 : i32
      %dma_wait3A_1359 = arith.constant 0 : i32
      %dma_wait3A_1360 = tpu.memref_slice %arg9[%dma_wait3A_1350, %dma_wait3A_1358, %dma_wait3A_1359] : memref<8x32x128xf32, #tpu.memory_space<vmem>> -> memref<1x32x128xf32, #tpu.memory_space<vmem>>
      %dma_wait3A_1361 = tpu.memref_squeeze %dma_wait3A_1360 : memref<1x32x128xf32, #tpu.memory_space<vmem>> -> memref<32x128xf32, #tpu.memory_space<vmem>>
      %dma_wait3A_1362 = arith.constant 0 : i32
      %dma_wait3A_1363 = arith.constant 0 : i32
      %dma_wait3A_1364 = tpu.memref_slice %arg2[%dma_wait3A_1362, %dma_wait3A_1363] : memref<32x1000000xf32, #tpu.memory_space<hbm>> -> memref<32x128xf32, #tpu.memory_space<hbm>>
      tpu.wait_dma2 semaphore(%arg14 : memref<!tpu.dma_semaphore, #tpu.memory_space<semaphore_mem>>) src(%dma_wait3A_1364 : memref<32x128xf32, #tpu.memory_space<hbm>>) dst(%dma_wait3A_1361 : memref<32x128xf32, #tpu.memory_space<vmem>>)
      %dma_wait3A_1365 = arith.constant 0 : i32
      %dma_wait3A_1366 = arith.constant 0 : i32
      %dma_wait3A_1367 = arith.constant 0 : i32
      %dma_wait3A_1368 = tpu.memref_slice %arg10[%dma_wait3A_1365, %dma_wait3A_1366, %dma_wait3A_1367] : memref<8x32x128xf32, #tpu.memory_space<vmem>> -> memref<1x32x128xf32, #tpu.memory_space<vmem>>
      %dma_wait3A_1369 = tpu.memref_squeeze %dma_wait3A_1368 : memref<1x32x128xf32, #tpu.memory_space<vmem>> -> memref<32x128xf32, #tpu.memory_space<vmem>>
      %dma_wait3A_1370 = arith.constant 0 : i32
      %dma_wait3A_1371 = arith.constant 0 : i32
      %dma_wait3A_1372 = tpu.memref_slice %arg3[%dma_wait3A_1370, %dma_wait3A_1371] : memref<32x1000000xf32, #tpu.memory_space<hbm>> -> memref<32x128xf32, #tpu.memory_space<hbm>>
      %dma_wait3A_1373 = arith.constant 0 : i32
      %dma_wait3A_1374 = arith.constant 0 : i32
      %dma_wait3A_1375 = tpu.memref_slice %arg10[%dma_wait3A_1365, %dma_wait3A_1373, %dma_wait3A_1374] : memref<8x32x128xf32, #tpu.memory_space<vmem>> -> memref<1x32x128xf32, #tpu.memory_space<vmem>>
      %dma_wait3A_1376 = tpu.memref_squeeze %dma_wait3A_1375 : memref<1x32x128xf32, #tpu.memory_space<vmem>> -> memref<32x128xf32, #tpu.memory_space<vmem>>
      %dma_wait3A_1377 = arith.constant 0 : i32
      %dma_wait3A_1378 = arith.constant 0 : i32
      %dma_wait3A_1379 = tpu.memref_slice %arg3[%dma_wait3A_1377, %dma_wait3A_1378] : memref<32x1000000xf32, #tpu.memory_space<hbm>> -> memref<32x128xf32, #tpu.memory_space<hbm>>
      tpu.wait_dma2 semaphore(%arg18 : memref<!tpu.dma_semaphore, #tpu.memory_space<semaphore_mem>>) src(%dma_wait3A_1379 : memref<32x128xf32, #tpu.memory_space<hbm>>) dst(%dma_wait3A_1376 : memref<32x128xf32, #tpu.memory_space<vmem>>)
      %dma_wait3A_1380 = arith.constant 0 : i32
      %dma_wait3A_1381 = arith.constant 0 : i32
      %dma_wait3A_1382 = arith.constant 0 : i32
      %dma_wait3A_1383 = tpu.memref_slice %arg9[%dma_wait3A_1380, %dma_wait3A_1381, %dma_wait3A_1382] : memref<8x32x128xf32, #tpu.memory_space<vmem>> -> memref<1x32x128xf32, #tpu.memory_space<vmem>>
      %dma_wait3A_1384 = tpu.memref_squeeze %dma_wait3A_1383 : memref<1x32x128xf32, #tpu.memory_space<vmem>> -> memref<32x128xf32, #tpu.memory_space<vmem>>
      %dma_wait3A_1385 = arith.constant 0 : i32
      %dma_wait3A_1386 = arith.constant 0 : i32
      %dma_wait3A_1387 = tpu.memref_slice %arg2[%dma_wait3A_1385, %dma_wait3A_1386] : memref<32x1000000xf32, #tpu.memory_space<hbm>> -> memref<32x128xf32, #tpu.memory_space<hbm>>
      %dma_wait3A_1388 = arith.constant 0 : i32
      %dma_wait3A_1389 = arith.constant 0 : i32
      %dma_wait3A_1390 = tpu.memref_slice %arg9[%dma_wait3A_1380, %dma_wait3A_1388, %dma_wait3A_1389] : memref<8x32x128xf32, #tpu.memory_space<vmem>> -> memref<1x32x128xf32, #tpu.memory_space<vmem>>
      %dma_wait3A_1391 = tpu.memref_squeeze %dma_wait3A_1390 : memref<1x32x128xf32, #tpu.memory_space<vmem>> -> memref<32x128xf32, #tpu.memory_space<vmem>>
      %dma_wait3A_1392 = arith.constant 0 : i32
      %dma_wait3A_1393 = arith.constant 0 : i32
      %dma_wait3A_1394 = tpu.memref_slice %arg2[%dma_wait3A_1392, %dma_wait3A_1393] : memref<32x1000000xf32, #tpu.memory_space<hbm>> -> memref<32x128xf32, #tpu.memory_space<hbm>>
      tpu.wait_dma2 semaphore(%arg14 : memref<!tpu.dma_semaphore, #tpu.memory_space<semaphore_mem>>) src(%dma_wait3A_1394 : memref<32x128xf32, #tpu.memory_space<hbm>>) dst(%dma_wait3A_1391 : memref<32x128xf32, #tpu.memory_space<vmem>>)
      %dma_wait3A_1395 = arith.constant 0 : i32
      %dma_wait3A_1396 = arith.constant 0 : i32
      %dma_wait3A_1397 = arith.constant 0 : i32
      %dma_wait3A_1398 = tpu.memref_slice %arg10[%dma_wait3A_1395, %dma_wait3A_1396, %dma_wait3A_1397] : memref<8x32x128xf32, #tpu.memory_space<vmem>> -> memref<1x32x128xf32, #tpu.memory_space<vmem>>
      %dma_wait3A_1399 = tpu.memref_squeeze %dma_wait3A_1398 : memref<1x32x128xf32, #tpu.memory_space<vmem>> -> memref<32x128xf32, #tpu.memory_space<vmem>>
      %dma_wait3A_1400 = arith.constant 0 : i32
      %dma_wait3A_1401 = arith.constant 0 : i32
      %dma_wait3A_1402 = tpu.memref_slice %arg3[%dma_wait3A_1400, %dma_wait3A_1401] : memref<32x1000000xf32, #tpu.memory_space<hbm>> -> memref<32x128xf32, #tpu.memory_space<hbm>>
      %dma_wait3A_1403 = arith.constant 0 : i32
      %dma_wait3A_1404 = arith.constant 0 : i32
      %dma_wait3A_1405 = tpu.memref_slice %arg10[%dma_wait3A_1395, %dma_wait3A_1403, %dma_wait3A_1404] : memref<8x32x128xf32, #tpu.memory_space<vmem>> -> memref<1x32x128xf32, #tpu.memory_space<vmem>>
      %dma_wait3A_1406 = tpu.memref_squeeze %dma_wait3A_1405 : memref<1x32x128xf32, #tpu.memory_space<vmem>> -> memref<32x128xf32, #tpu.memory_space<vmem>>
      %dma_wait3A_1407 = arith.constant 0 : i32
      %dma_wait3A_1408 = arith.constant 0 : i32
      %dma_wait3A_1409 = tpu.memref_slice %arg3[%dma_wait3A_1407, %dma_wait3A_1408] : memref<32x1000000xf32, #tpu.memory_space<hbm>> -> memref<32x128xf32, #tpu.memory_space<hbm>>
      tpu.wait_dma2 semaphore(%arg18 : memref<!tpu.dma_semaphore, #tpu.memory_space<semaphore_mem>>) src(%dma_wait3A_1409 : memref<32x128xf32, #tpu.memory_space<hbm>>) dst(%dma_wait3A_1406 : memref<32x128xf32, #tpu.memory_space<vmem>>)
      %slice3A_1410 = vector.extract_strided_slice %and3A_248 {offsets = [12], sizes = [1], strides = [1]} : vector<16xi32> to vector<1xi32>
      %squeeze3A_1411 = vector.extract %slice3A_1410[0] : i32 from vector<1xi32>
      %broadcast_in_dim3A_1412 = vector.broadcast %squeeze3A_1411 : i32 to vector<16xi32>
      %slice3A_1413 = vector.extract_strided_slice %and3A_253 {offsets = [12], sizes = [1], strides = [1]} : vector<16xi32> to vector<1xi32>
      %squeeze3A_1414 = vector.extract %slice3A_1413[0] : i32 from vector<1xi32>
      %broadcast_in_dim3A_1415 = vector.broadcast %squeeze3A_1414 : i32 to vector<16xi32>
      %gather3A_1416 = arith.constant 4 : i32
      %gather3A_1417 = arith.constant 0 : i32
      %gather3A_1418 = arith.constant 0 : i32
      %gather3A_1419 = tpu.memref_slice %arg9[%gather3A_1416, %gather3A_1417, %gather3A_1418] : memref<8x32x128xf32, #tpu.memory_space<vmem>> -> memref<1x32x128xf32, #tpu.memory_space<vmem>>
      %gather3A_1420 = tpu.memref_squeeze %gather3A_1419 : memref<1x32x128xf32, #tpu.memory_space<vmem>> -> memref<32x128xf32, #tpu.memory_space<vmem>>
      %gather3A_1421 = tpu.vector_load_idx %gather3A_1420[%iota3A, %broadcast_in_dim3A_1412] : memref<32x128xf32, #tpu.memory_space<vmem>>[vector<16xi32>, vector<16xi32>], vector<16xf32>,
      %gather3A_1422 = arith.constant 4 : i32
      %gather3A_1423 = arith.constant 0 : i32
      %gather3A_1424 = arith.constant 0 : i32
      %gather3A_1425 = tpu.memref_slice %arg9[%gather3A_1422, %gather3A_1423, %gather3A_1424] : memref<8x32x128xf32, #tpu.memory_space<vmem>> -> memref<1x32x128xf32, #tpu.memory_space<vmem>>
      %gather3A_1426 = tpu.memref_squeeze %gather3A_1425 : memref<1x32x128xf32, #tpu.memory_space<vmem>> -> memref<32x128xf32, #tpu.memory_space<vmem>>
      %gather3A_1427 = tpu.vector_load_idx %gather3A_1426[%add3A_5, %broadcast_in_dim3A_1412] : memref<32x128xf32, #tpu.memory_space<vmem>>[vector<16xi32>, vector<16xi32>], vector<16xf32>,
      %gather3A_1428 = arith.constant 4 : i32
      %gather3A_1429 = arith.constant 0 : i32
      %gather3A_1430 = arith.constant 0 : i32
      %gather3A_1431 = tpu.memref_slice %arg10[%gather3A_1428, %gather3A_1429, %gather3A_1430] : memref<8x32x128xf32, #tpu.memory_space<vmem>> -> memref<1x32x128xf32, #tpu.memory_space<vmem>>
      %gather3A_1432 = tpu.memref_squeeze %gather3A_1431 : memref<1x32x128xf32, #tpu.memory_space<vmem>> -> memref<32x128xf32, #tpu.memory_space<vmem>>
      %gather3A_1433 = tpu.vector_load_idx %gather3A_1432[%iota3A, %broadcast_in_dim3A_1415] : memref<32x128xf32, #tpu.memory_space<vmem>>[vector<16xi32>, vector<16xi32>], vector<16xf32>,
      %gather3A_1434 = arith.constant 4 : i32
      %gather3A_1435 = arith.constant 0 : i32
      %gather3A_1436 = arith.constant 0 : i32
      %gather3A_1437 = tpu.memref_slice %arg10[%gather3A_1434, %gather3A_1435, %gather3A_1436] : memref<8x32x128xf32, #tpu.memory_space<vmem>> -> memref<1x32x128xf32, #tpu.memory_space<vmem>>
      %gather3A_1438 = tpu.memref_squeeze %gather3A_1437 : memref<1x32x128xf32, #tpu.memory_space<vmem>> -> memref<32x128xf32, #tpu.memory_space<vmem>>
      %gather3A_1439 = tpu.vector_load_idx %gather3A_1438[%add3A_5, %broadcast_in_dim3A_1415] : memref<32x128xf32, #tpu.memory_space<vmem>>[vector<16xi32>, vector<16xi32>], vector<16xf32>,
      %mul3A_1440 = arith.mulf %gather3A_1421, %gather3A_1433 : vector<16xf32>
      %mul3A_1441 = arith.mulf %gather3A_1427, %gather3A_1439 : vector<16xf32>
      %add3A_1442 = arith.addf %mul3A_1440, %mul3A_1441 : vector<16xf32>
      %slice3A_1443 = vector.extract_strided_slice %and3A_248 {offsets = [13], sizes = [1], strides = [1]} : vector<16xi32> to vector<1xi32>
      %squeeze3A_1444 = vector.extract %slice3A_1443[0] : i32 from vector<1xi32>
      %broadcast_in_dim3A_1445 = vector.broadcast %squeeze3A_1444 : i32 to vector<16xi32>
      %slice3A_1446 = vector.extract_strided_slice %and3A_253 {offsets = [13], sizes = [1], strides = [1]} : vector<16xi32> to vector<1xi32>
      %squeeze3A_1447 = vector.extract %slice3A_1446[0] : i32 from vector<1xi32>
      %broadcast_in_dim3A_1448 = vector.broadcast %squeeze3A_1447 : i32 to vector<16xi32>
      %gather3A_1449 = arith.constant 5 : i32
      %gather3A_1450 = arith.constant 0 : i32
      %gather3A_1451 = arith.constant 0 : i32
      %gather3A_1452 = tpu.memref_slice %arg9[%gather3A_1449, %gather3A_1450, %gather3A_1451] : memref<8x32x128xf32, #tpu.memory_space<vmem>> -> memref<1x32x128xf32, #tpu.memory_space<vmem>>
      %gather3A_1453 = tpu.memref_squeeze %gather3A_1452 : memref<1x32x128xf32, #tpu.memory_space<vmem>> -> memref<32x128xf32, #tpu.memory_space<vmem>>
      %gather3A_1454 = tpu.vector_load_idx %gather3A_1453[%iota3A, %broadcast_in_dim3A_1445] : memref<32x128xf32, #tpu.memory_space<vmem>>[vector<16xi32>, vector<16xi32>], vector<16xf32>,
      %gather3A_1455 = arith.constant 5 : i32
      %gather3A_1456 = arith.constant 0 : i32
      %gather3A_1457 = arith.constant 0 : i32
      %gather3A_1458 = tpu.memref_slice %arg9[%gather3A_1455, %gather3A_1456, %gather3A_1457] : memref<8x32x128xf32, #tpu.memory_space<vmem>> -> memref<1x32x128xf32, #tpu.memory_space<vmem>>
      %gather3A_1459 = tpu.memref_squeeze %gather3A_1458 : memref<1x32x128xf32, #tpu.memory_space<vmem>> -> memref<32x128xf32, #tpu.memory_space<vmem>>
      %gather3A_1460 = tpu.vector_load_idx %gather3A_1459[%add3A_5, %broadcast_in_dim3A_1445] : memref<32x128xf32, #tpu.memory_space<vmem>>[vector<16xi32>, vector<16xi32>], vector<16xf32>,
      %gather3A_1461 = arith.constant 5 : i32
      %gather3A_1462 = arith.constant 0 : i32
      %gather3A_1463 = arith.constant 0 : i32
      %gather3A_1464 = tpu.memref_slice %arg10[%gather3A_1461, %gather3A_1462, %gather3A_1463] : memref<8x32x128xf32, #tpu.memory_space<vmem>> -> memref<1x32x128xf32, #tpu.memory_space<vmem>>
      %gather3A_1465 = tpu.memref_squeeze %gather3A_1464 : memref<1x32x128xf32, #tpu.memory_space<vmem>> -> memref<32x128xf32, #tpu.memory_space<vmem>>
      %gather3A_1466 = tpu.vector_load_idx %gather3A_1465[%iota3A, %broadcast_in_dim3A_1448] : memref<32x128xf32, #tpu.memory_space<vmem>>[vector<16xi32>, vector<16xi32>], vector<16xf32>,
      %gather3A_1467 = arith.constant 5 : i32
      %gather3A_1468 = arith.constant 0 : i32
      %gather3A_1469 = arith.constant 0 : i32
      %gather3A_1470 = tpu.memref_slice %arg10[%gather3A_1467, %gather3A_1468, %gather3A_1469] : memref<8x32x128xf32, #tpu.memory_space<vmem>> -> memref<1x32x128xf32, #tpu.memory_space<vmem>>
      %gather3A_1471 = tpu.memref_squeeze %gather3A_1470 : memref<1x32x128xf32, #tpu.memory_space<vmem>> -> memref<32x128xf32, #tpu.memory_space<vmem>>
      %gather3A_1472 = tpu.vector_load_idx %gather3A_1471[%add3A_5, %broadcast_in_dim3A_1448] : memref<32x128xf32, #tpu.memory_space<vmem>>[vector<16xi32>, vector<16xi32>], vector<16xf32>,
      %mul3A_1473 = arith.mulf %gather3A_1454, %gather3A_1466 : vector<16xf32>
      %mul3A_1474 = arith.mulf %gather3A_1460, %gather3A_1472 : vector<16xf32>
      %add3A_1475 = arith.addf %mul3A_1473, %mul3A_1474 : vector<16xf32>
      %add3A_1476 = arith.constant 1 : i32
      %add3A_1477 = arith.addi %scan3A_241, %add3A_1476 : i32
      %lt3A_1478 = arith.constant 32 : i32
      %lt3A_1479 = arith.cmpi slt, %add3A_1477, %lt3A_1478 : i32
      %convert_element_type3A_1480 = arith.extui %lt3A_1479 : i1 to i32
      %cond3A_1481 = arith.constant 0 : i32
      %cond3A_1482 = arith.cmpi ne, %convert_element_type3A_1480, %cond3A_1481 : i32
      scf.if %cond3A_1482 {
        %add3A_1744 = arith.constant 1 : i32
        %add3A_1745 = arith.addi %scan3A_241, %add3A_1744 : i32
        %mul3A_1746 = arith.constant 16 : i32
        %mul3A_1747 = arith.muli %add3A_1745, %mul3A_1746 : i32
        %get3A_1748 = arith.index_cast %mul3A_1747 : i32 to index
        %get3A_1749 = tpu.vector_load %arg7[%get3A_1748] {strides = array<i32>} : memref<512xi32, #tpu.memory_space<vmem>>, vector<16xi32>,
        %and3A_1750 = arith.constant -128 : i32
        %and3A_1751 = vector.broadcast %and3A_1750 : i32 to vector<16xi32>
        %and3A_1752 = arith.andi %get3A_1749, %and3A_1751 : vector<16xi32>
        %get3A_1753 = arith.index_cast %mul3A_1747 : i32 to index
        %get3A_1754 = tpu.vector_load %arg8[%get3A_1753] {strides = array<i32>} : memref<512xi32, #tpu.memory_space<vmem>>, vector<16xi32>,
        %and3A_1755 = arith.constant -128 : i32
        %and3A_1756 = vector.broadcast %and3A_1755 : i32 to vector<16xi32>
        %and3A_1757 = arith.andi %get3A_1754, %and3A_1756 : vector<16xi32>
        %slice3A_1758 = vector.extract_strided_slice %and3A_1752 {offsets = [4], sizes = [1], strides = [1]} : vector<16xi32> to vector<1xi32>
        %squeeze3A_1759 = vector.extract %slice3A_1758[0] : i32 from vector<1xi32>
        %multiple_of3A_1760 = tpu.assume_multiple %squeeze3A_1759, 128 : i32
        %dma_start3A_1761 = arith.constant 4 : i32
        %dma_start3A_1762 = arith.constant 0 : i32
        %dma_start3A_1763 = arith.constant 0 : i32
        %dma_start3A_1764 = tpu.memref_slice %arg9[%dma_start3A_1761, %dma_start3A_1762, %dma_start3A_1763] : memref<8x32x128xf32, #tpu.memory_space<vmem>> -> memref<1x32x128xf32, #tpu.memory_space<vmem>>
        %dma_start3A_1765 = tpu.memref_squeeze %dma_start3A_1764 : memref<1x32x128xf32, #tpu.memory_space<vmem>> -> memref<32x128xf32, #tpu.memory_space<vmem>>
        %dma_start3A_1766 = arith.constant 0 : i32
        %dma_start3A_1767 = tpu.memref_slice %arg2[%dma_start3A_1766, %multiple_of3A_1760] : memref<32x1000000xf32, #tpu.memory_space<hbm>> -> memref<32x128xf32, #tpu.memory_space<hbm>>
        %dma_start3A_1768 = arith.constant 0 : i32
        %dma_start3A_1769 = arith.constant 0 : i32
        %dma_start3A_1770 = tpu.memref_slice %arg9[%dma_start3A_1761, %dma_start3A_1768, %dma_start3A_1769] : memref<8x32x128xf32, #tpu.memory_space<vmem>> -> memref<1x32x128xf32, #tpu.memory_space<vmem>>
        %dma_start3A_1771 = tpu.memref_squeeze %dma_start3A_1770 : memref<1x32x128xf32, #tpu.memory_space<vmem>> -> memref<32x128xf32, #tpu.memory_space<vmem>>
        %dma_start3A_1772 = arith.constant 0 : i32
        %dma_start3A_1773 = tpu.memref_slice %arg2[%dma_start3A_1772, %multiple_of3A_1760] : memref<32x1000000xf32, #tpu.memory_space<hbm>> -> memref<32x128xf32, #tpu.memory_space<hbm>>
        tpu.enqueue_dma source(%dma_start3A_1773 : memref<32x128xf32, #tpu.memory_space<hbm>>) target(%dma_start3A_1771 : memref<32x128xf32, #tpu.memory_space<vmem>>) target_semaphore(%arg14 : memref<!tpu.dma_semaphore, #tpu.memory_space<semaphore_mem>>)
        %slice3A_1774 = vector.extract_strided_slice %and3A_1757 {offsets = [4], sizes = [1], strides = [1]} : vector<16xi32> to vector<1xi32>
        %squeeze3A_1775 = vector.extract %slice3A_1774[0] : i32 from vector<1xi32>
        %multiple_of3A_1776 = tpu.assume_multiple %squeeze3A_1775, 128 : i32
        %dma_start3A_1777 = arith.constant 4 : i32
        %dma_start3A_1778 = arith.constant 0 : i32
        %dma_start3A_1779 = arith.constant 0 : i32
        %dma_start3A_1780 = tpu.memref_slice %arg10[%dma_start3A_1777, %dma_start3A_1778, %dma_start3A_1779] : memref<8x32x128xf32, #tpu.memory_space<vmem>> -> memref<1x32x128xf32, #tpu.memory_space<vmem>>
        %dma_start3A_1781 = tpu.memref_squeeze %dma_start3A_1780 : memref<1x32x128xf32, #tpu.memory_space<vmem>> -> memref<32x128xf32, #tpu.memory_space<vmem>>
        %dma_start3A_1782 = arith.constant 0 : i32
        %dma_start3A_1783 = tpu.memref_slice %arg3[%dma_start3A_1782, %multiple_of3A_1776] : memref<32x1000000xf32, #tpu.memory_space<hbm>> -> memref<32x128xf32, #tpu.memory_space<hbm>>
        %dma_start3A_1784 = arith.constant 0 : i32
        %dma_start3A_1785 = arith.constant 0 : i32
        %dma_start3A_1786 = tpu.memref_slice %arg10[%dma_start3A_1777, %dma_start3A_1784, %dma_start3A_1785] : memref<8x32x128xf32, #tpu.memory_space<vmem>> -> memref<1x32x128xf32, #tpu.memory_space<vmem>>
        %dma_start3A_1787 = tpu.memref_squeeze %dma_start3A_1786 : memref<1x32x128xf32, #tpu.memory_space<vmem>> -> memref<32x128xf32, #tpu.memory_space<vmem>>
        %dma_start3A_1788 = arith.constant 0 : i32
        %dma_start3A_1789 = tpu.memref_slice %arg3[%dma_start3A_1788, %multiple_of3A_1776] : memref<32x1000000xf32, #tpu.memory_space<hbm>> -> memref<32x128xf32, #tpu.memory_space<hbm>>
        tpu.enqueue_dma source(%dma_start3A_1789 : memref<32x128xf32, #tpu.memory_space<hbm>>) target(%dma_start3A_1787 : memref<32x128xf32, #tpu.memory_space<vmem>>) target_semaphore(%arg18 : memref<!tpu.dma_semaphore, #tpu.memory_space<semaphore_mem>>)
        %slice3A_1790 = vector.extract_strided_slice %and3A_1752 {offsets = [5], sizes = [1], strides = [1]} : vector<16xi32> to vector<1xi32>
        %squeeze3A_1791 = vector.extract %slice3A_1790[0] : i32 from vector<1xi32>
        %multiple_of3A_1792 = tpu.assume_multiple %squeeze3A_1791, 128 : i32
        %dma_start3A_1793 = arith.constant 5 : i32
        %dma_start3A_1794 = arith.constant 0 : i32
        %dma_start3A_1795 = arith.constant 0 : i32
        %dma_start3A_1796 = tpu.memref_slice %arg9[%dma_start3A_1793, %dma_start3A_1794, %dma_start3A_1795] : memref<8x32x128xf32, #tpu.memory_space<vmem>> -> memref<1x32x128xf32, #tpu.memory_space<vmem>>
        %dma_start3A_1797 = tpu.memref_squeeze %dma_start3A_1796 : memref<1x32x128xf32, #tpu.memory_space<vmem>> -> memref<32x128xf32, #tpu.memory_space<vmem>>
        %dma_start3A_1798 = arith.constant 0 : i32
        %dma_start3A_1799 = tpu.memref_slice %arg2[%dma_start3A_1798, %multiple_of3A_1792] : memref<32x1000000xf32, #tpu.memory_space<hbm>> -> memref<32x128xf32, #tpu.memory_space<hbm>>
        %dma_start3A_1800 = arith.constant 0 : i32
        %dma_start3A_1801 = arith.constant 0 : i32
        %dma_start3A_1802 = tpu.memref_slice %arg9[%dma_start3A_1793, %dma_start3A_1800, %dma_start3A_1801] : memref<8x32x128xf32, #tpu.memory_space<vmem>> -> memref<1x32x128xf32, #tpu.memory_space<vmem>>
        %dma_start3A_1803 = tpu.memref_squeeze %dma_start3A_1802 : memref<1x32x128xf32, #tpu.memory_space<vmem>> -> memref<32x128xf32, #tpu.memory_space<vmem>>
        %dma_start3A_1804 = arith.constant 0 : i32
        %dma_start3A_1805 = tpu.memref_slice %arg2[%dma_start3A_1804, %multiple_of3A_1792] : memref<32x1000000xf32, #tpu.memory_space<hbm>> -> memref<32x128xf32, #tpu.memory_space<hbm>>
        tpu.enqueue_dma source(%dma_start3A_1805 : memref<32x128xf32, #tpu.memory_space<hbm>>) target(%dma_start3A_1803 : memref<32x128xf32, #tpu.memory_space<vmem>>) target_semaphore(%arg14 : memref<!tpu.dma_semaphore, #tpu.memory_space<semaphore_mem>>)
        %slice3A_1806 = vector.extract_strided_slice %and3A_1757 {offsets = [5], sizes = [1], strides = [1]} : vector<16xi32> to vector<1xi32>
        %squeeze3A_1807 = vector.extract %slice3A_1806[0] : i32 from vector<1xi32>
        %multiple_of3A_1808 = tpu.assume_multiple %squeeze3A_1807, 128 : i32
        %dma_start3A_1809 = arith.constant 5 : i32
        %dma_start3A_1810 = arith.constant 0 : i32
        %dma_start3A_1811 = arith.constant 0 : i32
        %dma_start3A_1812 = tpu.memref_slice %arg10[%dma_start3A_1809, %dma_start3A_1810, %dma_start3A_1811] : memref<8x32x128xf32, #tpu.memory_space<vmem>> -> memref<1x32x128xf32, #tpu.memory_space<vmem>>
        %dma_start3A_1813 = tpu.memref_squeeze %dma_start3A_1812 : memref<1x32x128xf32, #tpu.memory_space<vmem>> -> memref<32x128xf32, #tpu.memory_space<vmem>>
        %dma_start3A_1814 = arith.constant 0 : i32
        %dma_start3A_1815 = tpu.memref_slice %arg3[%dma_start3A_1814, %multiple_of3A_1808] : memref<32x1000000xf32, #tpu.memory_space<hbm>> -> memref<32x128xf32, #tpu.memory_space<hbm>>
        %dma_start3A_1816 = arith.constant 0 : i32
        %dma_start3A_1817 = arith.constant 0 : i32
        %dma_start3A_1818 = tpu.memref_slice %arg10[%dma_start3A_1809, %dma_start3A_1816, %dma_start3A_1817] : memref<8x32x128xf32, #tpu.memory_space<vmem>> -> memref<1x32x128xf32, #tpu.memory_space<vmem>>
        %dma_start3A_1819 = tpu.memref_squeeze %dma_start3A_1818 : memref<1x32x128xf32, #tpu.memory_space<vmem>> -> memref<32x128xf32, #tpu.memory_space<vmem>>
        %dma_start3A_1820 = arith.constant 0 : i32
        %dma_start3A_1821 = tpu.memref_slice %arg3[%dma_start3A_1820, %multiple_of3A_1808] : memref<32x1000000xf32, #tpu.memory_space<hbm>> -> memref<32x128xf32, #tpu.memory_space<hbm>>
        tpu.enqueue_dma source(%dma_start3A_1821 : memref<32x128xf32, #tpu.memory_space<hbm>>) target(%dma_start3A_1819 : memref<32x128xf32, #tpu.memory_space<vmem>>) target_semaphore(%arg18 : memref<!tpu.dma_semaphore, #tpu.memory_space<semaphore_mem>>)
      } else {
      }
      %dma_wait3A_1483 = arith.constant 0 : i32
      %dma_wait3A_1484 = arith.constant 0 : i32
      %dma_wait3A_1485 = arith.constant 0 : i32
      %dma_wait3A_1486 = tpu.memref_slice %arg9[%dma_wait3A_1483, %dma_wait3A_1484, %dma_wait3A_1485] : memref<8x32x128xf32, #tpu.memory_space<vmem>> -> memref<1x32x128xf32, #tpu.memory_space<vmem>>
      %dma_wait3A_1487 = tpu.memref_squeeze %dma_wait3A_1486 : memref<1x32x128xf32, #tpu.memory_space<vmem>> -> memref<32x128xf32, #tpu.memory_space<vmem>>
      %dma_wait3A_1488 = arith.constant 0 : i32
      %dma_wait3A_1489 = arith.constant 0 : i32
      %dma_wait3A_1490 = tpu.memref_slice %arg2[%dma_wait3A_1488, %dma_wait3A_1489] : memref<32x1000000xf32, #tpu.memory_space<hbm>> -> memref<32x128xf32, #tpu.memory_space<hbm>>
      %dma_wait3A_1491 = arith.constant 0 : i32
      %dma_wait3A_1492 = arith.constant 0 : i32
      %dma_wait3A_1493 = tpu.memref_slice %arg9[%dma_wait3A_1483, %dma_wait3A_1491, %dma_wait3A_1492] : memref<8x32x128xf32, #tpu.memory_space<vmem>> -> memref<1x32x128xf32, #tpu.memory_space<vmem>>
      %dma_wait3A_1494 = tpu.memref_squeeze %dma_wait3A_1493 : memref<1x32x128xf32, #tpu.memory_space<vmem>> -> memref<32x128xf32, #tpu.memory_space<vmem>>
      %dma_wait3A_1495 = arith.constant 0 : i32
      %dma_wait3A_1496 = arith.constant 0 : i32
      %dma_wait3A_1497 = tpu.memref_slice %arg2[%dma_wait3A_1495, %dma_wait3A_1496] : memref<32x1000000xf32, #tpu.memory_space<hbm>> -> memref<32x128xf32, #tpu.memory_space<hbm>>
      tpu.wait_dma2 semaphore(%arg15 : memref<!tpu.dma_semaphore, #tpu.memory_space<semaphore_mem>>) src(%dma_wait3A_1497 : memref<32x128xf32, #tpu.memory_space<hbm>>) dst(%dma_wait3A_1494 : memref<32x128xf32, #tpu.memory_space<vmem>>)
      %dma_wait3A_1498 = arith.constant 0 : i32
      %dma_wait3A_1499 = arith.constant 0 : i32
      %dma_wait3A_1500 = arith.constant 0 : i32
      %dma_wait3A_1501 = tpu.memref_slice %arg10[%dma_wait3A_1498, %dma_wait3A_1499, %dma_wait3A_1500] : memref<8x32x128xf32, #tpu.memory_space<vmem>> -> memref<1x32x128xf32, #tpu.memory_space<vmem>>
      %dma_wait3A_1502 = tpu.memref_squeeze %dma_wait3A_1501 : memref<1x32x128xf32, #tpu.memory_space<vmem>> -> memref<32x128xf32, #tpu.memory_space<vmem>>
      %dma_wait3A_1503 = arith.constant 0 : i32
      %dma_wait3A_1504 = arith.constant 0 : i32
      %dma_wait3A_1505 = tpu.memref_slice %arg3[%dma_wait3A_1503, %dma_wait3A_1504] : memref<32x1000000xf32, #tpu.memory_space<hbm>> -> memref<32x128xf32, #tpu.memory_space<hbm>>
      %dma_wait3A_1506 = arith.constant 0 : i32
      %dma_wait3A_1507 = arith.constant 0 : i32
      %dma_wait3A_1508 = tpu.memref_slice %arg10[%dma_wait3A_1498, %dma_wait3A_1506, %dma_wait3A_1507] : memref<8x32x128xf32, #tpu.memory_space<vmem>> -> memref<1x32x128xf32, #tpu.memory_space<vmem>>
      %dma_wait3A_1509 = tpu.memref_squeeze %dma_wait3A_1508 : memref<1x32x128xf32, #tpu.memory_space<vmem>> -> memref<32x128xf32, #tpu.memory_space<vmem>>
      %dma_wait3A_1510 = arith.constant 0 : i32
      %dma_wait3A_1511 = arith.constant 0 : i32
      %dma_wait3A_1512 = tpu.memref_slice %arg3[%dma_wait3A_1510, %dma_wait3A_1511] : memref<32x1000000xf32, #tpu.memory_space<hbm>> -> memref<32x128xf32, #tpu.memory_space<hbm>>
      tpu.wait_dma2 semaphore(%arg19 : memref<!tpu.dma_semaphore, #tpu.memory_space<semaphore_mem>>) src(%dma_wait3A_1512 : memref<32x128xf32, #tpu.memory_space<hbm>>) dst(%dma_wait3A_1509 : memref<32x128xf32, #tpu.memory_space<vmem>>)
      %dma_wait3A_1513 = arith.constant 0 : i32
      %dma_wait3A_1514 = arith.constant 0 : i32
      %dma_wait3A_1515 = arith.constant 0 : i32
      %dma_wait3A_1516 = tpu.memref_slice %arg9[%dma_wait3A_1513, %dma_wait3A_1514, %dma_wait3A_1515] : memref<8x32x128xf32, #tpu.memory_space<vmem>> -> memref<1x32x128xf32, #tpu.memory_space<vmem>>
      %dma_wait3A_1517 = tpu.memref_squeeze %dma_wait3A_1516 : memref<1x32x128xf32, #tpu.memory_space<vmem>> -> memref<32x128xf32, #tpu.memory_space<vmem>>
      %dma_wait3A_1518 = arith.constant 0 : i32
      %dma_wait3A_1519 = arith.constant 0 : i32
      %dma_wait3A_1520 = tpu.memref_slice %arg2[%dma_wait3A_1518, %dma_wait3A_1519] : memref<32x1000000xf32, #tpu.memory_space<hbm>> -> memref<32x128xf32, #tpu.memory_space<hbm>>
      %dma_wait3A_1521 = arith.constant 0 : i32
      %dma_wait3A_1522 = arith.constant 0 : i32
      %dma_wait3A_1523 = tpu.memref_slice %arg9[%dma_wait3A_1513, %dma_wait3A_1521, %dma_wait3A_1522] : memref<8x32x128xf32, #tpu.memory_space<vmem>> -> memref<1x32x128xf32, #tpu.memory_space<vmem>>
      %dma_wait3A_1524 = tpu.memref_squeeze %dma_wait3A_1523 : memref<1x32x128xf32, #tpu.memory_space<vmem>> -> memref<32x128xf32, #tpu.memory_space<vmem>>
      %dma_wait3A_1525 = arith.constant 0 : i32
      %dma_wait3A_1526 = arith.constant 0 : i32
      %dma_wait3A_1527 = tpu.memref_slice %arg2[%dma_wait3A_1525, %dma_wait3A_1526] : memref<32x1000000xf32, #tpu.memory_space<hbm>> -> memref<32x128xf32, #tpu.memory_space<hbm>>
      tpu.wait_dma2 semaphore(%arg15 : memref<!tpu.dma_semaphore, #tpu.memory_space<semaphore_mem>>) src(%dma_wait3A_1527 : memref<32x128xf32, #tpu.memory_space<hbm>>) dst(%dma_wait3A_1524 : memref<32x128xf32, #tpu.memory_space<vmem>>)
      %dma_wait3A_1528 = arith.constant 0 : i32
      %dma_wait3A_1529 = arith.constant 0 : i32
      %dma_wait3A_1530 = arith.constant 0 : i32
      %dma_wait3A_1531 = tpu.memref_slice %arg10[%dma_wait3A_1528, %dma_wait3A_1529, %dma_wait3A_1530] : memref<8x32x128xf32, #tpu.memory_space<vmem>> -> memref<1x32x128xf32, #tpu.memory_space<vmem>>
      %dma_wait3A_1532 = tpu.memref_squeeze %dma_wait3A_1531 : memref<1x32x128xf32, #tpu.memory_space<vmem>> -> memref<32x128xf32, #tpu.memory_space<vmem>>
      %dma_wait3A_1533 = arith.constant 0 : i32
      %dma_wait3A_1534 = arith.constant 0 : i32
      %dma_wait3A_1535 = tpu.memref_slice %arg3[%dma_wait3A_1533, %dma_wait3A_1534] : memref<32x1000000xf32, #tpu.memory_space<hbm>> -> memref<32x128xf32, #tpu.memory_space<hbm>>
      %dma_wait3A_1536 = arith.constant 0 : i32
      %dma_wait3A_1537 = arith.constant 0 : i32
      %dma_wait3A_1538 = tpu.memref_slice %arg10[%dma_wait3A_1528, %dma_wait3A_1536, %dma_wait3A_1537] : memref<8x32x128xf32, #tpu.memory_space<vmem>> -> memref<1x32x128xf32, #tpu.memory_space<vmem>>
      %dma_wait3A_1539 = tpu.memref_squeeze %dma_wait3A_1538 : memref<1x32x128xf32, #tpu.memory_space<vmem>> -> memref<32x128xf32, #tpu.memory_space<vmem>>
      %dma_wait3A_1540 = arith.constant 0 : i32
      %dma_wait3A_1541 = arith.constant 0 : i32
      %dma_wait3A_1542 = tpu.memref_slice %arg3[%dma_wait3A_1540, %dma_wait3A_1541] : memref<32x1000000xf32, #tpu.memory_space<hbm>> -> memref<32x128xf32, #tpu.memory_space<hbm>>
      tpu.wait_dma2 semaphore(%arg19 : memref<!tpu.dma_semaphore, #tpu.memory_space<semaphore_mem>>) src(%dma_wait3A_1542 : memref<32x128xf32, #tpu.memory_space<hbm>>) dst(%dma_wait3A_1539 : memref<32x128xf32, #tpu.memory_space<vmem>>)
      %slice3A_1543 = vector.extract_strided_slice %and3A_248 {offsets = [14], sizes = [1], strides = [1]} : vector<16xi32> to vector<1xi32>
      %squeeze3A_1544 = vector.extract %slice3A_1543[0] : i32 from vector<1xi32>
      %broadcast_in_dim3A_1545 = vector.broadcast %squeeze3A_1544 : i32 to vector<16xi32>
      %slice3A_1546 = vector.extract_strided_slice %and3A_253 {offsets = [14], sizes = [1], strides = [1]} : vector<16xi32> to vector<1xi32>
      %squeeze3A_1547 = vector.extract %slice3A_1546[0] : i32 from vector<1xi32>
      %broadcast_in_dim3A_1548 = vector.broadcast %squeeze3A_1547 : i32 to vector<16xi32>
      %gather3A_1549 = arith.constant 6 : i32
      %gather3A_1550 = arith.constant 0 : i32
      %gather3A_1551 = arith.constant 0 : i32
      %gather3A_1552 = tpu.memref_slice %arg9[%gather3A_1549, %gather3A_1550, %gather3A_1551] : memref<8x32x128xf32, #tpu.memory_space<vmem>> -> memref<1x32x128xf32, #tpu.memory_space<vmem>>
      %gather3A_1553 = tpu.memref_squeeze %gather3A_1552 : memref<1x32x128xf32, #tpu.memory_space<vmem>> -> memref<32x128xf32, #tpu.memory_space<vmem>>
      %gather3A_1554 = tpu.vector_load_idx %gather3A_1553[%iota3A, %broadcast_in_dim3A_1545] : memref<32x128xf32, #tpu.memory_space<vmem>>[vector<16xi32>, vector<16xi32>], vector<16xf32>,
      %gather3A_1555 = arith.constant 6 : i32
      %gather3A_1556 = arith.constant 0 : i32
      %gather3A_1557 = arith.constant 0 : i32
      %gather3A_1558 = tpu.memref_slice %arg9[%gather3A_1555, %gather3A_1556, %gather3A_1557] : memref<8x32x128xf32, #tpu.memory_space<vmem>> -> memref<1x32x128xf32, #tpu.memory_space<vmem>>
      %gather3A_1559 = tpu.memref_squeeze %gather3A_1558 : memref<1x32x128xf32, #tpu.memory_space<vmem>> -> memref<32x128xf32, #tpu.memory_space<vmem>>
      %gather3A_1560 = tpu.vector_load_idx %gather3A_1559[%add3A_5, %broadcast_in_dim3A_1545] : memref<32x128xf32, #tpu.memory_space<vmem>>[vector<16xi32>, vector<16xi32>], vector<16xf32>,
      %gather3A_1561 = arith.constant 6 : i32
      %gather3A_1562 = arith.constant 0 : i32
      %gather3A_1563 = arith.constant 0 : i32
      %gather3A_1564 = tpu.memref_slice %arg10[%gather3A_1561, %gather3A_1562, %gather3A_1563] : memref<8x32x128xf32, #tpu.memory_space<vmem>> -> memref<1x32x128xf32, #tpu.memory_space<vmem>>
      %gather3A_1565 = tpu.memref_squeeze %gather3A_1564 : memref<1x32x128xf32, #tpu.memory_space<vmem>> -> memref<32x128xf32, #tpu.memory_space<vmem>>
      %gather3A_1566 = tpu.vector_load_idx %gather3A_1565[%iota3A, %broadcast_in_dim3A_1548] : memref<32x128xf32, #tpu.memory_space<vmem>>[vector<16xi32>, vector<16xi32>], vector<16xf32>,
      %gather3A_1567 = arith.constant 6 : i32
      %gather3A_1568 = arith.constant 0 : i32
      %gather3A_1569 = arith.constant 0 : i32
      %gather3A_1570 = tpu.memref_slice %arg10[%gather3A_1567, %gather3A_1568, %gather3A_1569] : memref<8x32x128xf32, #tpu.memory_space<vmem>> -> memref<1x32x128xf32, #tpu.memory_space<vmem>>
      %gather3A_1571 = tpu.memref_squeeze %gather3A_1570 : memref<1x32x128xf32, #tpu.memory_space<vmem>> -> memref<32x128xf32, #tpu.memory_space<vmem>>
      %gather3A_1572 = tpu.vector_load_idx %gather3A_1571[%add3A_5, %broadcast_in_dim3A_1548] : memref<32x128xf32, #tpu.memory_space<vmem>>[vector<16xi32>, vector<16xi32>], vector<16xf32>,
      %mul3A_1573 = arith.mulf %gather3A_1554, %gather3A_1566 : vector<16xf32>
      %mul3A_1574 = arith.mulf %gather3A_1560, %gather3A_1572 : vector<16xf32>
      %add3A_1575 = arith.addf %mul3A_1573, %mul3A_1574 : vector<16xf32>
      %slice3A_1576 = vector.extract_strided_slice %and3A_248 {offsets = [15], sizes = [1], strides = [1]} : vector<16xi32> to vector<1xi32>
      %squeeze3A_1577 = vector.extract %slice3A_1576[0] : i32 from vector<1xi32>
      %broadcast_in_dim3A_1578 = vector.broadcast %squeeze3A_1577 : i32 to vector<16xi32>
      %slice3A_1579 = vector.extract_strided_slice %and3A_253 {offsets = [15], sizes = [1], strides = [1]} : vector<16xi32> to vector<1xi32>
      %squeeze3A_1580 = vector.extract %slice3A_1579[0] : i32 from vector<1xi32>
      %broadcast_in_dim3A_1581 = vector.broadcast %squeeze3A_1580 : i32 to vector<16xi32>
      %gather3A_1582 = arith.constant 7 : i32
      %gather3A_1583 = arith.constant 0 : i32
      %gather3A_1584 = arith.constant 0 : i32
      %gather3A_1585 = tpu.memref_slice %arg9[%gather3A_1582, %gather3A_1583, %gather3A_1584] : memref<8x32x128xf32, #tpu.memory_space<vmem>> -> memref<1x32x128xf32, #tpu.memory_space<vmem>>
      %gather3A_1586 = tpu.memref_squeeze %gather3A_1585 : memref<1x32x128xf32, #tpu.memory_space<vmem>> -> memref<32x128xf32, #tpu.memory_space<vmem>>
      %gather3A_1587 = tpu.vector_load_idx %gather3A_1586[%iota3A, %broadcast_in_dim3A_1578] : memref<32x128xf32, #tpu.memory_space<vmem>>[vector<16xi32>, vector<16xi32>], vector<16xf32>,
      %gather3A_1588 = arith.constant 7 : i32
      %gather3A_1589 = arith.constant 0 : i32
      %gather3A_1590 = arith.constant 0 : i32
      %gather3A_1591 = tpu.memref_slice %arg9[%gather3A_1588, %gather3A_1589, %gather3A_1590] : memref<8x32x128xf32, #tpu.memory_space<vmem>> -> memref<1x32x128xf32, #tpu.memory_space<vmem>>
      %gather3A_1592 = tpu.memref_squeeze %gather3A_1591 : memref<1x32x128xf32, #tpu.memory_space<vmem>> -> memref<32x128xf32, #tpu.memory_space<vmem>>
      %gather3A_1593 = tpu.vector_load_idx %gather3A_1592[%add3A_5, %broadcast_in_dim3A_1578] : memref<32x128xf32, #tpu.memory_space<vmem>>[vector<16xi32>, vector<16xi32>], vector<16xf32>,
      %gather3A_1594 = arith.constant 7 : i32
      %gather3A_1595 = arith.constant 0 : i32
      %gather3A_1596 = arith.constant 0 : i32
      %gather3A_1597 = tpu.memref_slice %arg10[%gather3A_1594, %gather3A_1595, %gather3A_1596] : memref<8x32x128xf32, #tpu.memory_space<vmem>> -> memref<1x32x128xf32, #tpu.memory_space<vmem>>
      %gather3A_1598 = tpu.memref_squeeze %gather3A_1597 : memref<1x32x128xf32, #tpu.memory_space<vmem>> -> memref<32x128xf32, #tpu.memory_space<vmem>>
      %gather3A_1599 = tpu.vector_load_idx %gather3A_1598[%iota3A, %broadcast_in_dim3A_1581] : memref<32x128xf32, #tpu.memory_space<vmem>>[vector<16xi32>, vector<16xi32>], vector<16xf32>,
      %gather3A_1600 = arith.constant 7 : i32
      %gather3A_1601 = arith.constant 0 : i32
      %gather3A_1602 = arith.constant 0 : i32
      %gather3A_1603 = tpu.memref_slice %arg10[%gather3A_1600, %gather3A_1601, %gather3A_1602] : memref<8x32x128xf32, #tpu.memory_space<vmem>> -> memref<1x32x128xf32, #tpu.memory_space<vmem>>
      %gather3A_1604 = tpu.memref_squeeze %gather3A_1603 : memref<1x32x128xf32, #tpu.memory_space<vmem>> -> memref<32x128xf32, #tpu.memory_space<vmem>>
      %gather3A_1605 = tpu.vector_load_idx %gather3A_1604[%add3A_5, %broadcast_in_dim3A_1581] : memref<32x128xf32, #tpu.memory_space<vmem>>[vector<16xi32>, vector<16xi32>], vector<16xf32>,
      %mul3A_1606 = arith.mulf %gather3A_1587, %gather3A_1599 : vector<16xf32>
      %mul3A_1607 = arith.mulf %gather3A_1593, %gather3A_1605 : vector<16xf32>
      %add3A_1608 = arith.addf %mul3A_1606, %mul3A_1607 : vector<16xf32>
      %broadcast_in_dim3A_1609 = vector.shape_cast %xor3A_7 : vector<16xi32> to vector<16x1xi32>
      %gather3A_1610 = vector.shape_cast %broadcast_in_dim3A_1609 : vector<16x1xi32> to vector<16xi32>
      %gather3A_1611 = tpu.dynamic_gather %add3A_419[%gather3A_1610] in [0] : vector<16xf32>, vector<16xi32> -> vector<16xf32>
      %broadcast_in_dim3A_1612 = vector.shape_cast %xor3A_7 : vector<16xi32> to vector<16x1xi32>
      %gather3A_1613 = vector.shape_cast %broadcast_in_dim3A_1612 : vector<16x1xi32> to vector<16xi32>
      %gather3A_1614 = tpu.dynamic_gather %add3A_452[%gather3A_1613] in [0] : vector<16xf32>, vector<16xi32> -> vector<16xf32>
      %add3A_1615 = arith.addf %add3A_419, %gather3A_1611 : vector<16xf32>
      %add3A_1616 = arith.addf %add3A_452, %gather3A_1614 : vector<16xf32>
      %select_n3A = arith.select %eq3A_20, %add3A_1615, %add3A_1616 : vector<16xi1>, vector<16xf32>
      %broadcast_in_dim3A_1617 = vector.shape_cast %xor3A_7 : vector<16xi32> to vector<16x1xi32>
      %gather3A_1618 = vector.shape_cast %broadcast_in_dim3A_1617 : vector<16x1xi32> to vector<16xi32>
      %gather3A_1619 = tpu.dynamic_gather %add3A_609[%gather3A_1618] in [0] : vector<16xf32>, vector<16xi32> -> vector<16xf32>
      %broadcast_in_dim3A_1620 = vector.shape_cast %xor3A_7 : vector<16xi32> to vector<16x1xi32>
      %gather3A_1621 = vector.shape_cast %broadcast_in_dim3A_1620 : vector<16x1xi32> to vector<16xi32>
      %gather3A_1622 = tpu.dynamic_gather %add3A_642[%gather3A_1621] in [0] : vector<16xf32>, vector<16xi32> -> vector<16xf32>
      %add3A_1623 = arith.addf %add3A_609, %gather3A_1619 : vector<16xf32>
      %add3A_1624 = arith.addf %add3A_642, %gather3A_1622 : vector<16xf32>
      %select_n3A_1625 = arith.select %eq3A_20, %add3A_1623, %add3A_1624 : vector<16xi1>, vector<16xf32>
      %broadcast_in_dim3A_1626 = vector.shape_cast %xor3A_7 : vector<16xi32> to vector<16x1xi32>
      %gather3A_1627 = vector.shape_cast %broadcast_in_dim3A_1626 : vector<16x1xi32> to vector<16xi32>
      %gather3A_1628 = tpu.dynamic_gather %add3A_799[%gather3A_1627] in [0] : vector<16xf32>, vector<16xi32> -> vector<16xf32>
      %broadcast_in_dim3A_1629 = vector.shape_cast %xor3A_7 : vector<16xi32> to vector<16x1xi32>
      %gather3A_1630 = vector.shape_cast %broadcast_in_dim3A_1629 : vector<16x1xi32> to vector<16xi32>
      %gather3A_1631 = tpu.dynamic_gather %add3A_832[%gather3A_1630] in [0] : vector<16xf32>, vector<16xi32> -> vector<16xf32>
      %add3A_1632 = arith.addf %add3A_799, %gather3A_1628 : vector<16xf32>
      %add3A_1633 = arith.addf %add3A_832, %gather3A_1631 : vector<16xf32>
      %select_n3A_1634 = arith.select %eq3A_20, %add3A_1632, %add3A_1633 : vector<16xi1>, vector<16xf32>
      %broadcast_in_dim3A_1635 = vector.shape_cast %xor3A_7 : vector<16xi32> to vector<16x1xi32>
      %gather3A_1636 = vector.shape_cast %broadcast_in_dim3A_1635 : vector<16x1xi32> to vector<16xi32>
      %gather3A_1637 = tpu.dynamic_gather %add3A_989[%gather3A_1636] in [0] : vector<16xf32>, vector<16xi32> -> vector<16xf32>
      %broadcast_in_dim3A_1638 = vector.shape_cast %xor3A_7 : vector<16xi32> to vector<16x1xi32>
      %gather3A_1639 = vector.shape_cast %broadcast_in_dim3A_1638 : vector<16x1xi32> to vector<16xi32>
      %gather3A_1640 = tpu.dynamic_gather %add3A_1022[%gather3A_1639] in [0] : vector<16xf32>, vector<16xi32> -> vector<16xf32>
      %add3A_1641 = arith.addf %add3A_989, %gather3A_1637 : vector<16xf32>
      %add3A_1642 = arith.addf %add3A_1022, %gather3A_1640 : vector<16xf32>
      %select_n3A_1643 = arith.select %eq3A_20, %add3A_1641, %add3A_1642 : vector<16xi1>, vector<16xf32>
      %broadcast_in_dim3A_1644 = vector.shape_cast %xor3A_7 : vector<16xi32> to vector<16x1xi32>
      %gather3A_1645 = vector.shape_cast %broadcast_in_dim3A_1644 : vector<16x1xi32> to vector<16xi32>
      %gather3A_1646 = tpu.dynamic_gather %add3A_1179[%gather3A_1645] in [0] : vector<16xf32>, vector<16xi32> -> vector<16xf32>
      %broadcast_in_dim3A_1647 = vector.shape_cast %xor3A_7 : vector<16xi32> to vector<16x1xi32>
      %gather3A_1648 = vector.shape_cast %broadcast_in_dim3A_1647 : vector<16x1xi32> to vector<16xi32>
      %gather3A_1649 = tpu.dynamic_gather %add3A_1212[%gather3A_1648] in [0] : vector<16xf32>, vector<16xi32> -> vector<16xf32>
      %add3A_1650 = arith.addf %add3A_1179, %gather3A_1646 : vector<16xf32>
      %add3A_1651 = arith.addf %add3A_1212, %gather3A_1649 : vector<16xf32>
      %select_n3A_1652 = arith.select %eq3A_20, %add3A_1650, %add3A_1651 : vector<16xi1>, vector<16xf32>
      %broadcast_in_dim3A_1653 = vector.shape_cast %xor3A_7 : vector<16xi32> to vector<16x1xi32>
      %gather3A_1654 = vector.shape_cast %broadcast_in_dim3A_1653 : vector<16x1xi32> to vector<16xi32>
      %gather3A_1655 = tpu.dynamic_gather %add3A_1309[%gather3A_1654] in [0] : vector<16xf32>, vector<16xi32> -> vector<16xf32>
      %broadcast_in_dim3A_1656 = vector.shape_cast %xor3A_7 : vector<16xi32> to vector<16x1xi32>
      %gather3A_1657 = vector.shape_cast %broadcast_in_dim3A_1656 : vector<16x1xi32> to vector<16xi32>
      %gather3A_1658 = tpu.dynamic_gather %add3A_1342[%gather3A_1657] in [0] : vector<16xf32>, vector<16xi32> -> vector<16xf32>
      %add3A_1659 = arith.addf %add3A_1309, %gather3A_1655 : vector<16xf32>
      %add3A_1660 = arith.addf %add3A_1342, %gather3A_1658 : vector<16xf32>
      %select_n3A_1661 = arith.select %eq3A_20, %add3A_1659, %add3A_1660 : vector<16xi1>, vector<16xf32>
      %broadcast_in_dim3A_1662 = vector.shape_cast %xor3A_7 : vector<16xi32> to vector<16x1xi32>
      %gather3A_1663 = vector.shape_cast %broadcast_in_dim3A_1662 : vector<16x1xi32> to vector<16xi32>
      %gather3A_1664 = tpu.dynamic_gather %add3A_1442[%gather3A_1663] in [0] : vector<16xf32>, vector<16xi32> -> vector<16xf32>
      %broadcast_in_dim3A_1665 = vector.shape_cast %xor3A_7 : vector<16xi32> to vector<16x1xi32>
      %gather3A_1666 = vector.shape_cast %broadcast_in_dim3A_1665 : vector<16x1xi32> to vector<16xi32>
      %gather3A_1667 = tpu.dynamic_gather %add3A_1475[%gather3A_1666] in [0] : vector<16xf32>, vector<16xi32> -> vector<16xf32>
      %add3A_1668 = arith.addf %add3A_1442, %gather3A_1664 : vector<16xf32>
      %add3A_1669 = arith.addf %add3A_1475, %gather3A_1667 : vector<16xf32>
      %select_n3A_1670 = arith.select %eq3A_20, %add3A_1668, %add3A_1669 : vector<16xi1>, vector<16xf32>
      %broadcast_in_dim3A_1671 = vector.shape_cast %xor3A_7 : vector<16xi32> to vector<16x1xi32>
      %gather3A_1672 = vector.shape_cast %broadcast_in_dim3A_1671 : vector<16x1xi32> to vector<16xi32>
      %gather3A_1673 = tpu.dynamic_gather %add3A_1575[%gather3A_1672] in [0] : vector<16xf32>, vector<16xi32> -> vector<16xf32>
      %broadcast_in_dim3A_1674 = vector.shape_cast %xor3A_7 : vector<16xi32> to vector<16x1xi32>
      %gather3A_1675 = vector.shape_cast %broadcast_in_dim3A_1674 : vector<16x1xi32> to vector<16xi32>
      %gather3A_1676 = tpu.dynamic_gather %add3A_1608[%gather3A_1675] in [0] : vector<16xf32>, vector<16xi32> -> vector<16xf32>
      %add3A_1677 = arith.addf %add3A_1575, %gather3A_1673 : vector<16xf32>
      %add3A_1678 = arith.addf %add3A_1608, %gather3A_1676 : vector<16xf32>
      %select_n3A_1679 = arith.select %eq3A_20, %add3A_1677, %add3A_1678 : vector<16xi1>, vector<16xf32>
      %broadcast_in_dim3A_1680 = vector.shape_cast %xor3A_10 : vector<16xi32> to vector<16x1xi32>
      %gather3A_1681 = vector.shape_cast %broadcast_in_dim3A_1680 : vector<16x1xi32> to vector<16xi32>
      %gather3A_1682 = tpu.dynamic_gather %select_n3A[%gather3A_1681] in [0] : vector<16xf32>, vector<16xi32> -> vector<16xf32>
      %broadcast_in_dim3A_1683 = vector.shape_cast %xor3A_10 : vector<16xi32> to vector<16x1xi32>
      %gather3A_1684 = vector.shape_cast %broadcast_in_dim3A_1683 : vector<16x1xi32> to vector<16xi32>
      %gather3A_1685 = tpu.dynamic_gather %select_n3A_1625[%gather3A_1684] in [0] : vector<16xf32>, vector<16xi32> -> vector<16xf32>
      %add3A_1686 = arith.addf %select_n3A, %gather3A_1682 : vector<16xf32>
      %add3A_1687 = arith.addf %select_n3A_1625, %gather3A_1685 : vector<16xf32>
      %select_n3A_1688 = arith.select %eq3A_26, %add3A_1686, %add3A_1687 : vector<16xi1>, vector<16xf32>
      %broadcast_in_dim3A_1689 = vector.shape_cast %xor3A_10 : vector<16xi32> to vector<16x1xi32>
      %gather3A_1690 = vector.shape_cast %broadcast_in_dim3A_1689 : vector<16x1xi32> to vector<16xi32>
      %gather3A_1691 = tpu.dynamic_gather %select_n3A_1634[%gather3A_1690] in [0] : vector<16xf32>, vector<16xi32> -> vector<16xf32>
      %broadcast_in_dim3A_1692 = vector.shape_cast %xor3A_10 : vector<16xi32> to vector<16x1xi32>
      %gather3A_1693 = vector.shape_cast %broadcast_in_dim3A_1692 : vector<16x1xi32> to vector<16xi32>
      %gather3A_1694 = tpu.dynamic_gather %select_n3A_1643[%gather3A_1693] in [0] : vector<16xf32>, vector<16xi32> -> vector<16xf32>
      %add3A_1695 = arith.addf %select_n3A_1634, %gather3A_1691 : vector<16xf32>
      %add3A_1696 = arith.addf %select_n3A_1643, %gather3A_1694 : vector<16xf32>
      %select_n3A_1697 = arith.select %eq3A_26, %add3A_1695, %add3A_1696 : vector<16xi1>, vector<16xf32>
      %broadcast_in_dim3A_1698 = vector.shape_cast %xor3A_10 : vector<16xi32> to vector<16x1xi32>
      %gather3A_1699 = vector.shape_cast %broadcast_in_dim3A_1698 : vector<16x1xi32> to vector<16xi32>
      %gather3A_1700 = tpu.dynamic_gather %select_n3A_1652[%gather3A_1699] in [0] : vector<16xf32>, vector<16xi32> -> vector<16xf32>
      %broadcast_in_dim3A_1701 = vector.shape_cast %xor3A_10 : vector<16xi32> to vector<16x1xi32>
      %gather3A_1702 = vector.shape_cast %broadcast_in_dim3A_1701 : vector<16x1xi32> to vector<16xi32>
      %gather3A_1703 = tpu.dynamic_gather %select_n3A_1661[%gather3A_1702] in [0] : vector<16xf32>, vector<16xi32> -> vector<16xf32>
      %add3A_1704 = arith.addf %select_n3A_1652, %gather3A_1700 : vector<16xf32>
      %add3A_1705 = arith.addf %select_n3A_1661, %gather3A_1703 : vector<16xf32>
      %select_n3A_1706 = arith.select %eq3A_26, %add3A_1704, %add3A_1705 : vector<16xi1>, vector<16xf32>
      %broadcast_in_dim3A_1707 = vector.shape_cast %xor3A_10 : vector<16xi32> to vector<16x1xi32>
      %gather3A_1708 = vector.shape_cast %broadcast_in_dim3A_1707 : vector<16x1xi32> to vector<16xi32>
      %gather3A_1709 = tpu.dynamic_gather %select_n3A_1670[%gather3A_1708] in [0] : vector<16xf32>, vector<16xi32> -> vector<16xf32>
      %broadcast_in_dim3A_1710 = vector.shape_cast %xor3A_10 : vector<16xi32> to vector<16x1xi32>
      %gather3A_1711 = vector.shape_cast %broadcast_in_dim3A_1710 : vector<16x1xi32> to vector<16xi32>
      %gather3A_1712 = tpu.dynamic_gather %select_n3A_1679[%gather3A_1711] in [0] : vector<16xf32>, vector<16xi32> -> vector<16xf32>
      %add3A_1713 = arith.addf %select_n3A_1670, %gather3A_1709 : vector<16xf32>
      %add3A_1714 = arith.addf %select_n3A_1679, %gather3A_1712 : vector<16xf32>
      %select_n3A_1715 = arith.select %eq3A_26, %add3A_1713, %add3A_1714 : vector<16xi1>, vector<16xf32>
      %broadcast_in_dim3A_1716 = vector.shape_cast %xor3A_13 : vector<16xi32> to vector<16x1xi32>
      %gather3A_1717 = vector.shape_cast %broadcast_in_dim3A_1716 : vector<16x1xi32> to vector<16xi32>
      %gather3A_1718 = tpu.dynamic_gather %select_n3A_1688[%gather3A_1717] in [0] : vector<16xf32>, vector<16xi32> -> vector<16xf32>
      %broadcast_in_dim3A_1719 = vector.shape_cast %xor3A_13 : vector<16xi32> to vector<16x1xi32>
      %gather3A_1720 = vector.shape_cast %broadcast_in_dim3A_1719 : vector<16x1xi32> to vector<16xi32>
      %gather3A_1721 = tpu.dynamic_gather %select_n3A_1697[%gather3A_1720] in [0] : vector<16xf32>, vector<16xi32> -> vector<16xf32>
      %add3A_1722 = arith.addf %select_n3A_1688, %gather3A_1718 : vector<16xf32>
      %add3A_1723 = arith.addf %select_n3A_1697, %gather3A_1721 : vector<16xf32>
      %select_n3A_1724 = arith.select %eq3A_32, %add3A_1722, %add3A_1723 : vector<16xi1>, vector<16xf32>
      %broadcast_in_dim3A_1725 = vector.shape_cast %xor3A_13 : vector<16xi32> to vector<16x1xi32>
      %gather3A_1726 = vector.shape_cast %broadcast_in_dim3A_1725 : vector<16x1xi32> to vector<16xi32>
      %gather3A_1727 = tpu.dynamic_gather %select_n3A_1706[%gather3A_1726] in [0] : vector<16xf32>, vector<16xi32> -> vector<16xf32>
      %broadcast_in_dim3A_1728 = vector.shape_cast %xor3A_13 : vector<16xi32> to vector<16x1xi32>
      %gather3A_1729 = vector.shape_cast %broadcast_in_dim3A_1728 : vector<16x1xi32> to vector<16xi32>
      %gather3A_1730 = tpu.dynamic_gather %select_n3A_1715[%gather3A_1729] in [0] : vector<16xf32>, vector<16xi32> -> vector<16xf32>
      %add3A_1731 = arith.addf %select_n3A_1706, %gather3A_1727 : vector<16xf32>
      %add3A_1732 = arith.addf %select_n3A_1715, %gather3A_1730 : vector<16xf32>
      %select_n3A_1733 = arith.select %eq3A_32, %add3A_1731, %add3A_1732 : vector<16xi1>, vector<16xf32>
      %broadcast_in_dim3A_1734 = vector.shape_cast %xor3A_16 : vector<16xi32> to vector<16x1xi32>
      %gather3A_1735 = vector.shape_cast %broadcast_in_dim3A_1734 : vector<16x1xi32> to vector<16xi32>
      %gather3A_1736 = tpu.dynamic_gather %select_n3A_1724[%gather3A_1735] in [0] : vector<16xf32>, vector<16xi32> -> vector<16xf32>
      %broadcast_in_dim3A_1737 = vector.shape_cast %xor3A_16 : vector<16xi32> to vector<16x1xi32>
      %gather3A_1738 = vector.shape_cast %broadcast_in_dim3A_1737 : vector<16x1xi32> to vector<16xi32>
      %gather3A_1739 = tpu.dynamic_gather %select_n3A_1733[%gather3A_1738] in [0] : vector<16xf32>, vector<16xi32> -> vector<16xf32>
      %add3A_1740 = arith.addf %select_n3A_1724, %gather3A_1736 : vector<16xf32>
      %add3A_1741 = arith.addf %select_n3A_1733, %gather3A_1739 : vector<16xf32>
      %select_n3A_1742 = arith.select %eq3A_38, %add3A_1740, %add3A_1741 : vector<16xi1>, vector<16xf32>
      %swap3A = arith.index_cast %mul3A_243 : i32 to index
      %swap3A_1743 = tpu.vector_load %arg11[%swap3A] {strides = array<i32>} : memref<512xf32, #tpu.memory_space<vmem>>, vector<16xf32>,
      tpu.vector_store %arg11[%swap3A], %select_n3A_1742 {strides = array<i32>} : memref<512xf32, #tpu.memory_space<vmem>>, vector<16xf32>,
    }
    %scan3A_240 = arith.constant 32 : i32
    "tpu.region"() ({
      %run_scoped3A = tpu.sem_alloc : memref<!tpu.dma_semaphore, #tpu.memory_space<semaphore_mem>>
      %dma_start3A_241 = tpu.memref_slice %arg6[%mul3A_2] : memref<16384xf32, #tpu.memory_space<hbm>> -> memref<512xf32, #tpu.memory_space<hbm>>
      %dma_start3A_242 = tpu.memref_slice %arg6[%mul3A_2] : memref<16384xf32, #tpu.memory_space<hbm>> -> memref<512xf32, #tpu.memory_space<hbm>>
      tpu.enqueue_dma source(%arg11 : memref<512xf32, #tpu.memory_space<vmem>>) target(%dma_start3A_242 : memref<512xf32, #tpu.memory_space<hbm>>) target_semaphore(%run_scoped3A : memref<!tpu.dma_semaphore, #tpu.memory_space<semaphore_mem>>)
      %dma_wait3A = tpu.memref_slice %arg6[%mul3A_2] : memref<16384xf32, #tpu.memory_space<hbm>> -> memref<512xf32, #tpu.memory_space<hbm>>
      %dma_wait3A_243 = tpu.memref_slice %arg6[%mul3A_2] : memref<16384xf32, #tpu.memory_space<hbm>> -> memref<512xf32, #tpu.memory_space<hbm>>
      tpu.wait_dma2 semaphore(%run_scoped3A : memref<!tpu.dma_semaphore, #tpu.memory_space<semaphore_mem>>) src(%arg11 : memref<512xf32, #tpu.memory_space<vmem>>) dst(%dma_wait3A_243 : memref<512xf32, #tpu.memory_space<hbm>>)
      tpu.yield
    }) : () -> ()
    return
  }
}

</mosaic_0001>

<sc_bundles>
// kernel: kernel.3.cloned.1.call-start
scs
__scs_entry_jumppad:
0x0: {  	(pc) =	sbr.rel $0x88, $3  }
0x1: {  	(tag) =	ssettag $0x0;
	lr =	simm.s32 $0x1  }
0x2: {  	[smem:$0x3F9D] =	sst lr;
	_ =	strace $0xD0000000  }
0x3: {  	_ = 	snop  }
0x4: {  	_ = 	snop  }
0x5: {  	_ = 	snop  }
0x6: {  	_ = 	snop  }
0x7: {  	_ = 	snop  }
__scs_overlays_trampoline_lowered:
0x8: {  	[smem:$0x3FAC] =	sst s0  }
0x9: {  	[smem:$0x3FAD] =	sst s1  }
0xa: {  	[smem:$0x3FAE] =	sst s2  }
0xb: {  	[smem:$0x3FAF] =	sst s3  }
0xc: {  	[smem:$0x3FB0] =	sst s4  }
0xd: {  	[smem:$0x3FB1] =	sst s5  }
0xe: {  	[smem:$0x3FB2] =	sst s6  }
0xf: {  	[smem:$0x3FB3] =	sst s7  }
0x10: {  	[smem:$0x3FB4] =	sst s8  }
0x11: {  	[smem:$0x3FB5] =	sst s9;
	s0 =	simm.s32 @!p0 $0x0  }
0x12: {  	s1 =	sld [smem:$0x3F9B];
	s0 =	simm.s32 @p0 $0x1  }
0x13: {  	[smem:$0x3FB6] =	sst s0;
	s0 =	simm.s32 @!p1 $0x0  }
0x14: {  	s2 =	sld [smem:$0x3F9A];
	s0 =	simm.s32 @p1 $0x1  }
0x15: {  	[smem:$0x3FB7] =	sst s0;
	s0 =	simm.s32 @!p2 $0x0  }
0x16: {  	s3 =	sld [smem:$0x3FDB];
	s0 =	simm.s32 @p2 $0x1  }
0x17: {  	s4 =	simm.s32 $0x1BF5;
	[smem:$0x3FB9] =	sst s0  }
0x18: {  	s0 =	sld [smem:$0x3F9C];
	_ =	swait.ge [sflag:s4], $0x0  }
0x19: {  	s7 =	sld [smem:$0x3F9D]  }
0x1a: {  	s8 =	sadd.s32 $0xFFFFE003, lr  }
0x1b: {  	s9 =	sadd.s32 $0xFFFFFEF7, lr;
	s5 =	simm.s32 $0xFFFFFFFF;
	p2 =	slt.u32 s8, $0xFFFFF086  }
0x1c: {  	p1 =	slt.u32 s9, $0xF7A;
	s5 =	simm.s32 @!p2 $0x0  }
0x1d: {  	s5 =	simm.s32 @p1 $0x1;
	p0 =	seq.s32 s7, s2  }
0x1e: {  	s7 =	smul.u32 @!p0 $0xF7A, s2;
	p2 =	seq.s32 @!p0 s5, $0x0  }
0x1f: {  	s9 =	smul.u32 $0xF7A, s1;
	s8 =	simm.s32 @!p0 $0x1BF5;
	p2 =	por !p2, p0  }
0x20: {  	[sflag:s8] =	ssyncset.s32 @!p0 $0xFFFFF086;
	s6 =	sadd.s32 @!p0 s3, s7;
	s7 =	simm.s32 @!p0 $0x108  }
0x21: {  	s3 =	sadd.s32 s3, s9;
	s6 =	sadd.s32 @!p0 $0x88, s6;
	s7 =	simm.s32 @p2 $0x1082  }
0x22: {  	[simem:s7], [sflag:s8] =	dma.local @!p0 [hbm:s6], $0xF7A  }
0x23: {  	s9 =	sor.u32 $0xD0000000, s2;
	s6 =	simm.s32 $0x108;
	_ =	swait.ge @!p0 [sflag:s8], $0x0  }
0x24: {  	s3 =	sadd.s32 $0x88, s3;
	s6 =	simm.s32 @!p1 $0x1082;
	[sflag:s4] =	ssyncset.s32 $0xFFFFF086  }
0x25: {  	[simem:s6], [sflag:s4] =	dma.local [hbm:s3], $0xF7A  }
0x26: {  	[smem:$0x3F9D] =	sst s1;
	(tag) =	ssettag s2;
	_ =	strace s9  }
0x27: {  	s1 =	sld [smem:$0x3FAD]  }
0x28: {  	s2 =	sld [smem:$0x3FAE]  }
0x29: {  	s4 =	sld [smem:$0x3FB0]  }
0x2a: {  	p0 =	seq.s32 s5, $0x0;
	s5 =	sld [smem:$0x3FB1]  }
0x2b: {  	s6 =	sld [smem:$0x3FB2]  }
0x2c: {  	s7 =	sld [smem:$0x3FB3]  }
0x2d: {  	s3 =	simm.s32 $0x108;
	s8 =	sld [smem:$0x3FB4]  }
0x2e: {  	s3 =	simm.s32 @!p0 $0x1082;
	s9 =	sld [smem:$0x3FB5]  }
0x2f: {  	lr =	sadd.s32 s0, s3;
	s0 =	sld [smem:$0x3FAC]  }
0x30: {  	s3 =	sld [smem:$0x3FAF]  }
0x31: {  	[smem:$0x3FB8] =	sst s10  }
0x32: {  	s10 =	sld [smem:$0x3FB6];
	_ =	sdelay $0x3  }
0x33: {  	p0 =	seq.s32 s10, $0x1;
	s10 =	sld [smem:$0x3FB8];
	_ =	sdelay $0x3  }
0x34: {  	[smem:$0x3FB8] =	sst s10  }
0x35: {  	s10 =	sld [smem:$0x3FB7];
	_ =	sdelay $0x3  }
0x36: {  	p1 =	seq.s32 s10, $0x1;
	s10 =	sld [smem:$0x3FB8];
	_ =	sdelay $0x3  }
0x37: {  	[smem:$0x3FB8] =	sst s10  }
0x38: {  	s10 =	sld [smem:$0x3FB9]  }
0x39: {  	_ = 	snop;
	(pc) =	sbr.ind lr, $3  }
0x3a: {  	_ = 	snop  }
0x3b: {  	_ = 	snop  }
0x3c: {  	p2 =	seq.s32 s10, $0x1;
	s10 =	sld [smem:$0x3FB8]  }
0x3d: {  	_ =	shalt  }
0x3e: {  	_ =	shalt  }
0x3f: {  	_ =	shalt  }
0x40: {  	_ =	shalt  }
0x41: {  	_ =	shalt  }
0x42: {  	_ =	shalt  }
0x43: {  	_ =	shalt  }
0x44: {  	_ =	shalt  }
0x45: {  	_ =	shalt  }
0x46: {  	_ =	shalt  }
0x47: {  	_ =	shalt  }
0x48: {  	_ =	shalt  }
0x49: {  	_ =	shalt  }
0x4a: {  	_ =	shalt  }
0x4b: {  	_ =	shalt  }
0x4c: {  	_ =	shalt  }
0x4d: {  	_ =	shalt  }
0x4e: {  	_ =	shalt  }
0x4f: {  	_ =	shalt  }
0x50: {  	_ =	shalt  }
0x51: {  	_ =	shalt  }
0x52: {  	_ =	shalt  }
0x53: {  	_ =	shalt  }
0x54: {  	_ =	shalt  }
0x55: {  	_ =	shalt  }
0x56: {  	_ =	shalt  }
0x57: {  	_ =	shalt  }
0x58: {  	_ =	shalt  }
0x59: {  	_ =	shalt  }
0x5a: {  	_ =	shalt  }
0x5b: {  	_ =	shalt  }
0x5c: {  	_ =	shalt  }
0x5d: {  	_ =	shalt  }
0x5e: {  	_ =	shalt  }
0x5f: {  	_ =	shalt  }
0x60: {  	_ =	shalt  }
0x61: {  	_ =	shalt  }
0x62: {  	_ =	shalt  }
0x63: {  	_ =	shalt  }
0x64: {  	_ =	shalt  }
0x65: {  	_ =	shalt  }
0x66: {  	_ =	shalt  }
0x67: {  	_ =	shalt  }
0x68: {  	_ =	shalt  }
0x69: {  	_ =	shalt  }
0x6a: {  	_ =	shalt  }
0x6b: {  	_ =	shalt  }
0x6c: {  	_ =	shalt  }
0x6d: {  	_ =	shalt  }
0x6e: {  	_ =	shalt  }
0x6f: {  	_ =	shalt  }
0x70: {  	_ =	shalt  }
0x71: {  	_ =	shalt  }
0x72: {  	_ =	shalt  }
0x73: {  	_ =	shalt  }
0x74: {  	_ =	shalt  }
0x75: {  	_ =	shalt  }
0x76: {  	_ =	shalt  }
0x77: {  	_ =	shalt  }
0x78: {  	_ =	shalt  }
0x79: {  	_ =	shalt  }
0x7a: {  	_ =	shalt  }
0x7b: {  	_ =	shalt  }
0x7c: {  	_ =	shalt  }
0x7d: {  	_ =	shalt  }
0x7e: {  	_ =	shalt  }
0x7f: {  	_ =	shalt  }
0x80: {  	_ =	shalt  }
0x81: {  	_ =	shalt  }
0x82: {  	_ =	shalt  }
0x83: {  	_ =	shalt  }
0x84: {  	_ =	shalt  }
0x85: {  	_ =	shalt  }
0x86: {  	_ =	shalt  }
0x87: {  	_ =	shalt  }
.Lfunc_end0:
.L_simem_size_0:
called_computation_lowered:
.L_overlay_start_0:
0x88: {  	s2 =	sld [smem:$0x3FD9]  }
0x89: {  	s3 =	sld [smem:$0x3FFE];
	_ =	sdelay $0x1  }
0x8a: {  	s1 =	srdreg.scid  }
0x8b: {  	s0 =	sand.u32 $0x1, s1  }
0x8c: {  	s18 =	sshll.u32 s0, $0xA;
	s2 =	sadd.s32 s3, s2  }
0x8d: {  	s2 =	sadd.s32 s2, s18  }
0x8e: {  	[smem:$0x3FC4] =	sst s2  }
0x8f: {  	_ = 	snop  }
0x90: {  	s2 =	sld [smem:$0x3FC9]  }
0x91: {  	s19 =	sld [smem:$0x3FC8]  }
0x92: {  	s4 =	sld [smem:$0x3FC7]  }
0x93: {  	s5 =	sld [smem:$0x3FC6]  }
0x94: {  	s6 =	sld [smem:$0x3FD0];
	(tm) =	ssettm $0x1  }
0x95: {  	s7 =	sld [smem:$0x3FFB];
	_ =	sdelay $0x3  }
0x96: {  	_ =	strace s7  }
0x97: {  	s7 =	sld [smem:$0x3FFC];
	_ =	sdelay $0x3  }
0x98: {  	_ =	strace s7  }
0x99: {  	s7 =	sld [smem:$0x3FFD];
	_ =	sdelay $0x3  }
0x9a: {  	_ =	strace s7  }
0x9b: {  	_ =	strace $0x8FFFFFFF  }
0x9c: {  	s20 =	sld [smem:$0x3FDB];
	_ =	sdelay $0x1  }
0x9d: {  	s8 =	simm.s32 $_scs_section_size  }
0x9e: {  	s9 =	simm.s32 $_size__tile_overlayer_lowered;
	s10 =	simm.s32 $_tile_overlayer_lowered  }
0x9f: {  	s23 =	simm.s32 $0x1BFF;
	s22 =	sshll.u32 s10, $0x1;
	s7 =	sadd.s32 s8, s20  }
0xa0: {  	s11 =	simm.s32 $0x0;
	s21 =	sshll.u32 s9, $0x1;
	s9 =	sadd.s32 s22, s7  }
0xa1: {  	[timem:s11], [sflag:s23] =	dma.local [hbm:s9], s21  }
0xa2: {  	_ =	swait.ge [sflag:s23], s21  }
0xa3: {  	s8 =	ssub.s32 $0x0, s21;
	[sflag:s23] =	ssyncset.done $0x0  }
0xa4: {  	[sflag:s23] =	ssyncadd.s32 s8;
	_ =	sdelay $0x1  }
0xa5: {  	s24 =	simm.s32 $0x1B8B  }
0xa6: {  	_ =	swait.ge [sflag:s24], $0x1  }
0xa7: {  	[sflag:s24] =	ssyncset.done $0x0  }
0xa8: {  	s25 =	simm.s32 $0x1B8E;
	[sflag:s24] =	ssyncadd.s32 $0xFFFFFFFF  }
0xa9: {  	s26 =	simm.s32 $execute0_lowered;
	[smem:$0x3FD2] =	sst s25  }
0xaa: {  	s8 =	sshll.u32 s26, $0x1;
	_ =	strace $0x80000046;
	[dreg:$0x1] =	wrdreg $0xFFFFFFFF  }
0xab: {  	s28 =	simm.s32 $_size_execute0_lowered;
	s7 =	sadd.s32 s7, s8;
	[dreg:$0x0] =	wrdreg $0x0  }
0xac: {  	s8 =	sshll.u32 s28, $0x1;
	[dreg:$0x2] =	wrdreg s7  }
0xad: {  	[dreg:$0x3] =	wrdreg s8  }
0xae: {  	[dreg:$0x4] =	wrdreg $0xC0  }
0xaf: {  	_ =	task [dreg:s11], $0x5FFFF  }
0xb0: {  	[dreg:$0x1] =	wrdreg $0xFFFFFFFF  }
0xb1: {  	[dreg:$0x0] =	wrdreg $0x60  }
0xb2: {  	[dreg:$0x2] =	wrdreg s2  }
0xb3: {  	[dreg:$0x3] =	wrdreg s19  }
0xb4: {  	[dreg:$0x4] =	wrdreg s4  }
0xb5: {  	[dreg:$0x5] =	wrdreg s5  }
0xb6: {  	[dreg:$0x6] =	wrdreg s6  }
0xb7: {  	[dreg:$0x7] =	wrdreg $0x9  }
0xb8: {  	_ =	task.clear_ibuf [dreg:s11], $0x8FFFF;
	_ =	strace $0x90000046  }
0xb9: {  	s29 =	simm.s32 $0x9;
	_ =	strace $0x80000048  }
0xba: {  	_ =	swait.ge [sflag:s29], $0x1  }
0xbb: {  	[sflag:s29] =	ssyncadd.s32 $0xFFFFFFFF  }
0xbc: {  	_ =	strace $0x90000048  }
0xbd: {  	_ =	sfence  }
0xbe: {  	s30 =	sld [smem:$0x0];
	_ =	sdelay $0x2  }
0xbf: {  	s31 =	sshll.u32 s1, $0xD;
	s1 =	sshrl.u32 s1, $0x2  }
0xc0: {  	s3 =	sand.u32 $0x4000, s31;
	s1 =	sadd.s32 s1, s30  }
0xc1: {  	s0 =	sor.u32 s3, s0;
	s1 =	sshll.u32 s1, $0x11  }
0xc2: {  	s0 =	sor.u32 s1, s0  }
0xc3: {  	s0 =	sadd.s32 $0x8F2B, s0  }
0xc4: {  	[sflag:s0] =	ssyncadd.remote.s32 $0x1  }
0xc5: {  	_ =	sfence.sel $0xFFFF  }
0xc6: {  	[dreg:$0x0] =	wrdreg $0xFFFFFFFF;
	(pc) =	sbr.abs _section_cstart, $3  }
0xc7: {  	[dreg:$0x1] =	wrdreg $0xFFFFFFFF  }
0xc8: {  	_ =	task.clear_ibuf [dreg:s11], $0x2FFFF;
	_ =	strace $0x9FFFFFFF  }
0xc9: {  	(tm) =	ssettm $0x7FFFFFFF  }
tec
execute0_lowered:
.L_overlay_start_1:
0x0: {  	(tag) =	ssettag $0x1  }
0x1: {  	v0 =	vimm.s32 $0xEFCDAB89  }
0x2: {  	s13 =	rddreg [dreg:$0x0];
	v1 =	vlaneseq.u32;
	v2 =	vimm.s32 $0x67452301;
	vm0 =	vcmask $0xB08  }
0x3: {  	s14 =	rddreg [dreg:$0x1];
	vm1 =	vcmask $0x300;
	v0 =	vunpack.c.l.s4.s8 v0;
	v2 =	vunpack.c.l.s4.s8 v2  }
0x4: {  	s0 =	rddreg [dreg:$0x2];
	vm2 =	vcmask $0x1710;
	vm3 =	vcmask $0x700;
	v4 =	vimm.s32 $0xBA98FEDC  }
0x5: {  	s2 =	rddreg [dreg:$0x3];
	v5 =	vimm.s32 $0x32107654;
	v3 =	vunpack.c.0.s8.s32 v0;
	v2 =	vunpack.c.0.s8.s32 v2  }
0x6: {  	s3 =	rddreg [dreg:$0x4];
	s4 =	srdreg.scid;
	s11 =	simm.s32 $0x7A1400;
	v6 =	vimm.s32 $0x76543210;
	vm0 =	vmor vm1, vm0;
	v0 =	vmul.u32 $0x80, v1  }
0x7: {  	s1 =	simm.s32 $0x0;
	s7 =	stileid.u32;
	s12 =	simm.s32 $0x400;
	v1 =	vimm.s32 $0xDCFE98BA;
	v2 =	vcombine.low v2, v3;
	v3 =	vimm.s32 $0x54761032  }
0x8: {  	s9 =	simm.s32 $0x8400;
	s15 =	simm.s32 $0x1400;
	s8 =	simm.s32 $0x9400;
	vm1 =	vcmask $0x1310;
	v1 =	vunpack.c.l.s4.s8 v1;
	v3 =	vunpack.c.l.s4.s8 v3  }
0x9: {  	s16 =	simm.s32 $0x2400;
	s17 =	simm.s32 $0xA400;
	s18 =	simm.s32 $0x3400;
	vm2 =	vmor vm3, vm2;
	vm3 =	vcmask $0x2720;
	v4 =	vunpack.c.l.s4.s8 v4  }
0xa: {  	s19 =	simm.s32 $0xB400;
	s20 =	simm.s32 $0x4400;
	s21 =	simm.s32 $0xC400;
	v5 =	vunpack.c.l.s4.s8 v5;
	v1 =	vunpack.c.0.s8.s32 v1;
	v3 =	vunpack.c.0.s8.s32 v3  }
0xb: {  	s22 =	simm.s32 $0x5400;
	s23 =	simm.s32 $0xD400;
	s28 =	simm.s32 $0xF400;
	v6 =	vunpack.c.l.s4.s8 v6;
	vm0 =	vmor vm0, vm1;
	vm1 =	vcmask $0x1B18  }
0xc: {  	s29 =	simm.s32 $0x1;
	s30 =	simm.s32 $0x5;
	s31 =	simm.s32 $0x2;
	vm0 =	vmor vm0, vm1;
	vm1 =	vcmask $0x2320;
	v3 =	vcombine.low v3, v1  }
0xd: {  	s10 =	simm.s32 $0x7;
	s4 =	sand.u32 $0x1, s4;
	[smem:$0x7FF] =	sst s1;
	v1 =	vunpack.c.0.s8.s32 v4;
	v4 =	vunpack.c.0.s8.s32 v5;
	v5 =	vimm.s32 $0xFEDCBA98  }
0xe: {  	s7 =	sshll.u32 s7, $0x7;
	s5 =	ssub.s32 $0x2, s4;
	s4 =	sshll.u32 s4, $0x6;
	vm0 =	vmor vm0, vm1;
	vm1 =	vcmask $0x2B28;
	v5 =	vunpack.c.l.s4.s8 v5  }
0xf: {  	_ =	strace $0x80000047;
	s6 =	sshrl.u32 s5, $0x1;
	s4 =	sor.u32 s4, s7;
	v6 =	vunpack.c.0.s8.s32 v6;
	vm0 =	vmor vm0, vm1;
	vm1 =	vcmask $0x3330  }
0x10: {  	s7 =	simm.s32 $0x0;
	s5 =	ssub.s32 s5, s6;
	s0 =	sadd.s32 s0, s4;
	vm0 =	vmor vm0, vm1;
	vm1 =	vcmask $0x3B38;
	v5 =	vunpack.c.0.s8.s32 v5  }
0x11: {  	s24 =	sadd.s32 s2, s4;
	s25 =	sadd.s32 s3, s4;
	[dreg:$0x6] =	wrdreg s0;
	vm0 =	vmor vm0, vm1;
	vm1 =	vmor vm2, vm3;
	vm2 =	vcmask $0x3730  }
0x12: {  	s3 =	simm.s32 $0x9;
	s2 =	simm.s32 $0x6;
	[dreg:$0x7] =	wrdreg s24;
	vm3 =	vcmask $0xF00;
	vm1 =	vmor vm1, vm2;
	v5 =	vand.u32 $0xF, v5  }
0x13: {  	s4 =	simm.s32 $0x3;
	s6 =	simm.s32 $0x8;
	[dreg:$0x8] =	wrdreg s25;
	vm2 =	vcmask $0x2F20;
	v4 =	vcombine.low v4, v1;
	v9 =	vcombine.low v5, v6  }
0x14: {  	s26 =	smax.u32 s5, $0x1;
	s24 =	simm.s32 $0x6400;
	s25 =	simm.s32 $0xE400;
	v2 =	vand.u32 $0xF, v2;
	vm2 =	vmor vm3, vm2;
	vm3 =	vmmov $0xff  }
0x15: {  	s5 =	simm.s32 $0x4;
	[dreg:$0x9] =	wrdreg s26;
	s26 =	simm.s32 $0x7400;
	v1 =	vor.u32 $0x800, v0;
	v3 =	vand.u32 $0xF, v3;
	v4 =	vand.u32 $0xF, v4;
	[tilespmem:$0x1FFF0] =	vst v9  }
.LBB2_1:
0x16: {  	[dreg:$0xa] =	wrdreg s7  }
0x17: {  	s0 =	rddreg [dreg:$0x6]  }
0x18: {  	[tilespmem:s1], [sflag:$0x9] =	stream.linear.gather [hbm4b:s0+s1], $0x200, $0x38;
	[tilespmem:$0x10600] =	vst v63  }
0x19: {  	_ =	swait.ge [sflag:s3], $0x200  }
0x1a: {  	[sflag:s3] =	ssyncset.done $0x0  }
0x1b: {  	s7 =	simm.s32 $0x200;
	s0 =	rddreg [dreg:$0x7];
	[sflag:s3] =	ssyncadd.s32 $0xFFFFFE00  }
0x1c: {  	[tilespmem:s7], [sflag:$0x9] =	stream.linear.gather [hbm4b:s0+s1], $0x200, $0x38;
	[tilespmem:$0x10600] =	vst v63  }
0x1d: {  	_ =	swait.ge [sflag:s3], $0x200  }
0x1e: {  	[sflag:s3] =	ssyncset.done $0x0  }
0x1f: {  	[sflag:s3] =	ssyncadd.s32 $0xFFFFFE00  }
0x20: {  	v6 =	vld [tilespmem:$0x0];
	_ =	sdelay $0x1  }
0x21: {  	v7 =	vld [tilespmem:$0x200];
	_ =	sdelay $0x2  }
0x22: {  	v6 =	vand.u32 $0xFFFFFF80, v6  }
0x23: {  	v6 =	vadd.s32 s13, v6  }
0x24: {  	v7 =	vand.u32 $0xFFFFFF80, v7;
	(v2sf) =	vpush v6, $0x0  }
0x25: {  	v7 =	vadd.s32 s14, v7  }
0x26: {  	(v2sf) =	vpush v7, $0x0;
	_ =	sdelay $0x1  }
0x27: {  	(v2sf) =	vpush v6, $0x1;
	_ =	sdelay $0x1  }
0x28: {  	(v2sf) =	vpush v7, $0x1;
	_ =	sdelay $0x1  }
0x29: {  	(v2sf) =	vpush v6, $0x2;
	_ =	sdelay $0x1  }
0x2a: {  	(v2sf) =	vpush v7, $0x2;
	_ =	sdelay $0x1  }
0x2b: {  	(v2sf) =	vpush v6, $0x3;
	_ =	sdelay $0x1  }
0x2c: {  	(v2sf) =	vpush v7, $0x3  }
0x2d: {  	s7 =	spop (v2sf)  }
0x2e: {  	(v2sf) =	vpush v6, $0x4;
	[tilespmem:s12], [sflag:$0x1] =	stream.strided.gather [hbm4b:s7+s12], $0x1000, s11, s12, $0x38;
	[tilespmem:$0x10600] =	vst v63  }
0x2f: {  	s1 =	spop (v2sf)  }
0x30: {  	(v2sf) =	vpush v7, $0x4;
	[tilespmem:s9], [sflag:$0x5] =	stream.strided.gather [hbm4b:s1+s12], $0x1000, s11, s12, $0x38;
	[tilespmem:$0x10600] =	vst v63  }
0x31: {  	s3 =	spop (v2sf)  }
0x32: {  	(v2sf) =	vpush v6, $0x5;
	[tilespmem:s15], [sflag:$0x1] =	stream.strided.gather [hbm4b:s3+s12], $0x1000, s11, s12, $0x38;
	[tilespmem:$0x10600] =	vst v63  }
0x33: {  	s7 =	spop (v2sf)  }
0x34: {  	(v2sf) =	vpush v7, $0x5;
	[tilespmem:s8], [sflag:$0x5] =	stream.strided.gather [hbm4b:s7+s12], $0x1000, s11, s12, $0x38;
	[tilespmem:$0x10600] =	vst v63  }
0x35: {  	s8 =	spop (v2sf)  }
0x36: {  	[tilespmem:s16], [sflag:$0x2] =	stream.strided.gather [hbm4b:s8+s12], $0x1000, s11, s12, $0x38;
	[tilespmem:$0x10600] =	vst v63  }
0x37: {  	s16 =	spop (v2sf)  }
0x38: {  	[tilespmem:s17], [sflag:$0x6] =	stream.strided.gather [hbm4b:s16+s12], $0x1000, s11, s12, $0x38;
	[tilespmem:$0x10600] =	vst v63  }
0x39: {  	s17 =	spop (v2sf)  }
0x3a: {  	[tilespmem:s18], [sflag:$0x2] =	stream.strided.gather [hbm4b:s17+s12], $0x1000, s11, s12, $0x38;
	[tilespmem:$0x10600] =	vst v63  }
0x3b: {  	s18 =	spop (v2sf)  }
0x3c: {  	[tilespmem:s19], [sflag:$0x6] =	stream.strided.gather [hbm4b:s18+s12], $0x1000, s11, s12, $0x38;
	[tilespmem:$0x10600] =	vst v63  }
0x3d: {  	s19 =	spop (v2sf)  }
0x3e: {  	[tilespmem:s20], [sflag:$0x3] =	stream.strided.gather [hbm4b:s19+s12], $0x1000, s11, s12, $0x38;
	[tilespmem:$0x10600] =	vst v63  }
0x3f: {  	s20 =	spop (v2sf)  }
0x40: {  	[tilespmem:s21], [sflag:$0x7] =	stream.strided.gather [hbm4b:s20+s12], $0x1000, s11, s12, $0x38;
	[tilespmem:$0x10600] =	vst v63  }
0x41: {  	s21 =	spop (v2sf)  }
0x42: {  	[tilespmem:s22], [sflag:$0x3] =	stream.strided.gather [hbm4b:s21+s12], $0x1000, s11, s12, $0x38;
	[tilespmem:$0x10600] =	vst v63  }
0x43: {  	s8 =	simm.s32 $0x0;
	s17 =	simm.s32 $0xD400;
	s22 =	spop (v2sf)  }
0x44: {  	[tilespmem:s23], [sflag:$0x7] =	stream.strided.gather [hbm4b:s22+s12], $0x1000, s11, s12, $0x38;
	[tilespmem:$0x10600] =	vst v63  }
0x45: {  	s18 =	simm.s32 $0xA400;
	s20 =	simm.s32 $0xB400;
	s22 =	simm.s32 $0xC400  }
.LBB2_2:
0x46: {  	s3 =	sshra.s32 s8, $0x2  }
0x47: {  	v6 =	vld [tilespmem:s3+$0x0];
	_ =	sdelay $0x1  }
0x48: {  	v8 =	vld [tilespmem:s3+$0x200];
	_ =	sdelay $0x2  }
0x49: {  	v7 =	vand.u32 $0xFFFFFF80, v6  }
0x4a: {  	v33 =	vadd.s32 s13, v7  }
0x4b: {  	v7 =	vand.u32 $0xFFFFFF80, v8;
	(v2sf) =	vpush v33, $0x6  }
0x4c: {  	v32 =	vadd.s32 s14, v7  }
0x4d: {  	(v2sf) =	vpush v32, $0x6;
	_ =	sdelay $0x1  }
0x4e: {  	(v2sf) =	vpush v33, $0x7;
	_ =	sdelay $0x1  }
0x4f: {  	(v2sf) =	vpush v32, $0x7;
	_ =	sdelay $0x8  }
0x50: {  	s0 =	spop (v2sf)  }
0x51: {  	[tilespmem:s24], [sflag:$0x4] =	stream.strided.gather [hbm4b:s0+s12], $0x1000, s11, s12, $0x38;
	[tilespmem:$0x10600] =	vst v63  }
0x52: {  	s21 =	spop (v2sf)  }
0x53: {  	[tilespmem:s25], [sflag:$0x8] =	stream.strided.gather [hbm4b:s21+s12], $0x1000, s11, s12, $0x38;
	[tilespmem:$0x10600] =	vst v63  }
0x54: {  	s23 =	spop (v2sf)  }
0x55: {  	[tilespmem:s26], [sflag:$0x4] =	stream.strided.gather [hbm4b:s23+s12], $0x1000, s11, s12, $0x38;
	[tilespmem:$0x10600] =	vst v63  }
0x56: {  	s1 =	spop (v2sf)  }
0x57: {  	[tilespmem:s28], [sflag:$0x8] =	stream.strided.gather [hbm4b:s1+s12], $0x1000, s11, s12, $0x38;
	[tilespmem:$0x10600] =	vst v63  }
0x58: {  	_ =	swait.ge [sflag:s29], $0x1000  }
0x59: {  	[sflag:s29] =	ssyncset.done $0x0  }
0x5a: {  	[sflag:s29] =	ssyncadd.s32 $0xFFFFF000  }
0x5b: {  	_ =	swait.ge [sflag:s30], $0x1000  }
0x5c: {  	[sflag:s30] =	ssyncset.done $0x0  }
0x5d: {  	[sflag:s30] =	ssyncadd.s32 $0xFFFFF000  }
0x5e: {  	_ =	swait.ge [sflag:s29], $0x1000  }
0x5f: {  	[sflag:s29] =	ssyncset.done $0x0  }
0x60: {  	[sflag:s29] =	ssyncadd.s32 $0xFFFFF000  }
0x61: {  	_ =	swait.ge [sflag:s30], $0x1000  }
0x62: {  	(v2sf) =	vpush v33, $0x8  }
0x63: {  	v7 =	vand.u32 $0x7F, v6  }
0x64: {  	v9 =	vbroadcast v7, $0x0;
	(v2sf) =	vpush v32, $0x8  }
0x65: {  	v6 =	vand.u32 $0x7F, v8  }
0x66: {  	v8 =	vbroadcast v6, $0x0;
	v10 =	vor.u32 v0, v9;
	(v2sf) =	vpush v33, $0x9  }
0x67: {  	v9 =	vor.u32 v1, v9  }
0x68: {  	v12 =	vbroadcast v7, $0x1;
	v11 =	vor.u32 v0, v8;
	(v2sf) =	vpush v32, $0x9  }
0x69: {  	v13 =	vor.u32 v1, v8;
	[sflag:s30] =	ssyncset.done $0x0  }
0x6a: {  	v15 =	vbroadcast v6, $0x1;
	v16 =	vor.u32 v0, v12;
	[sflag:s30] =	ssyncadd.s32 $0xFFFFF000  }
0x6b: {  	v12 =	vor.u32 v1, v12;
	v8 =	vld.idx.msk [tilespmem:v10+s12+$0x0], $0xffff  }
0x6c: {  	v17 =	vor.u32 v0, v15;
	v9 =	vld.idx.msk [tilespmem:v9+s12+$0x0], $0xffff  }
0x6d: {  	v18 =	vor.u32 v1, v15;
	v14 =	vld.idx.msk [tilespmem:v11+s9+$0x0], $0xffff  }
0x6e: {  	v15 =	vld.idx.msk [tilespmem:v13+s9+$0x0], $0xffff  }
0x6f: {  	v10 =	vld.idx.msk [tilespmem:v16+s15+$0x0], $0xffff  }
0x70: {  	s1 =	simm.s32 $0x9400;
	v11 =	vld.idx.msk [tilespmem:v12+s15+$0x0], $0xffff  }
0x71: {  	v12 =	vld.idx.msk [tilespmem:v17+s1+$0x0], $0xffff;
	s7 =	spop (v2sf)  }
0x72: {  	v13 =	vld.idx.msk [tilespmem:v18+s1+$0x0], $0xffff;
	[tilespmem:s12], [sflag:$0x1] =	stream.strided.gather [hbm4b:s7+s12], $0x1000, s11, s12, $0x38  }
0x73: {  	s16 =	spop (v2sf)  }
0x74: {  	[tilespmem:s9], [sflag:$0x5] =	stream.strided.gather [hbm4b:s16+s12], $0x1000, s11, s12, $0x38;
	[tilespmem:$0x10600] =	vst v63  }
0x75: {  	s19 =	spop (v2sf)  }
0x76: {  	[tilespmem:s15], [sflag:$0x1] =	stream.strided.gather [hbm4b:s19+s12], $0x1000, s11, s12, $0x38;
	[tilespmem:$0x10600] =	vst v63  }
0x77: {  	s21 =	spop (v2sf)  }
0x78: {  	[tilespmem:s1], [sflag:$0x5] =	stream.strided.gather [hbm4b:s21+s12], $0x1000, s11, s12, $0x38;
	[tilespmem:$0x10600] =	vst v63  }
0x79: {  	_ =	swait.ge [sflag:s31], $0x1000  }
0x7a: {  	[sflag:s31] =	ssyncset.done $0x0  }
0x7b: {  	[sflag:s31] =	ssyncadd.s32 $0xFFFFF000  }
0x7c: {  	_ =	swait.ge [sflag:s2], $0x1000  }
0x7d: {  	[sflag:s2] =	ssyncset.done $0x0  }
0x7e: {  	[sflag:s2] =	ssyncadd.s32 $0xFFFFF000  }
0x7f: {  	_ =	swait.ge [sflag:s31], $0x1000  }
0x80: {  	[sflag:s31] =	ssyncset.done $0x0  }
0x81: {  	[sflag:s31] =	ssyncadd.s32 $0xFFFFF000  }
0x82: {  	_ =	swait.ge [sflag:s2], $0x1000  }
0x83: {  	(v2sf) =	vpush v33, $0xA;
	_ =	sdelay $0x1  }
0x84: {  	v53 =	vbroadcast v7, $0x2;
	(v2sf) =	vpush v32, $0xA;
	_ =	sdelay $0x1  }
0x85: {  	v54 =	vbroadcast v6, $0x2;
	v55 =	vor.u32 v0, v53;
	(v2sf) =	vpush v33, $0xB  }
0x86: {  	v16 =	vor.u32 v1, v53  }
0x87: {  	v20 =	vbroadcast v7, $0x3;
	v19 =	vor.u32 v0, v54;
	(v2sf) =	vpush v32, $0xB  }
0x88: {  	v21 =	vor.u32 v1, v54;
	[sflag:s2] =	ssyncset.done $0x0  }
0x89: {  	v22 =	vbroadcast v6, $0x3;
	v24 =	vor.u32 v0, v20;
	s19 =	simm.s32 $0x2400;
	[sflag:s2] =	ssyncadd.s32 $0xFFFFF000  }
0x8a: {  	v20 =	vor.u32 v1, v20;
	v17 =	vld.idx.msk [tilespmem:v55+s19+$0x0], $0xffff  }
0x8b: {  	v25 =	vor.u32 v0, v22;
	v16 =	vld.idx.msk [tilespmem:v16+s19+$0x0], $0xffff  }
0x8c: {  	v26 =	vor.u32 v1, v22;
	v23 =	vld.idx.msk [tilespmem:v19+s18+$0x0], $0xffff  }
0x8d: {  	s21 =	simm.s32 $0x3400;
	v22 =	vld.idx.msk [tilespmem:v21+s18+$0x0], $0xffff  }
0x8e: {  	v18 =	vld.idx.msk [tilespmem:v24+s21+$0x0], $0xffff  }
0x8f: {  	v19 =	vld.idx.msk [tilespmem:v20+s21+$0x0], $0xffff  }
0x90: {  	v20 =	vld.idx.msk [tilespmem:v25+s20+$0x0], $0xffff;
	s23 =	spop (v2sf)  }
0x91: {  	v21 =	vld.idx.msk [tilespmem:v26+s20+$0x0], $0xffff;
	[tilespmem:s19], [sflag:$0x2] =	stream.strided.gather [hbm4b:s23+s12], $0x1000, s11, s12, $0x38  }
0x92: {  	s7 =	spop (v2sf)  }
0x93: {  	[tilespmem:s18], [sflag:$0x6] =	stream.strided.gather [hbm4b:s7+s12], $0x1000, s11, s12, $0x38;
	[tilespmem:$0x10600] =	vst v63  }
0x94: {  	s16 =	spop (v2sf)  }
0x95: {  	[tilespmem:s21], [sflag:$0x2] =	stream.strided.gather [hbm4b:s16+s12], $0x1000, s11, s12, $0x38;
	[tilespmem:$0x10600] =	vst v63  }
0x96: {  	s23 =	spop (v2sf)  }
0x97: {  	[tilespmem:s20], [sflag:$0x6] =	stream.strided.gather [hbm4b:s23+s12], $0x1000, s11, s12, $0x38;
	[tilespmem:$0x10600] =	vst v63  }
0x98: {  	_ =	swait.ge [sflag:s4], $0x1000  }
0x99: {  	[sflag:s4] =	ssyncset.done $0x0  }
0x9a: {  	[sflag:s4] =	ssyncadd.s32 $0xFFFFF000  }
0x9b: {  	_ =	swait.ge [sflag:s10], $0x1000  }
0x9c: {  	[sflag:s10] =	ssyncset.done $0x0  }
0x9d: {  	[sflag:s10] =	ssyncadd.s32 $0xFFFFF000  }
0x9e: {  	_ =	swait.ge [sflag:s4], $0x1000  }
0x9f: {  	[sflag:s4] =	ssyncset.done $0x0  }
0xa0: {  	[sflag:s4] =	ssyncadd.s32 $0xFFFFF000  }
0xa1: {  	_ =	swait.ge [sflag:s10], $0x1000  }
0xa2: {  	(v2sf) =	vpush v33, $0xC;
	_ =	sdelay $0x1  }
0xa3: {  	v56 =	vbroadcast v7, $0x4;
	(v2sf) =	vpush v32, $0xC;
	_ =	sdelay $0x1  }
0xa4: {  	v57 =	vbroadcast v6, $0x4;
	v58 =	vor.u32 v0, v56;
	(v2sf) =	vpush v33, $0xD  }
0xa5: {  	v27 =	vor.u32 v1, v56  }
0xa6: {  	v29 =	vbroadcast v7, $0x5;
	v28 =	vor.u32 v0, v57;
	(v2sf) =	vpush v32, $0xD  }
0xa7: {  	v30 =	vor.u32 v1, v57;
	[sflag:s10] =	ssyncset.done $0x0  }
0xa8: {  	v31 =	vbroadcast v6, $0x5;
	v34 =	vor.u32 v0, v29;
	s23 =	simm.s32 $0x4400;
	[sflag:s10] =	ssyncadd.s32 $0xFFFFF000  }
0xa9: {  	v35 =	vor.u32 v1, v29;
	v24 =	vld.idx.msk [tilespmem:v58+s23+$0x0], $0xffff  }
0xaa: {  	v36 =	vor.u32 v0, v31;
	v25 =	vld.idx.msk [tilespmem:v27+s23+$0x0], $0xffff  }
0xab: {  	v31 =	vor.u32 v1, v31;
	v28 =	vld.idx.msk [tilespmem:v28+s22+$0x0], $0xffff  }
0xac: {  	s16 =	simm.s32 $0x5400;
	v29 =	vld.idx.msk [tilespmem:v30+s22+$0x0], $0xffff  }
0xad: {  	v26 =	vld.idx.msk [tilespmem:v34+s16+$0x0], $0xffff  }
0xae: {  	v27 =	vld.idx.msk [tilespmem:v35+s16+$0x0], $0xffff  }
0xaf: {  	v30 =	vld.idx.msk [tilespmem:v36+s17+$0x0], $0xffff;
	s7 =	spop (v2sf)  }
0xb0: {  	v31 =	vld.idx.msk [tilespmem:v31+s17+$0x0], $0xffff;
	[tilespmem:s23], [sflag:$0x3] =	stream.strided.gather [hbm4b:s7+s12], $0x1000, s11, s12, $0x38  }
0xb1: {  	s7 =	spop (v2sf)  }
0xb2: {  	[tilespmem:s22], [sflag:$0x7] =	stream.strided.gather [hbm4b:s7+s12], $0x1000, s11, s12, $0x38;
	[tilespmem:$0x10600] =	vst v63  }
0xb3: {  	s7 =	spop (v2sf)  }
0xb4: {  	[tilespmem:s16], [sflag:$0x3] =	stream.strided.gather [hbm4b:s7+s12], $0x1000, s11, s12, $0x38;
	[tilespmem:$0x10600] =	vst v63  }
0xb5: {  	s7 =	spop (v2sf)  }
0xb6: {  	[tilespmem:s17], [sflag:$0x7] =	stream.strided.gather [hbm4b:s7+s12], $0x1000, s11, s12, $0x38;
	[tilespmem:$0x10600] =	vst v63  }
0xb7: {  	_ =	swait.ge [sflag:s5], $0x1000  }
0xb8: {  	[sflag:s5] =	ssyncset.done $0x0  }
0xb9: {  	[sflag:s5] =	ssyncadd.s32 $0xFFFFF000  }
0xba: {  	_ =	swait.ge [sflag:s6], $0x1000  }
0xbb: {  	[sflag:s6] =	ssyncset.done $0x0  }
0xbc: {  	[sflag:s6] =	ssyncadd.s32 $0xFFFFF000  }
0xbd: {  	_ =	swait.ge [sflag:s5], $0x1000  }
0xbe: {  	[sflag:s5] =	ssyncset.done $0x0  }
0xbf: {  	[sflag:s5] =	ssyncadd.s32 $0xFFFFF000  }
0xc0: {  	_ =	swait.ge [sflag:s6], $0x1000  }
0xc1: {  	(v2sf) =	vpush v33, $0xE;
	_ =	sdelay $0x1  }
0xc2: {  	v59 =	vbroadcast v7, $0x6;
	(v2sf) =	vpush v32, $0xE  }
0xc3: {  	v60 =	vbroadcast v6, $0x6  }
0xc4: {  	v34 =	vor.u32 v1, v59;
	(v2sf) =	vpush v33, $0xF  }
0xc5: {  	v62 =	vbroadcast v7, $0x7;
	v37 =	vor.u32 v0, v60  }
0xc6: {  	v35 =	vor.u32 v1, v60;
	(v2sf) =	vpush v32, $0xF  }
0xc7: {  	v38 =	vbroadcast v6, $0x7;
	v39 =	vor.u32 v0, v62;
	[sflag:s6] =	ssyncset.done $0x0  }
0xc8: {  	v40 =	vor.u32 v1, v62;
	[sflag:s6] =	ssyncadd.s32 $0xFFFFF000  }
0xc9: {  	v41 =	vor.u32 v0, v38;
	v33 =	vld.idx.msk [tilespmem:v34+s24+$0x0], $0xffff  }
0xca: {  	v42 =	vor.u32 v1, v38;
	v36 =	vld.idx.msk [tilespmem:v37+s25+$0x0], $0xffff  }
0xcb: {  	v61 =	vor.u32 v0, v59;
	v37 =	vld.idx.msk [tilespmem:v35+s25+$0x0], $0xffff  }
0xcc: {  	v34 =	vld.idx.msk [tilespmem:v39+s26+$0x0], $0xffff  }
0xcd: {  	v35 =	vld.idx.msk [tilespmem:v40+s26+$0x0], $0xffff  }
0xce: {  	v38 =	vld.idx.msk [tilespmem:v41+s28+$0x0], $0xffff  }
0xcf: {  	v39 =	vld.idx.msk [tilespmem:v42+s28+$0x0], $0xffff;
	s7 =	spop (v2sf)  }
0xd0: {  	v32 =	vld.idx.msk [tilespmem:v61+s24+$0x0], $0xffff;
	[tilespmem:s24], [sflag:$0x4] =	stream.strided.gather [hbm4b:s7+s12], $0x1000, s11, s12, $0x38  }
0xd1: {  	s7 =	spop (v2sf)  }
0xd2: {  	[tilespmem:s25], [sflag:$0x8] =	stream.strided.gather [hbm4b:s7+s12], $0x1000, s11, s12, $0x38;
	[tilespmem:$0x10600] =	vst v63  }
0xd3: {  	s7 =	spop (v2sf)  }
0xd4: {  	[tilespmem:s26], [sflag:$0x4] =	stream.strided.gather [hbm4b:s7+s12], $0x1000, s11, s12, $0x38;
	[tilespmem:$0x10600] =	vst v63  }
0xd5: {  	s7 =	spop (v2sf)  }
0xd6: {  	[tilespmem:s28], [sflag:$0x8] =	stream.strided.gather [hbm4b:s7+s12], $0x1000, s11, s12, $0x38;
	[tilespmem:$0x10600] =	vst v63  }
0xd7: {  	_ =	swait.ge [sflag:s29], $0x1000  }
0xd8: {  	[sflag:s29] =	ssyncset.done $0x0  }
0xd9: {  	[sflag:s29] =	ssyncadd.s32 $0xFFFFF000  }
0xda: {  	_ =	swait.ge [sflag:s30], $0x1000  }
0xdb: {  	[sflag:s30] =	ssyncset.done $0x0  }
0xdc: {  	[sflag:s30] =	ssyncadd.s32 $0xFFFFF000  }
0xdd: {  	_ =	swait.ge [sflag:s29], $0x1000  }
0xde: {  	[sflag:s29] =	ssyncset.done $0x0  }
0xdf: {  	[sflag:s29] =	ssyncadd.s32 $0xFFFFF000  }
0xe0: {  	_ =	swait.ge [sflag:s30], $0x1000  }
0xe1: {  	p0 =	seq.s32 s8, $0x7C0;
	[sflag:s30] =	ssyncset.done $0x0  }
0xe2: {  	s0 =	sshra.s32 @!p0 s8, $0x2;
	[sflag:s30] =	ssyncadd.s32 $0xFFFFF000  }
0xe3: {  	v40 =	vld @!p0 [tilespmem:s0+$0x10];
	_ =	sdelay $0x1  }
0xe4: {  	v41 =	vld @!p0 [tilespmem:s0+$0x210];
	_ =	sdelay $0x2  }
0xe5: {  	v40 =	vand.u32 @!p0 $0xFFFFFF80, v40  }
0xe6: {  	v40 =	vadd.s32 @!p0 s13, v40  }
0xe7: {  	v41 =	vand.u32 @!p0 $0xFFFFFF80, v41;
	(v2sf) =	vpush @!p0 v40, $0x0  }
0xe8: {  	v47 =	vbroadcast v6, $0x9;
	v41 =	vadd.s32 @!p0 s14, v41  }
0xe9: {  	v63 =	vbroadcast v7, $0x8;
	(v2sf) =	vpush @!p0 v41, $0x0  }
0xea: {  	v43 =	vbroadcast v6, $0x8;
	v49 =	vor.u32 v0, v47;
	v47 =	vor.u32 v1, v47  }
0xeb: {  	v44 =	vor.u32 v0, v63;
	(v2sf) =	vpush @!p0 v40, $0x1  }
0xec: {  	v46 =	vbroadcast v7, $0x9;
	v45 =	vor.u32 v0, v43  }
0xed: {  	v43 =	vor.u32 v1, v43;
	(v2sf) =	vpush @!p0 v41, $0x1  }
0xee: {  	v48 =	vor.u32 v0, v46;
	v46 =	vor.u32 v1, v46  }
0xef: {  	v47 =	vld.idx.msk [tilespmem:v47+s1+$0x0], $0xffff  }
0xf0: {  	v42 =	vor.u32 v1, v63;
	v40 =	vld.idx.msk [tilespmem:v44+s12+$0x0], $0xffff  }
0xf1: {  	v44 =	vld.idx.msk [tilespmem:v45+s9+$0x0], $0xffff  }
0xf2: {  	v45 =	vld.idx.msk [tilespmem:v43+s9+$0x0], $0xffff  }
0xf3: {  	v43 =	vld.idx.msk [tilespmem:v46+s15+$0x0], $0xffff  }
0xf4: {  	v46 =	vld.idx.msk [tilespmem:v49+s1+$0x0], $0xffff  }
0xf5: {  	s7 =	simm.s32 @!p0 $0x400;
	v41 =	vld.idx.msk [tilespmem:v42+s12+$0x0], $0xffff  }
0xf6: {  	s9 =	simm.s32 @!p0 $0x7A1400;
	v42 =	vld.idx.msk [tilespmem:v48+s15+$0x0], $0xffff;
	s15 =	smov.u32 s14;
	s1 =	spop @!p0 (v2sf)  }
0xf7: {  	[tilespmem:s7], [sflag:$0x1] =	stream.strided.gather @!p0 [hbm4b:s1+s7], $0x1000, s9, s7, $0x38;
	[tilespmem:$0x10600] =	vst v63  }
0xf8: {  	s14 =	smov.u32 s13;
	s13 =	simm.s32 @!p0 $0x8400;
	s1 =	spop @!p0 (v2sf)  }
0xf9: {  	[tilespmem:s13], [sflag:$0x5] =	stream.strided.gather @!p0 [hbm4b:s1+s7], $0x1000, s9, s7, $0x38;
	[tilespmem:$0x10600] =	vst v63  }
0xfa: {  	s1 =	spop @!p0 (v2sf);
	s13 =	simm.s32 @!p0 $0x1400  }
0xfb: {  	[tilespmem:s13], [sflag:$0x1] =	stream.strided.gather @!p0 [hbm4b:s1+s7], $0x1000, s9, s7, $0x38;
	[tilespmem:$0x10600] =	vst v63  }
0xfc: {  	s1 =	spop @!p0 (v2sf);
	s13 =	simm.s32 @!p0 $0x9400  }
0xfd: {  	[tilespmem:s13], [sflag:$0x5] =	stream.strided.gather @!p0 [hbm4b:s1+s7], $0x1000, s9, s7, $0x38;
	[tilespmem:$0x10600] =	vst v63  }
0xfe: {  	_ =	swait.ge [sflag:s31], $0x1000  }
0xff: {  	[sflag:s31] =	ssyncset.done $0x0  }
0x100: {  	[sflag:s31] =	ssyncadd.s32 $0xFFFFF000  }
0x101: {  	_ =	swait.ge [sflag:s2], $0x1000  }
0x102: {  	[sflag:s2] =	ssyncset.done $0x0  }
0x103: {  	[sflag:s2] =	ssyncadd.s32 $0xFFFFF000  }
0x104: {  	_ =	swait.ge [sflag:s31], $0x1000  }
0x105: {  	[sflag:s31] =	ssyncset.done $0x0  }
0x106: {  	[sflag:s31] =	ssyncadd.s32 $0xFFFFF000  }
0x107: {  	_ =	swait.ge [sflag:s2], $0x1000  }
0x108: {  	[sflag:s2] =	ssyncset.done $0x0  }
0x109: {  	[sflag:s2] =	ssyncadd.s32 $0xFFFFF000  }
0x10a: {  	v48 =	vld @!p0 [tilespmem:s0+$0x10];
	_ =	sdelay $0x1  }
0x10b: {  	v49 =	vld @!p0 [tilespmem:s0+$0x210];
	_ =	sdelay $0x2  }
0x10c: {  	v48 =	vand.u32 @!p0 $0xFFFFFF80, v48  }
0x10d: {  	v48 =	vadd.s32 @!p0 s14, v48  }
0x10e: {  	v49 =	vand.u32 @!p0 $0xFFFFFF80, v49;
	(v2sf) =	vpush @!p0 v48, $0x2  }
0x10f: {  	v49 =	vadd.s32 @!p0 s15, v49  }
0x110: {  	v55 =	vbroadcast v6, $0xB;
	(v2sf) =	vpush @!p0 v49, $0x2  }
0x111: {  	v50 =	vbroadcast v7, $0xA;
	v51 =	vbroadcast v6, $0xA  }
0x112: {  	v57 =	vor.u32 v0, v55;
	v55 =	vor.u32 v1, v55;
	(v2sf) =	vpush @!p0 v48, $0x3  }
0x113: {  	v52 =	vor.u32 v0, v50  }
0x114: {  	v54 =	vbroadcast v7, $0xB;
	v53 =	vor.u32 v0, v51;
	(v2sf) =	vpush @!p0 v49, $0x3  }
0x115: {  	v51 =	vor.u32 v1, v51  }
0x116: {  	v56 =	vor.u32 v0, v54;
	v54 =	vor.u32 v1, v54  }
0x117: {  	v55 =	vld.idx.msk [tilespmem:v55+s20+$0x0], $0xffff  }
0x118: {  	v50 =	vor.u32 v1, v50;
	v48 =	vld.idx.msk [tilespmem:v52+s19+$0x0], $0xffff  }
0x119: {  	v52 =	vld.idx.msk [tilespmem:v53+s18+$0x0], $0xffff  }
0x11a: {  	v53 =	vld.idx.msk [tilespmem:v51+s18+$0x0], $0xffff  }
0x11b: {  	v51 =	vld.idx.msk [tilespmem:v54+s21+$0x0], $0xffff  }
0x11c: {  	v54 =	vld.idx.msk [tilespmem:v57+s20+$0x0], $0xffff  }
0x11d: {  	s13 =	simm.s32 @!p0 $0x2400;
	v49 =	vld.idx.msk [tilespmem:v50+s19+$0x0], $0xffff;
	s1 =	spop @!p0 (v2sf)  }
0x11e: {  	v50 =	vld.idx.msk [tilespmem:v56+s21+$0x0], $0xffff;
	[tilespmem:s13], [sflag:$0x2] =	stream.strided.gather @!p0 [hbm4b:s1+s7], $0x1000, s9, s7, $0x38  }
0x11f: {  	s1 =	spop @!p0 (v2sf);
	s13 =	simm.s32 @!p0 $0xA400  }
0x120: {  	[tilespmem:s13], [sflag:$0x6] =	stream.strided.gather @!p0 [hbm4b:s1+s7], $0x1000, s9, s7, $0x38;
	[tilespmem:$0x10600] =	vst v63  }
0x121: {  	s1 =	spop @!p0 (v2sf);
	s13 =	simm.s32 @!p0 $0x3400  }
0x122: {  	[tilespmem:s13], [sflag:$0x2] =	stream.strided.gather @!p0 [hbm4b:s1+s7], $0x1000, s9, s7, $0x38;
	[tilespmem:$0x10600] =	vst v63  }
0x123: {  	s1 =	spop @!p0 (v2sf);
	s13 =	simm.s32 @!p0 $0xB400  }
0x124: {  	[tilespmem:s13], [sflag:$0x6] =	stream.strided.gather @!p0 [hbm4b:s1+s7], $0x1000, s9, s7, $0x38;
	[tilespmem:$0x10600] =	vst v63  }
0x125: {  	_ =	swait.ge [sflag:s4], $0x1000  }
0x126: {  	[sflag:s4] =	ssyncset.done $0x0  }
0x127: {  	[sflag:s4] =	ssyncadd.s32 $0xFFFFF000  }
0x128: {  	_ =	swait.ge [sflag:s10], $0x1000  }
0x129: {  	[sflag:s10] =	ssyncset.done $0x0  }
0x12a: {  	[sflag:s10] =	ssyncadd.s32 $0xFFFFF000  }
0x12b: {  	_ =	swait.ge [sflag:s4], $0x1000  }
0x12c: {  	[sflag:s4] =	ssyncset.done $0x0  }
0x12d: {  	[sflag:s4] =	ssyncadd.s32 $0xFFFFF000  }
0x12e: {  	_ =	swait.ge [sflag:s10], $0x1000  }
0x12f: {  	[sflag:s10] =	ssyncset.done $0x0  }
0x130: {  	[sflag:s10] =	ssyncadd.s32 $0xFFFFF000  }
0x131: {  	v56 =	vld @!p0 [tilespmem:s0+$0x10];
	_ =	sdelay $0x1  }
0x132: {  	v57 =	vld @!p0 [tilespmem:s0+$0x210];
	_ =	sdelay $0x2  }
0x133: {  	s13 =	smov.u32 s14;
	v56 =	vand.u32 @!p0 $0xFFFFFF80, v56  }
0x134: {  	v56 =	vadd.s32 @!p0 s13, v56  }
0x135: {  	s14 =	smov.u32 s15;
	v57 =	vand.u32 @!p0 $0xFFFFFF80, v57;
	(v2sf) =	vpush @!p0 v56, $0x4  }
0x136: {  	v57 =	vadd.s32 @!p0 s14, v57  }
0x137: {  	v58 =	vbroadcast v7, $0xC;
	(v2sf) =	vpush @!p0 v57, $0x4;
	_ =	sdelay $0x1  }
0x138: {  	v60 =	vor.u32 v0, v58;
	v61 =	vbroadcast v7, $0xD;
	(v2sf) =	vpush @!p0 v56, $0x5  }
0x139: {  	v58 =	vor.u32 v1, v58  }
0x13a: {  	v59 =	vbroadcast v6, $0xC;
	v62 =	vor.u32 v0, v61;
	(v2sf) =	vpush @!p0 v57, $0x5  }
0x13b: {  	v61 =	vor.u32 v1, v61  }
0x13c: {  	v56 =	vor.u32 v0, v59;
	v57 =	vbroadcast v6, $0xD  }
0x13d: {  	v60 =	vld.idx.msk [tilespmem:v60+s23+$0x0], $0xffff;
	v59 =	vor.u32 v1, v59  }
0x13e: {  	v58 =	vld.idx.msk [tilespmem:v58+s23+$0x0], $0xffff;
	v63 =	vor.u32 v0, v57  }
0x13f: {  	v62 =	vld.idx.msk [tilespmem:v62+s16+$0x0], $0xffff;
	v57 =	vor.u32 v1, v57  }
0x140: {  	v61 =	vld.idx.msk [tilespmem:v61+s16+$0x0], $0xffff  }
0x141: {  	v56 =	vld.idx.msk [tilespmem:v56+s22+$0x0], $0xffff  }
0x142: {  	v59 =	vld.idx.msk [tilespmem:v59+s22+$0x0], $0xffff  }
0x143: {  	s1 =	simm.s32 @!p0 $0x4400;
	v63 =	vld.idx.msk [tilespmem:v63+s17+$0x0], $0xffff;
	s0 =	spop @!p0 (v2sf)  }
0x144: {  	v57 =	vld.idx.msk [tilespmem:v57+s17+$0x0], $0xffff;
	[tilespmem:s1], [sflag:$0x3] =	stream.strided.gather @!p0 [hbm4b:s0+s7], $0x1000, s9, s7, $0x38  }
0x145: {  	s0 =	spop @!p0 (v2sf);
	s1 =	simm.s32 @!p0 $0xC400  }
0x146: {  	[tilespmem:s1], [sflag:$0x7] =	stream.strided.gather @!p0 [hbm4b:s0+s7], $0x1000, s9, s7, $0x38;
	[tilespmem:$0x10600] =	vst v63  }
0x147: {  	v5 =	vbroadcast v7, $0xE;
	v8 =	vmul.f32 v14, v8;
	s0 =	spop @!p0 (v2sf);
	s1 =	simm.s32 @!p0 $0x5400  }
0x148: {  	v9 =	vmul.f32 v15, v9;
	v14 =	vbroadcast v6, $0xE;
	[tilespmem:s1], [sflag:$0x3] =	stream.strided.gather @!p0 [hbm4b:s0+s7], $0x1000, s9, s7, $0x38;
	[tilespmem:$0x10600] =	vst v63  }
0x149: {  	v15 =	vor.u32 v0, v5;
	v10 =	vmul.f32 v12, v10;
	v11 =	vmul.f32 v13, v11;
	s0 =	spop @!p0 (v2sf);
	s1 =	simm.s32 @!p0 $0xD400  }
0x14a: {  	v5 =	vor.u32 v1, v5;
	v8 =	vadd.f32 v9, v8;
	v9 =	vor.u32 v0, v14;
	[tilespmem:s1], [sflag:$0x7] =	stream.strided.gather @!p0 [hbm4b:s0+s7], $0x1000, s9, s7, $0x38;
	[tilespmem:$0x10600] =	vst v63  }
0x14b: {  	v10 =	vadd.f32 v11, v10;
	v11 =	vmul.f32 v23, v17;
	v13 =	vmul.f32 v22, v16;
	_ =	swait.ge [sflag:s5], $0x1000  }
0x14c: {  	v12 =	vor.u32 v1, v14;
	v16 =	vmul.f32 v20, v18;
	v17 =	vmul.f32 v21, v19;
	[sflag:s5] =	ssyncset.done $0x0  }
0x14d: {  	v11 =	vadd.f32 v13, v11;
	v30 =	vmul.f32 v30, v26;
	v31 =	vmul.f32 v31, v27;
	[sflag:s5] =	ssyncadd.s32 $0xFFFFF000  }
0x14e: {  	v16 =	vadd.f32 v17, v16;
	v18 =	vmul.f32 v28, v24;
	v28 =	vmul.f32 v29, v25;
	_ =	swait.ge [sflag:s6], $0x1000  }
0x14f: {  	v21 =	vadd.f32 v31, v30;
	v30 =	vperm.xlane v10, v2;
	v31 =	vperm.xlane v11, v2;
	[sflag:s6] =	ssyncset.done $0x0  }
0x150: {  	v18 =	vadd.f32 v28, v18;
	v7 =	vbroadcast v7, $0xF;
	v37 =	vmul.f32 v37, v33;
	[sflag:s6] =	ssyncadd.s32 $0xFFFFF000  }
0x151: {  	v11 =	vadd.f32 v31, v11;
	v38 =	vmul.f32 v38, v34;
	v39 =	vmul.f32 v39, v35;
	_ =	swait.ge [sflag:s5], $0x1000  }
0x152: {  	v14 =	vor.u32 v0, v7;
	v36 =	vmul.f32 v36, v32;
	v32 =	vperm.xlane v16, v2;
	[sflag:s5] =	ssyncset.done $0x0  }
0x153: {  	v7 =	vor.u32 v1, v7;
	v33 =	vperm.xlane v18, v2;
	v17 =	vadd.f32 v39, v38;
	[sflag:s5] =	ssyncadd.s32 $0xFFFFF000  }
0x154: {  	v34 =	vperm.xlane v21, v2;
	v13 =	vadd.f32 v37, v36;
	v35 =	vadd.f32 v32, v16;
	_ =	swait.ge [sflag:s6], $0x1000  }
0x155: {  	v36 =	vadd.f32 v33, v18;
	v47 =	vmul.f32 v47, v43;
	v46 =	vmul.f32 v46, v42;
	[sflag:s6] =	ssyncset.done $0x0  }
0x156: {  	v37 =	vadd.f32 v34, v21;
	v38 =	vperm.xlane v13, v2;
	v6 =	vbroadcast v6, $0xF;
	[sflag:s6] =	ssyncadd.s32 $0xFFFFF000  }
0x157: {  	v39 =	vperm.xlane v17, v2;
	v11 =	vsel vm0, v11, v35;
	v22 =	vadd.f32 v47, v46;
	v15 =	vld.idx.msk [tilespmem:v15+s24+$0x0], $0xffff  }
0x158: {  	v13 =	vadd.f32 v38, v13;
	v44 =	vmul.f32 v44, v40;
	v29 =	vor.u32 v0, v6;
	v5 =	vld.idx.msk [tilespmem:v5+s24+$0x0], $0xffff  }
0x159: {  	v45 =	vmul.f32 v45, v41;
	v41 =	vperm.xlane v22, v2;
	v6 =	vor.u32 v1, v6;
	v9 =	vld.idx.msk [tilespmem:v9+s25+$0x0], $0xffff  }
0x15a: {  	v42 =	vadd.f32 v39, v17;
	v52 =	vmul.f32 v52, v48;
	v55 =	vmul.f32 v55, v51;
	v12 =	vld.idx.msk [tilespmem:v12+s25+$0x0], $0xffff  }
0x15b: {  	v19 =	vadd.f32 v45, v44;
	v53 =	vmul.f32 v53, v49;
	v56 =	vmul.f32 v56, v60;
	v14 =	vld.idx.msk [tilespmem:v14+s26+$0x0], $0xffff  }
0x15c: {  	v13 =	vsel vm0, v13, v42;
	v60 =	vmul.f32 v63, v62;
	v62 =	vmul.f32 v57, v61;
	v7 =	vld.idx.msk [tilespmem:v7+s26+$0x0], $0xffff  }
0x15d: {  	v54 =	vmul.f32 v54, v50;
	v23 =	vadd.f32 v53, v52;
	v52 =	vperm.xlane v11, v3;
	v20 =	vld.idx.msk [tilespmem:v29+s28+$0x0], $0xffff  }
0x15e: {  	v44 =	vadd.f32 v41, v22;
	v53 =	vperm.xlane v13, v3;
	v28 =	vadd.f32 v62, v60;
	v6 =	vld.idx.msk [tilespmem:v6+s28+$0x0], $0xffff  }
0x15f: {  	v43 =	vperm.xlane v23, v2;
	v11 =	vadd.f32 v52, v11;
	v63 =	vadd.f32 v55, v54  }
0x160: {  	v13 =	vadd.f32 v53, v13;
	v59 =	vmul.f32 v59, v58;
	v47 =	vperm.xlane v28, v2  }
0x161: {  	v16 =	vadd.f32 v43, v23;
	v45 =	vperm.xlane v63, v2;
	v29 =	vperm.xlane v8, v2  }
0x162: {  	v50 =	vadd.f32 v47, v28;
	v9 =	vmul.f32 v9, v15;
	v5 =	vmul.f32 v12, v5  }
0x163: {  	v14 =	vmul.f32 v20, v14;
	v6 =	vmul.f32 v6, v7;
	v12 =	vadd.f32 v45, v63  }
0x164: {  	v40 =	vperm.xlane v19, v2;
	v8 =	vadd.f32 v29, v8;
	v7 =	vadd.f32 v59, v56  }
0x165: {  	v5 =	vadd.f32 v5, v9;
	v6 =	vadd.f32 v6, v14;
	v12 =	vsel vm0, v16, v12  }
0x166: {  	v9 =	vadd.f32 v30, v10;
	v46 =	vperm.xlane v7, v2;
	v55 =	vperm.xlane v12, v3  }
0x167: {  	v10 =	vadd.f32 v40, v19;
	v48 =	vperm.xlane v5, v2;
	v49 =	vperm.xlane v6, v2  }
0x168: {  	v8 =	vsel vm0, v8, v9;
	v9 =	vsel vm0, v36, v37;
	v7 =	vadd.f32 v46, v7  }
0x169: {  	v10 =	vsel vm0, v10, v44;
	v5 =	vadd.f32 v48, v5;
	v6 =	vadd.f32 v49, v6  }
0x16a: {  	v51 =	vperm.xlane v8, v3;
	v54 =	vperm.xlane v10, v3;
	v58 =	vadd.f32 v55, v12  }
0x16b: {  	v7 =	vsel vm0, v7, v50;
	v5 =	vsel vm0, v5, v6;
	v6 =	vperm.xlane v9, v3  }
0x16c: {  	v8 =	vadd.f32 v51, v8;
	v56 =	vperm.xlane v7, v3;
	v57 =	vperm.xlane v5, v3  }
0x16d: {  	v6 =	vadd.f32 v6, v9;
	v9 =	vadd.f32 v54, v10  }
0x16e: {  	v7 =	vadd.f32 v56, v7;
	v5 =	vadd.f32 v57, v5  }
0x16f: {  	v8 =	vsel vm1, v8, v11;
	v6 =	vsel vm1, v6, v13;
	v9 =	vsel vm1, v9, v58  }
0x170: {  	v5 =	vsel vm1, v7, v5;
	v7 =	vperm.xlane v8, v4;
	v59 =	vperm.xlane v6, v4  }
0x171: {  	v63 =	vld [tilespmem:$0x1FFF0];
	v60 =	vperm.xlane v9, v4;
	v61 =	vperm.xlane v5, v4  }
0x172: {  	v7 =	vadd.f32 v7, v8;
	v6 =	vadd.f32 v59, v6  }
0x173: {  	v62 =	vadd.f32 v60, v9;
	v5 =	vadd.f32 v61, v5;
	_ =	sdelay $0x1  }
0x174: {  	s8 =	sadd.s32 $0x40, s8;
	v6 =	vsel vm2, v7, v6;
	v5 =	vsel vm2, v62, v5  }
0x175: {  	p0 =	sne.s32 s8, $0x800;
	v7 =	vperm.xlane v6, v63;
	v8 =	vperm.xlane v5, v63  }
.Ltmp0:
0x176: {  	_ = 	snop;
	(pc) =	sbr.rel @p0 .LBB2_2-.Ltmp0, $3  }
0x177: {  	v6 =	vadd.f32 v7, v6;
	v5 =	vadd.f32 v8, v5;
	_ =	sdelay $0x1  }
0x178: {  	v5 =	vsel vm3, v6, v5  }
0x179: {  	s15 =	simm.s32 $0x1400;
	s9 =	simm.s32 $0x8400;
	[tilespmem:s3+$0x10400] =	vst v5  }
0x17a: {  	s1 =	simm.s32 $0x0;
	s0 =	rddreg [dreg:$0x8];
	s3 =	simm.s32 $0x10400  }
0x17b: {  	[hbm4b:s0+s1] =	stream.linear.scatter [tilespmem:s3], [sflag:$0x9], $0x200, $0x38;
	[tilespmem:$0x10600] =	vst v63  }
0x17c: {  	s3 =	simm.s32 $0x9  }
0x17d: {  	_ =	swait.ge [sflag:s3], $0x200  }
0x17e: {  	s7 =	rddreg [dreg:$0xa]  }
0x17f: {  	s23 =	rddreg [dreg:$0x9];
	s7 =	sadd.s32 $0x1, s7  }
0x180: {  	p0 =	sne.s32 s7, s23  }
.Ltmp1:
0x181: {  	_ = 	snop;
	(pc) =	sbr.rel @p0 .LBB2_1-.Ltmp1, $4  }
0x182: {  	s8 =	simm.s32 $0x9400;
	s16 =	simm.s32 $0x2400  }
0x183: {  	s17 =	simm.s32 $0xA400;
	s18 =	simm.s32 $0x3400;
	s19 =	simm.s32 $0xB400  }
0x184: {  	s20 =	simm.s32 $0x4400;
	s21 =	simm.s32 $0xC400;
	[sflag:s3] =	ssyncset.done $0x0  }
0x185: {  	s22 =	simm.s32 $0x5400;
	[sflag:s3] =	ssyncadd.s32 $0xFFFFFE00;
	s23 =	simm.s32 $0xD400  }
0x186: {  	_ =	sfence.sel $0x180000  }
0x187: {  	[bflag:$0x0] =	sbarrier.arrive $0xFFFF  }
0x188: {  	_ =	strace $0x90000047  }
0x189: {  	s0 =	stileid.u32;
	[bflag:$0x2] =	sbarrier.arrive $0xFFFF  }
0x18a: {  	p0 =	sne.s32 s0, $0x0;
	s0 =	rddreg [dreg:$0x5]  }
0x18b: {  	s0 =	sadd.s32 @!p0 $0x100000, s0  }
0x18c: {  	[sflag:s0] =	ssyncadd.tile.s32 @!p0 $0x1;
	_ =	shalt  }
.Lfunc_end2:
_tile_overlayer_lowered:
.L_overlay_start_2:
0x18d: {  	(tag) =	ssettag $0x2  }
0x18e: {  	s0 =	rddreg [dreg:$0x0];
	s2 =	stileid.u32  }
0x18f: {  	s1 =	rddreg [dreg:$0x1];
	p0 =	sne.s32 s2, $0x0  }
0x190: {  	s3 =	rddreg [dreg:$0x2];
	[bflag:$0x3] =	sbarrier.arrive $0xFFFF;
	s2 =	simm.s32 @!p0 $0x1C09  }
0x191: {  	[timem:s3], [sflag:s2] =	dma.local @!p0 [hbm:s0], s1  }
0x192: {  	s0 =	simm.s32 @!p0 $0x9  }
0x193: {  	_ =	swait.ge @!p0 [sflag:s0], s1  }
0x194: {  	s1 =	ssub.s32 @!p0 $0x0, s1;
	[sflag:s0] =	ssyncset.done @!p0 $0x0  }
0x195: {  	[sflag:s0] =	ssyncadd.s32 @!p0 s1  }
0x196: {  	[bflag:$0x3] =	sbarrier.arrive $0xFFFF  }
0x197: {  	_ =	shalt  }

</sc_bundles>
